<compile_context>
chip_gen: v7x
topology: tpu7x:2x2x1
jax: 0.10.2.dev20260603
libtpu: 0.0.44.dev20260713+nightly
codegen_flags: <defaults>
</compile_context>

<pallas_src>
import functools

import jax
import jax.numpy as jnp
from jax import lax
from jax.experimental import pallas as pl
from jax.experimental.pallas import tpu as pltpu
from jax.experimental.pallas import tpu_sc as plsc

_B = 2
_C = 96
_H = 224
_W = 224
_L = _H * _W
_NP = _B * _C
_NW = 32
_PPW = _NP // _NW
_R = 16
_NCH = _H // _R
_CHW = _R * _W
_GRD = 8
_SROW = _GRD + _CHW + _GRD
_GPR = _W // 16

_mesh = plsc.VectorSubcoreMesh(core_axis_name="c", subcore_axis_name="s")


@functools.partial(
    pl.kernel,
    mesh=_mesh,
    out_type=jax.ShapeDtypeStruct((_NP * _L,), jnp.float32),
    scratch_types=[
        pltpu.VMEM((9 * _SROW,), jnp.float32),
        pltpu.VMEM((_CHW,), jnp.float32),
        pltpu.SemaphoreType.DMA,
    ],
)
def _fold(x_hbm, out_hbm, stage, outbuf, sem):
    cid = lax.axis_index("c")
    sid = lax.axis_index("s")
    wid = sid * 2 + cid

    zero16 = jnp.zeros((16,), jnp.float32)
    lane = lax.iota(jnp.int32, 16)
    m_lane0 = lane == 0
    m_lane15 = lane == 15

    def plane_body(pi, carry):
        plane = wid * _PPW + pi
        pbase = plane * (9 * _L)

        def chunk_body(ci, carry):
            h0 = ci * _R
            copies = []
            for s in range(9):
                kh = s // 3
                src = pbase + s * _L + (h0 + 1 - kh) * _W
                copies.append(
                    pltpu.async_copy(
                        x_hbm.at[pl.ds(src, _CHW)],
                        stage.at[pl.ds(s * _SROW + _GRD, _CHW)],
                        sem,
                    )
                )
            for cp in copies:
                cp.wait()

            @pl.when(ci == 0)
            def _():
                for s in (6, 7, 8):
                    for g in range(_GPR):
                        stage[pl.ds(s * _SROW + _GRD + 16 * g, 16)] = zero16

            @pl.when(ci == _NCH - 1)
            def _():
                for s in (0, 1, 2):
                    base = _GRD + (_R - 1) * _W
                    for g in range(_GPR):
                        stage[pl.ds(s * _SROW + base + 16 * g, 16)] = zero16

            def row_body(r, carry):
                off = _GRD + r * _W
                for g in range(_GPR):
                    o = off + 16 * g
                    acc = stage[pl.ds(1 * _SROW + o, 16)]
                    acc = acc + stage[pl.ds(4 * _SROW + o, 16)]
                    acc = acc + stage[pl.ds(7 * _SROW + o, 16)]
                    for s in (0, 3, 6):
                        v = stage[pl.ds(s * _SROW + o + 1, 16)]
                        if g == _GPR - 1:
                            v = jnp.where(m_lane15, 0.0, v)
                        acc = acc + v
                    for s in (2, 5, 8):
                        v = stage[pl.ds(s * _SROW + o - 1, 16)]
                        if g == 0:
                            v = jnp.where(m_lane0, 0.0, v)
                        acc = acc + v
                    outbuf[pl.ds(r * _W + 16 * g, 16)] = acc
                return carry

            lax.fori_loop(0, _R, row_body, None)
            pltpu.sync_copy(outbuf, out_hbm.at[pl.ds(plane * _L + h0 * _W, _CHW)])
            return carry

        lax.fori_loop(0, _NCH, chunk_body, None)
        return carry

    lax.fori_loop(0, _PPW, plane_body, None)


def kernel(input):
    x = input.reshape(-1)
    out = _fold(x)
    return out.reshape(_B, _C, _H, _W)

# --- scband reference (transcript-rebuilt; emitter-appended) ---
"""Pipeline reference for scband-fold-nd-60782377173029 (READ-ONLY COPY).

The authoritative reference and input builder live on the scoring server;
editing this copy changes nothing except your own understanding.
"""

import jax, jax.numpy as jnp
import numpy as np

B = 2
C = 96
K = 3
S = 1
D = 1
P = 1
H = 224
W = 224
Hp = H + 2 * P
Wp = W + 2 * P
Lh = (Hp - D * (K - 1) - 1) // S + 1
Lw = (Wp - D * (K - 1) - 1) // S + 1
L = Lh * Lw


def _fold_idx():
    # Mirrors unfoldNd applied to an arange index tensor over the padded output.
    # Order: kernel positions (kh, kw) major, block locations (oh, ow) minor,
    # matching torch unfold's (C*k*k, L) layout after the channel split.
    kh = np.arange(K).reshape(K, 1, 1, 1)
    kw = np.arange(K).reshape(1, K, 1, 1)
    oh = np.arange(Lh).reshape(1, 1, Lh, 1)
    ow = np.arange(Lw).reshape(1, 1, 1, Lw)
    rows = kh * D + oh * S
    cols = kw * D + ow * S
    idx = rows * Wp + cols  # (K, K, Lh, Lw)
    return jnp.asarray(idx.reshape(-1), dtype=jnp.int32)


def setup_inputs(seed: int = 0) -> dict:
    key = jax.random.key(seed)
    x = jax.random.normal(key, (B, C * K * K, L), dtype=jnp.float32)
    return {"input": x}


def reference(input):
    idx = _fold_idx()  # (K*K*L,)
    x = input.reshape(B, C, K * K * L)
    Pn = Hp * Wp
    out = jnp.zeros((B, C, Pn), dtype=input.dtype)
    out = out.at[:, :, idx].add(x)  # scatter-add, duplicate indices accumulate
    out = out.reshape(B, C, Hp, Wp)
    # narrow away the padding
    return out[:, :, P:P + H, P:P + W]

if __name__ == "__main__":
    import jax
    _d = setup_inputs()
    print(jax.jit(kernel)(*tuple(_d.values())))

</pallas_src>

<mosaic_0001>
#map = affine_map<(d0, d1) -> (0)>
module attributes {stable_mosaic.version = 14 : i64} {
  func.func @_fold(%arg0: i32, %arg1: i32, %arg2: memref<86704128xf32, #tpu.memory_space<hbm>>, %arg3: memref<9633792xf32, #tpu.memory_space<hbm>>, %arg4: memref<32400xf32, #tpu.memory_space<vmem>>, %arg5: memref<3584xf32, #tpu.memory_space<vmem>>, %arg6: memref<!tpu.dma_semaphore, #tpu.memory_space<semaphore_mem>>) attributes {dimension_semantics = [#tpu.dimension_semantics<core_parallel>, #tpu.dimension_semantics<subcore_parallel>], iteration_bounds = array<i64: 2, 16>, scalar_prefetch = 0 : i64, scratch_operands = 3 : i64, tpu.core_type = #tpu.core_type<sc_vector_subcore>, window_params = [{transform_indices = #map}, {transform_indices = #map}]} {
    %mul3A = arith.constant 2 : i32
    %mul3A_0 = arith.muli %arg1, %mul3A : i32
    %add3A = arith.addi %mul3A_0, %arg0 : i32
    %broadcast_in_dim3A = arith.constant 0.000000e+00 : f32
    %broadcast_in_dim3A_1 = vector.broadcast %broadcast_in_dim3A : f32 to vector<16xf32>
    %iota3A = tpu.iota {dimensions = array<i32: 0>} : vector<16xi32>
    %eq3A = arith.constant 0 : i32
    %eq3A_2 = vector.broadcast %eq3A : i32 to vector<16xi32>
    %eq3A_3 = arith.cmpi eq, %iota3A, %eq3A_2 : vector<16xi32>
    %eq3A_4 = arith.constant 15 : i32
    %eq3A_5 = vector.broadcast %eq3A_4 : i32 to vector<16xi32>
    %eq3A_6 = arith.cmpi eq, %iota3A, %eq3A_5 : vector<16xi32>
    %scan3A = arith.constant 0 : i32
    %scan3A_7 = arith.constant 6 : i32
    %scan3A_8 = arith.addi %scan3A, %scan3A_7 : i32
    %scan3A_9 = arith.constant 1 : i32
    scf.for %scan3A_11 = %scan3A to %scan3A_8 step %scan3A_9  : i32 {
      %mul3A_12 = arith.constant 6 : i32
      %mul3A_13 = arith.muli %add3A, %mul3A_12 : i32
      %add3A_14 = arith.addi %mul3A_13, %scan3A_11 : i32
      %mul3A_15 = arith.constant 451584 : i32
      %mul3A_16 = arith.muli %add3A_14, %mul3A_15 : i32
      %scan3A_17 = arith.constant 0 : i32
      %scan3A_18 = arith.constant 14 : i32
      %scan3A_19 = arith.addi %scan3A_17, %scan3A_18 : i32
      %scan3A_20 = arith.constant 1 : i32
      scf.for %scan3A_22 = %scan3A_17 to %scan3A_19 step %scan3A_20  : i32 {
        %mul3A_23 = arith.constant 16 : i32
        %mul3A_24 = arith.muli %scan3A_22, %mul3A_23 : i32
        %add3A_25 = arith.constant 0 : i32
        %add3A_26 = arith.addi %mul3A_16, %add3A_25 : i32
        %add3A_27 = arith.constant 1 : i32
        %add3A_28 = arith.addi %mul3A_24, %add3A_27 : i32
        %sub3A = arith.constant 0 : i32
        %sub3A_29 = arith.subi %add3A_28, %sub3A : i32
        %mul3A_30 = arith.constant 224 : i32
        %mul3A_31 = arith.muli %sub3A_29, %mul3A_30 : i32
        %add3A_32 = arith.addi %add3A_26, %mul3A_31 : i32
        %dma_start3A = arith.constant 8 : i32
        %dma_start3A_33 = tpu.memref_slice %arg4[%dma_start3A] : memref<32400xf32, #tpu.memory_space<vmem>> -> memref<3584xf32, #tpu.memory_space<vmem>>
        %dma_start3A_34 = tpu.memref_slice %arg2[%add3A_32] : memref<86704128xf32, #tpu.memory_space<hbm>> -> memref<3584xf32, #tpu.memory_space<hbm>>
        %dma_start3A_35 = arith.constant 8 : i32
        %dma_start3A_36 = tpu.memref_slice %arg4[%dma_start3A_35] : memref<32400xf32, #tpu.memory_space<vmem>> -> memref<3584xf32, #tpu.memory_space<vmem>>
        %dma_start3A_37 = tpu.memref_slice %arg2[%add3A_32] : memref<86704128xf32, #tpu.memory_space<hbm>> -> memref<3584xf32, #tpu.memory_space<hbm>>
        tpu.enqueue_dma source(%dma_start3A_37 : memref<3584xf32, #tpu.memory_space<hbm>>) target(%dma_start3A_36 : memref<3584xf32, #tpu.memory_space<vmem>>) target_semaphore(%arg6 : memref<!tpu.dma_semaphore, #tpu.memory_space<semaphore_mem>>)
        %add3A_38 = arith.constant 50176 : i32
        %add3A_39 = arith.addi %mul3A_16, %add3A_38 : i32
        %add3A_40 = arith.constant 1 : i32
        %add3A_41 = arith.addi %mul3A_24, %add3A_40 : i32
        %sub3A_42 = arith.constant 0 : i32
        %sub3A_43 = arith.subi %add3A_41, %sub3A_42 : i32
        %mul3A_44 = arith.constant 224 : i32
        %mul3A_45 = arith.muli %sub3A_43, %mul3A_44 : i32
        %add3A_46 = arith.addi %add3A_39, %mul3A_45 : i32
        %dma_start3A_47 = arith.constant 3608 : i32
        %dma_start3A_48 = tpu.memref_slice %arg4[%dma_start3A_47] : memref<32400xf32, #tpu.memory_space<vmem>> -> memref<3584xf32, #tpu.memory_space<vmem>>
        %dma_start3A_49 = tpu.memref_slice %arg2[%add3A_46] : memref<86704128xf32, #tpu.memory_space<hbm>> -> memref<3584xf32, #tpu.memory_space<hbm>>
        %dma_start3A_50 = arith.constant 3608 : i32
        %dma_start3A_51 = tpu.memref_slice %arg4[%dma_start3A_50] : memref<32400xf32, #tpu.memory_space<vmem>> -> memref<3584xf32, #tpu.memory_space<vmem>>
        %dma_start3A_52 = tpu.memref_slice %arg2[%add3A_46] : memref<86704128xf32, #tpu.memory_space<hbm>> -> memref<3584xf32, #tpu.memory_space<hbm>>
        tpu.enqueue_dma source(%dma_start3A_52 : memref<3584xf32, #tpu.memory_space<hbm>>) target(%dma_start3A_51 : memref<3584xf32, #tpu.memory_space<vmem>>) target_semaphore(%arg6 : memref<!tpu.dma_semaphore, #tpu.memory_space<semaphore_mem>>)
        %add3A_53 = arith.constant 100352 : i32
        %add3A_54 = arith.addi %mul3A_16, %add3A_53 : i32
        %add3A_55 = arith.constant 1 : i32
        %add3A_56 = arith.addi %mul3A_24, %add3A_55 : i32
        %sub3A_57 = arith.constant 0 : i32
        %sub3A_58 = arith.subi %add3A_56, %sub3A_57 : i32
        %mul3A_59 = arith.constant 224 : i32
        %mul3A_60 = arith.muli %sub3A_58, %mul3A_59 : i32
        %add3A_61 = arith.addi %add3A_54, %mul3A_60 : i32
        %dma_start3A_62 = arith.constant 7208 : i32
        %dma_start3A_63 = tpu.memref_slice %arg4[%dma_start3A_62] : memref<32400xf32, #tpu.memory_space<vmem>> -> memref<3584xf32, #tpu.memory_space<vmem>>
        %dma_start3A_64 = tpu.memref_slice %arg2[%add3A_61] : memref<86704128xf32, #tpu.memory_space<hbm>> -> memref<3584xf32, #tpu.memory_space<hbm>>
        %dma_start3A_65 = arith.constant 7208 : i32
        %dma_start3A_66 = tpu.memref_slice %arg4[%dma_start3A_65] : memref<32400xf32, #tpu.memory_space<vmem>> -> memref<3584xf32, #tpu.memory_space<vmem>>
        %dma_start3A_67 = tpu.memref_slice %arg2[%add3A_61] : memref<86704128xf32, #tpu.memory_space<hbm>> -> memref<3584xf32, #tpu.memory_space<hbm>>
        tpu.enqueue_dma source(%dma_start3A_67 : memref<3584xf32, #tpu.memory_space<hbm>>) target(%dma_start3A_66 : memref<3584xf32, #tpu.memory_space<vmem>>) target_semaphore(%arg6 : memref<!tpu.dma_semaphore, #tpu.memory_space<semaphore_mem>>)
        %add3A_68 = arith.constant 150528 : i32
        %add3A_69 = arith.addi %mul3A_16, %add3A_68 : i32
        %add3A_70 = arith.constant 1 : i32
        %add3A_71 = arith.addi %mul3A_24, %add3A_70 : i32
        %sub3A_72 = arith.constant 1 : i32
        %sub3A_73 = arith.subi %add3A_71, %sub3A_72 : i32
        %mul3A_74 = arith.constant 224 : i32
        %mul3A_75 = arith.muli %sub3A_73, %mul3A_74 : i32
        %add3A_76 = arith.addi %add3A_69, %mul3A_75 : i32
        %dma_start3A_77 = arith.constant 10808 : i32
        %dma_start3A_78 = tpu.memref_slice %arg4[%dma_start3A_77] : memref<32400xf32, #tpu.memory_space<vmem>> -> memref<3584xf32, #tpu.memory_space<vmem>>
        %dma_start3A_79 = tpu.memref_slice %arg2[%add3A_76] : memref<86704128xf32, #tpu.memory_space<hbm>> -> memref<3584xf32, #tpu.memory_space<hbm>>
        %dma_start3A_80 = arith.constant 10808 : i32
        %dma_start3A_81 = tpu.memref_slice %arg4[%dma_start3A_80] : memref<32400xf32, #tpu.memory_space<vmem>> -> memref<3584xf32, #tpu.memory_space<vmem>>
        %dma_start3A_82 = tpu.memref_slice %arg2[%add3A_76] : memref<86704128xf32, #tpu.memory_space<hbm>> -> memref<3584xf32, #tpu.memory_space<hbm>>
        tpu.enqueue_dma source(%dma_start3A_82 : memref<3584xf32, #tpu.memory_space<hbm>>) target(%dma_start3A_81 : memref<3584xf32, #tpu.memory_space<vmem>>) target_semaphore(%arg6 : memref<!tpu.dma_semaphore, #tpu.memory_space<semaphore_mem>>)
        %add3A_83 = arith.constant 200704 : i32
        %add3A_84 = arith.addi %mul3A_16, %add3A_83 : i32
        %add3A_85 = arith.constant 1 : i32
        %add3A_86 = arith.addi %mul3A_24, %add3A_85 : i32
        %sub3A_87 = arith.constant 1 : i32
        %sub3A_88 = arith.subi %add3A_86, %sub3A_87 : i32
        %mul3A_89 = arith.constant 224 : i32
        %mul3A_90 = arith.muli %sub3A_88, %mul3A_89 : i32
        %add3A_91 = arith.addi %add3A_84, %mul3A_90 : i32
        %dma_start3A_92 = arith.constant 14408 : i32
        %dma_start3A_93 = tpu.memref_slice %arg4[%dma_start3A_92] : memref<32400xf32, #tpu.memory_space<vmem>> -> memref<3584xf32, #tpu.memory_space<vmem>>
        %dma_start3A_94 = tpu.memref_slice %arg2[%add3A_91] : memref<86704128xf32, #tpu.memory_space<hbm>> -> memref<3584xf32, #tpu.memory_space<hbm>>
        %dma_start3A_95 = arith.constant 14408 : i32
        %dma_start3A_96 = tpu.memref_slice %arg4[%dma_start3A_95] : memref<32400xf32, #tpu.memory_space<vmem>> -> memref<3584xf32, #tpu.memory_space<vmem>>
        %dma_start3A_97 = tpu.memref_slice %arg2[%add3A_91] : memref<86704128xf32, #tpu.memory_space<hbm>> -> memref<3584xf32, #tpu.memory_space<hbm>>
        tpu.enqueue_dma source(%dma_start3A_97 : memref<3584xf32, #tpu.memory_space<hbm>>) target(%dma_start3A_96 : memref<3584xf32, #tpu.memory_space<vmem>>) target_semaphore(%arg6 : memref<!tpu.dma_semaphore, #tpu.memory_space<semaphore_mem>>)
        %add3A_98 = arith.constant 250880 : i32
        %add3A_99 = arith.addi %mul3A_16, %add3A_98 : i32
        %add3A_100 = arith.constant 1 : i32
        %add3A_101 = arith.addi %mul3A_24, %add3A_100 : i32
        %sub3A_102 = arith.constant 1 : i32
        %sub3A_103 = arith.subi %add3A_101, %sub3A_102 : i32
        %mul3A_104 = arith.constant 224 : i32
        %mul3A_105 = arith.muli %sub3A_103, %mul3A_104 : i32
        %add3A_106 = arith.addi %add3A_99, %mul3A_105 : i32
        %dma_start3A_107 = arith.constant 18008 : i32
        %dma_start3A_108 = tpu.memref_slice %arg4[%dma_start3A_107] : memref<32400xf32, #tpu.memory_space<vmem>> -> memref<3584xf32, #tpu.memory_space<vmem>>
        %dma_start3A_109 = tpu.memref_slice %arg2[%add3A_106] : memref<86704128xf32, #tpu.memory_space<hbm>> -> memref<3584xf32, #tpu.memory_space<hbm>>
        %dma_start3A_110 = arith.constant 18008 : i32
        %dma_start3A_111 = tpu.memref_slice %arg4[%dma_start3A_110] : memref<32400xf32, #tpu.memory_space<vmem>> -> memref<3584xf32, #tpu.memory_space<vmem>>
        %dma_start3A_112 = tpu.memref_slice %arg2[%add3A_106] : memref<86704128xf32, #tpu.memory_space<hbm>> -> memref<3584xf32, #tpu.memory_space<hbm>>
        tpu.enqueue_dma source(%dma_start3A_112 : memref<3584xf32, #tpu.memory_space<hbm>>) target(%dma_start3A_111 : memref<3584xf32, #tpu.memory_space<vmem>>) target_semaphore(%arg6 : memref<!tpu.dma_semaphore, #tpu.memory_space<semaphore_mem>>)
        %add3A_113 = arith.constant 301056 : i32
        %add3A_114 = arith.addi %mul3A_16, %add3A_113 : i32
        %add3A_115 = arith.constant 1 : i32
        %add3A_116 = arith.addi %mul3A_24, %add3A_115 : i32
        %sub3A_117 = arith.constant 2 : i32
        %sub3A_118 = arith.subi %add3A_116, %sub3A_117 : i32
        %mul3A_119 = arith.constant 224 : i32
        %mul3A_120 = arith.muli %sub3A_118, %mul3A_119 : i32
        %add3A_121 = arith.addi %add3A_114, %mul3A_120 : i32
        %dma_start3A_122 = arith.constant 21608 : i32
        %dma_start3A_123 = tpu.memref_slice %arg4[%dma_start3A_122] : memref<32400xf32, #tpu.memory_space<vmem>> -> memref<3584xf32, #tpu.memory_space<vmem>>
        %dma_start3A_124 = tpu.memref_slice %arg2[%add3A_121] : memref<86704128xf32, #tpu.memory_space<hbm>> -> memref<3584xf32, #tpu.memory_space<hbm>>
        %dma_start3A_125 = arith.constant 21608 : i32
        %dma_start3A_126 = tpu.memref_slice %arg4[%dma_start3A_125] : memref<32400xf32, #tpu.memory_space<vmem>> -> memref<3584xf32, #tpu.memory_space<vmem>>
        %dma_start3A_127 = tpu.memref_slice %arg2[%add3A_121] : memref<86704128xf32, #tpu.memory_space<hbm>> -> memref<3584xf32, #tpu.memory_space<hbm>>
        tpu.enqueue_dma source(%dma_start3A_127 : memref<3584xf32, #tpu.memory_space<hbm>>) target(%dma_start3A_126 : memref<3584xf32, #tpu.memory_space<vmem>>) target_semaphore(%arg6 : memref<!tpu.dma_semaphore, #tpu.memory_space<semaphore_mem>>)
        %add3A_128 = arith.constant 351232 : i32
        %add3A_129 = arith.addi %mul3A_16, %add3A_128 : i32
        %add3A_130 = arith.constant 1 : i32
        %add3A_131 = arith.addi %mul3A_24, %add3A_130 : i32
        %sub3A_132 = arith.constant 2 : i32
        %sub3A_133 = arith.subi %add3A_131, %sub3A_132 : i32
        %mul3A_134 = arith.constant 224 : i32
        %mul3A_135 = arith.muli %sub3A_133, %mul3A_134 : i32
        %add3A_136 = arith.addi %add3A_129, %mul3A_135 : i32
        %dma_start3A_137 = arith.constant 25208 : i32
        %dma_start3A_138 = tpu.memref_slice %arg4[%dma_start3A_137] : memref<32400xf32, #tpu.memory_space<vmem>> -> memref<3584xf32, #tpu.memory_space<vmem>>
        %dma_start3A_139 = tpu.memref_slice %arg2[%add3A_136] : memref<86704128xf32, #tpu.memory_space<hbm>> -> memref<3584xf32, #tpu.memory_space<hbm>>
        %dma_start3A_140 = arith.constant 25208 : i32
        %dma_start3A_141 = tpu.memref_slice %arg4[%dma_start3A_140] : memref<32400xf32, #tpu.memory_space<vmem>> -> memref<3584xf32, #tpu.memory_space<vmem>>
        %dma_start3A_142 = tpu.memref_slice %arg2[%add3A_136] : memref<86704128xf32, #tpu.memory_space<hbm>> -> memref<3584xf32, #tpu.memory_space<hbm>>
        tpu.enqueue_dma source(%dma_start3A_142 : memref<3584xf32, #tpu.memory_space<hbm>>) target(%dma_start3A_141 : memref<3584xf32, #tpu.memory_space<vmem>>) target_semaphore(%arg6 : memref<!tpu.dma_semaphore, #tpu.memory_space<semaphore_mem>>)
        %add3A_143 = arith.constant 401408 : i32
        %add3A_144 = arith.addi %mul3A_16, %add3A_143 : i32
        %add3A_145 = arith.constant 1 : i32
        %add3A_146 = arith.addi %mul3A_24, %add3A_145 : i32
        %sub3A_147 = arith.constant 2 : i32
        %sub3A_148 = arith.subi %add3A_146, %sub3A_147 : i32
        %mul3A_149 = arith.constant 224 : i32
        %mul3A_150 = arith.muli %sub3A_148, %mul3A_149 : i32
        %add3A_151 = arith.addi %add3A_144, %mul3A_150 : i32
        %dma_start3A_152 = arith.constant 28808 : i32
        %dma_start3A_153 = tpu.memref_slice %arg4[%dma_start3A_152] : memref<32400xf32, #tpu.memory_space<vmem>> -> memref<3584xf32, #tpu.memory_space<vmem>>
        %dma_start3A_154 = tpu.memref_slice %arg2[%add3A_151] : memref<86704128xf32, #tpu.memory_space<hbm>> -> memref<3584xf32, #tpu.memory_space<hbm>>
        %dma_start3A_155 = arith.constant 28808 : i32
        %dma_start3A_156 = tpu.memref_slice %arg4[%dma_start3A_155] : memref<32400xf32, #tpu.memory_space<vmem>> -> memref<3584xf32, #tpu.memory_space<vmem>>
        %dma_start3A_157 = tpu.memref_slice %arg2[%add3A_151] : memref<86704128xf32, #tpu.memory_space<hbm>> -> memref<3584xf32, #tpu.memory_space<hbm>>
        tpu.enqueue_dma source(%dma_start3A_157 : memref<3584xf32, #tpu.memory_space<hbm>>) target(%dma_start3A_156 : memref<3584xf32, #tpu.memory_space<vmem>>) target_semaphore(%arg6 : memref<!tpu.dma_semaphore, #tpu.memory_space<semaphore_mem>>)
        %dma_wait3A = arith.constant 8 : i32
        %dma_wait3A_158 = tpu.memref_slice %arg4[%dma_wait3A] : memref<32400xf32, #tpu.memory_space<vmem>> -> memref<3584xf32, #tpu.memory_space<vmem>>
        %dma_wait3A_159 = tpu.memref_slice %arg2[%add3A_32] : memref<86704128xf32, #tpu.memory_space<hbm>> -> memref<3584xf32, #tpu.memory_space<hbm>>
        %dma_wait3A_160 = arith.constant 8 : i32
        %dma_wait3A_161 = tpu.memref_slice %arg4[%dma_wait3A_160] : memref<32400xf32, #tpu.memory_space<vmem>> -> memref<3584xf32, #tpu.memory_space<vmem>>
        %dma_wait3A_162 = tpu.memref_slice %arg2[%add3A_32] : memref<86704128xf32, #tpu.memory_space<hbm>> -> memref<3584xf32, #tpu.memory_space<hbm>>
        tpu.wait_dma2 semaphore(%arg6 : memref<!tpu.dma_semaphore, #tpu.memory_space<semaphore_mem>>) src(%dma_wait3A_162 : memref<3584xf32, #tpu.memory_space<hbm>>) dst(%dma_wait3A_161 : memref<3584xf32, #tpu.memory_space<vmem>>)
        %dma_wait3A_163 = arith.constant 3608 : i32
        %dma_wait3A_164 = tpu.memref_slice %arg4[%dma_wait3A_163] : memref<32400xf32, #tpu.memory_space<vmem>> -> memref<3584xf32, #tpu.memory_space<vmem>>
        %dma_wait3A_165 = tpu.memref_slice %arg2[%add3A_46] : memref<86704128xf32, #tpu.memory_space<hbm>> -> memref<3584xf32, #tpu.memory_space<hbm>>
        %dma_wait3A_166 = arith.constant 3608 : i32
        %dma_wait3A_167 = tpu.memref_slice %arg4[%dma_wait3A_166] : memref<32400xf32, #tpu.memory_space<vmem>> -> memref<3584xf32, #tpu.memory_space<vmem>>
        %dma_wait3A_168 = tpu.memref_slice %arg2[%add3A_46] : memref<86704128xf32, #tpu.memory_space<hbm>> -> memref<3584xf32, #tpu.memory_space<hbm>>
        tpu.wait_dma2 semaphore(%arg6 : memref<!tpu.dma_semaphore, #tpu.memory_space<semaphore_mem>>) src(%dma_wait3A_168 : memref<3584xf32, #tpu.memory_space<hbm>>) dst(%dma_wait3A_167 : memref<3584xf32, #tpu.memory_space<vmem>>)
        %dma_wait3A_169 = arith.constant 7208 : i32
        %dma_wait3A_170 = tpu.memref_slice %arg4[%dma_wait3A_169] : memref<32400xf32, #tpu.memory_space<vmem>> -> memref<3584xf32, #tpu.memory_space<vmem>>
        %dma_wait3A_171 = tpu.memref_slice %arg2[%add3A_61] : memref<86704128xf32, #tpu.memory_space<hbm>> -> memref<3584xf32, #tpu.memory_space<hbm>>
        %dma_wait3A_172 = arith.constant 7208 : i32
        %dma_wait3A_173 = tpu.memref_slice %arg4[%dma_wait3A_172] : memref<32400xf32, #tpu.memory_space<vmem>> -> memref<3584xf32, #tpu.memory_space<vmem>>
        %dma_wait3A_174 = tpu.memref_slice %arg2[%add3A_61] : memref<86704128xf32, #tpu.memory_space<hbm>> -> memref<3584xf32, #tpu.memory_space<hbm>>
        tpu.wait_dma2 semaphore(%arg6 : memref<!tpu.dma_semaphore, #tpu.memory_space<semaphore_mem>>) src(%dma_wait3A_174 : memref<3584xf32, #tpu.memory_space<hbm>>) dst(%dma_wait3A_173 : memref<3584xf32, #tpu.memory_space<vmem>>)
        %dma_wait3A_175 = arith.constant 10808 : i32
        %dma_wait3A_176 = tpu.memref_slice %arg4[%dma_wait3A_175] : memref<32400xf32, #tpu.memory_space<vmem>> -> memref<3584xf32, #tpu.memory_space<vmem>>
        %dma_wait3A_177 = tpu.memref_slice %arg2[%add3A_76] : memref<86704128xf32, #tpu.memory_space<hbm>> -> memref<3584xf32, #tpu.memory_space<hbm>>
        %dma_wait3A_178 = arith.constant 10808 : i32
        %dma_wait3A_179 = tpu.memref_slice %arg4[%dma_wait3A_178] : memref<32400xf32, #tpu.memory_space<vmem>> -> memref<3584xf32, #tpu.memory_space<vmem>>
        %dma_wait3A_180 = tpu.memref_slice %arg2[%add3A_76] : memref<86704128xf32, #tpu.memory_space<hbm>> -> memref<3584xf32, #tpu.memory_space<hbm>>
        tpu.wait_dma2 semaphore(%arg6 : memref<!tpu.dma_semaphore, #tpu.memory_space<semaphore_mem>>) src(%dma_wait3A_180 : memref<3584xf32, #tpu.memory_space<hbm>>) dst(%dma_wait3A_179 : memref<3584xf32, #tpu.memory_space<vmem>>)
        %dma_wait3A_181 = arith.constant 14408 : i32
        %dma_wait3A_182 = tpu.memref_slice %arg4[%dma_wait3A_181] : memref<32400xf32, #tpu.memory_space<vmem>> -> memref<3584xf32, #tpu.memory_space<vmem>>
        %dma_wait3A_183 = tpu.memref_slice %arg2[%add3A_91] : memref<86704128xf32, #tpu.memory_space<hbm>> -> memref<3584xf32, #tpu.memory_space<hbm>>
        %dma_wait3A_184 = arith.constant 14408 : i32
        %dma_wait3A_185 = tpu.memref_slice %arg4[%dma_wait3A_184] : memref<32400xf32, #tpu.memory_space<vmem>> -> memref<3584xf32, #tpu.memory_space<vmem>>
        %dma_wait3A_186 = tpu.memref_slice %arg2[%add3A_91] : memref<86704128xf32, #tpu.memory_space<hbm>> -> memref<3584xf32, #tpu.memory_space<hbm>>
        tpu.wait_dma2 semaphore(%arg6 : memref<!tpu.dma_semaphore, #tpu.memory_space<semaphore_mem>>) src(%dma_wait3A_186 : memref<3584xf32, #tpu.memory_space<hbm>>) dst(%dma_wait3A_185 : memref<3584xf32, #tpu.memory_space<vmem>>)
        %dma_wait3A_187 = arith.constant 18008 : i32
        %dma_wait3A_188 = tpu.memref_slice %arg4[%dma_wait3A_187] : memref<32400xf32, #tpu.memory_space<vmem>> -> memref<3584xf32, #tpu.memory_space<vmem>>
        %dma_wait3A_189 = tpu.memref_slice %arg2[%add3A_106] : memref<86704128xf32, #tpu.memory_space<hbm>> -> memref<3584xf32, #tpu.memory_space<hbm>>
        %dma_wait3A_190 = arith.constant 18008 : i32
        %dma_wait3A_191 = tpu.memref_slice %arg4[%dma_wait3A_190] : memref<32400xf32, #tpu.memory_space<vmem>> -> memref<3584xf32, #tpu.memory_space<vmem>>
        %dma_wait3A_192 = tpu.memref_slice %arg2[%add3A_106] : memref<86704128xf32, #tpu.memory_space<hbm>> -> memref<3584xf32, #tpu.memory_space<hbm>>
        tpu.wait_dma2 semaphore(%arg6 : memref<!tpu.dma_semaphore, #tpu.memory_space<semaphore_mem>>) src(%dma_wait3A_192 : memref<3584xf32, #tpu.memory_space<hbm>>) dst(%dma_wait3A_191 : memref<3584xf32, #tpu.memory_space<vmem>>)
        %dma_wait3A_193 = arith.constant 21608 : i32
        %dma_wait3A_194 = tpu.memref_slice %arg4[%dma_wait3A_193] : memref<32400xf32, #tpu.memory_space<vmem>> -> memref<3584xf32, #tpu.memory_space<vmem>>
        %dma_wait3A_195 = tpu.memref_slice %arg2[%add3A_121] : memref<86704128xf32, #tpu.memory_space<hbm>> -> memref<3584xf32, #tpu.memory_space<hbm>>
        %dma_wait3A_196 = arith.constant 21608 : i32
        %dma_wait3A_197 = tpu.memref_slice %arg4[%dma_wait3A_196] : memref<32400xf32, #tpu.memory_space<vmem>> -> memref<3584xf32, #tpu.memory_space<vmem>>
        %dma_wait3A_198 = tpu.memref_slice %arg2[%add3A_121] : memref<86704128xf32, #tpu.memory_space<hbm>> -> memref<3584xf32, #tpu.memory_space<hbm>>
        tpu.wait_dma2 semaphore(%arg6 : memref<!tpu.dma_semaphore, #tpu.memory_space<semaphore_mem>>) src(%dma_wait3A_198 : memref<3584xf32, #tpu.memory_space<hbm>>) dst(%dma_wait3A_197 : memref<3584xf32, #tpu.memory_space<vmem>>)
        %dma_wait3A_199 = arith.constant 25208 : i32
        %dma_wait3A_200 = tpu.memref_slice %arg4[%dma_wait3A_199] : memref<32400xf32, #tpu.memory_space<vmem>> -> memref<3584xf32, #tpu.memory_space<vmem>>
        %dma_wait3A_201 = tpu.memref_slice %arg2[%add3A_136] : memref<86704128xf32, #tpu.memory_space<hbm>> -> memref<3584xf32, #tpu.memory_space<hbm>>
        %dma_wait3A_202 = arith.constant 25208 : i32
        %dma_wait3A_203 = tpu.memref_slice %arg4[%dma_wait3A_202] : memref<32400xf32, #tpu.memory_space<vmem>> -> memref<3584xf32, #tpu.memory_space<vmem>>
        %dma_wait3A_204 = tpu.memref_slice %arg2[%add3A_136] : memref<86704128xf32, #tpu.memory_space<hbm>> -> memref<3584xf32, #tpu.memory_space<hbm>>
        tpu.wait_dma2 semaphore(%arg6 : memref<!tpu.dma_semaphore, #tpu.memory_space<semaphore_mem>>) src(%dma_wait3A_204 : memref<3584xf32, #tpu.memory_space<hbm>>) dst(%dma_wait3A_203 : memref<3584xf32, #tpu.memory_space<vmem>>)
        %dma_wait3A_205 = arith.constant 28808 : i32
        %dma_wait3A_206 = tpu.memref_slice %arg4[%dma_wait3A_205] : memref<32400xf32, #tpu.memory_space<vmem>> -> memref<3584xf32, #tpu.memory_space<vmem>>
        %dma_wait3A_207 = tpu.memref_slice %arg2[%add3A_151] : memref<86704128xf32, #tpu.memory_space<hbm>> -> memref<3584xf32, #tpu.memory_space<hbm>>
        %dma_wait3A_208 = arith.constant 28808 : i32
        %dma_wait3A_209 = tpu.memref_slice %arg4[%dma_wait3A_208] : memref<32400xf32, #tpu.memory_space<vmem>> -> memref<3584xf32, #tpu.memory_space<vmem>>
        %dma_wait3A_210 = tpu.memref_slice %arg2[%add3A_151] : memref<86704128xf32, #tpu.memory_space<hbm>> -> memref<3584xf32, #tpu.memory_space<hbm>>
        tpu.wait_dma2 semaphore(%arg6 : memref<!tpu.dma_semaphore, #tpu.memory_space<semaphore_mem>>) src(%dma_wait3A_210 : memref<3584xf32, #tpu.memory_space<hbm>>) dst(%dma_wait3A_209 : memref<3584xf32, #tpu.memory_space<vmem>>)
        %eq3A_211 = arith.constant 0 : i32
        %eq3A_212 = arith.cmpi eq, %scan3A_22, %eq3A_211 : i32
        %convert_element_type3A = arith.extui %eq3A_212 : i1 to i32
        %cond3A = arith.constant 0 : i32
        %cond3A_213 = arith.cmpi ne, %convert_element_type3A, %cond3A : i32
        scf.if %cond3A_213 {
          %swap3A = arith.constant 21608 : index
          %swap3A_229 = tpu.vector_load %arg4[%swap3A] {strides = array<i32>} : memref<32400xf32, #tpu.memory_space<vmem>>, vector<16xf32>,
          %swap3A_230 = vector.shape_cast %swap3A_229 : vector<16xf32> to vector<16xf32>
          %swap3A_231 = vector.shape_cast %broadcast_in_dim3A_1 : vector<16xf32> to vector<16xf32>
          tpu.vector_store %arg4[%swap3A], %swap3A_231 {strides = array<i32>} : memref<32400xf32, #tpu.memory_space<vmem>>, vector<16xf32>,
          %swap3A_232 = arith.constant 21624 : index
          %swap3A_233 = tpu.vector_load %arg4[%swap3A_232] {strides = array<i32>} : memref<32400xf32, #tpu.memory_space<vmem>>, vector<16xf32>,
          %swap3A_234 = vector.shape_cast %swap3A_233 : vector<16xf32> to vector<16xf32>
          %swap3A_235 = vector.shape_cast %broadcast_in_dim3A_1 : vector<16xf32> to vector<16xf32>
          tpu.vector_store %arg4[%swap3A_232], %swap3A_235 {strides = array<i32>} : memref<32400xf32, #tpu.memory_space<vmem>>, vector<16xf32>,
          %swap3A_236 = arith.constant 21640 : index
          %swap3A_237 = tpu.vector_load %arg4[%swap3A_236] {strides = array<i32>} : memref<32400xf32, #tpu.memory_space<vmem>>, vector<16xf32>,
          %swap3A_238 = vector.shape_cast %swap3A_237 : vector<16xf32> to vector<16xf32>
          %swap3A_239 = vector.shape_cast %broadcast_in_dim3A_1 : vector<16xf32> to vector<16xf32>
          tpu.vector_store %arg4[%swap3A_236], %swap3A_239 {strides = array<i32>} : memref<32400xf32, #tpu.memory_space<vmem>>, vector<16xf32>,
          %swap3A_240 = arith.constant 21656 : index
          %swap3A_241 = tpu.vector_load %arg4[%swap3A_240] {strides = array<i32>} : memref<32400xf32, #tpu.memory_space<vmem>>, vector<16xf32>,
          %swap3A_242 = vector.shape_cast %swap3A_241 : vector<16xf32> to vector<16xf32>
          %swap3A_243 = vector.shape_cast %broadcast_in_dim3A_1 : vector<16xf32> to vector<16xf32>
          tpu.vector_store %arg4[%swap3A_240], %swap3A_243 {strides = array<i32>} : memref<32400xf32, #tpu.memory_space<vmem>>, vector<16xf32>,
          %swap3A_244 = arith.constant 21672 : index
          %swap3A_245 = tpu.vector_load %arg4[%swap3A_244] {strides = array<i32>} : memref<32400xf32, #tpu.memory_space<vmem>>, vector<16xf32>,
          %swap3A_246 = vector.shape_cast %swap3A_245 : vector<16xf32> to vector<16xf32>
          %swap3A_247 = vector.shape_cast %broadcast_in_dim3A_1 : vector<16xf32> to vector<16xf32>
          tpu.vector_store %arg4[%swap3A_244], %swap3A_247 {strides = array<i32>} : memref<32400xf32, #tpu.memory_space<vmem>>, vector<16xf32>,
          %swap3A_248 = arith.constant 21688 : index
          %swap3A_249 = tpu.vector_load %arg4[%swap3A_248] {strides = array<i32>} : memref<32400xf32, #tpu.memory_space<vmem>>, vector<16xf32>,
          %swap3A_250 = vector.shape_cast %swap3A_249 : vector<16xf32> to vector<16xf32>
          %swap3A_251 = vector.shape_cast %broadcast_in_dim3A_1 : vector<16xf32> to vector<16xf32>
          tpu.vector_store %arg4[%swap3A_248], %swap3A_251 {strides = array<i32>} : memref<32400xf32, #tpu.memory_space<vmem>>, vector<16xf32>,
          %swap3A_252 = arith.constant 21704 : index
          %swap3A_253 = tpu.vector_load %arg4[%swap3A_252] {strides = array<i32>} : memref<32400xf32, #tpu.memory_space<vmem>>, vector<16xf32>,
          %swap3A_254 = vector.shape_cast %swap3A_253 : vector<16xf32> to vector<16xf32>
          %swap3A_255 = vector.shape_cast %broadcast_in_dim3A_1 : vector<16xf32> to vector<16xf32>
          tpu.vector_store %arg4[%swap3A_252], %swap3A_255 {strides = array<i32>} : memref<32400xf32, #tpu.memory_space<vmem>>, vector<16xf32>,
          %swap3A_256 = arith.constant 21720 : index
          %swap3A_257 = tpu.vector_load %arg4[%swap3A_256] {strides = array<i32>} : memref<32400xf32, #tpu.memory_space<vmem>>, vector<16xf32>,
          %swap3A_258 = vector.shape_cast %swap3A_257 : vector<16xf32> to vector<16xf32>
          %swap3A_259 = vector.shape_cast %broadcast_in_dim3A_1 : vector<16xf32> to vector<16xf32>
          tpu.vector_store %arg4[%swap3A_256], %swap3A_259 {strides = array<i32>} : memref<32400xf32, #tpu.memory_space<vmem>>, vector<16xf32>,
          %swap3A_260 = arith.constant 21736 : index
          %swap3A_261 = tpu.vector_load %arg4[%swap3A_260] {strides = array<i32>} : memref<32400xf32, #tpu.memory_space<vmem>>, vector<16xf32>,
          %swap3A_262 = vector.shape_cast %swap3A_261 : vector<16xf32> to vector<16xf32>
          %swap3A_263 = vector.shape_cast %broadcast_in_dim3A_1 : vector<16xf32> to vector<16xf32>
          tpu.vector_store %arg4[%swap3A_260], %swap3A_263 {strides = array<i32>} : memref<32400xf32, #tpu.memory_space<vmem>>, vector<16xf32>,
          %swap3A_264 = arith.constant 21752 : index
          %swap3A_265 = tpu.vector_load %arg4[%swap3A_264] {strides = array<i32>} : memref<32400xf32, #tpu.memory_space<vmem>>, vector<16xf32>,
          %swap3A_266 = vector.shape_cast %swap3A_265 : vector<16xf32> to vector<16xf32>
          %swap3A_267 = vector.shape_cast %broadcast_in_dim3A_1 : vector<16xf32> to vector<16xf32>
          tpu.vector_store %arg4[%swap3A_264], %swap3A_267 {strides = array<i32>} : memref<32400xf32, #tpu.memory_space<vmem>>, vector<16xf32>,
          %swap3A_268 = arith.constant 21768 : index
          %swap3A_269 = tpu.vector_load %arg4[%swap3A_268] {strides = array<i32>} : memref<32400xf32, #tpu.memory_space<vmem>>, vector<16xf32>,
          %swap3A_270 = vector.shape_cast %swap3A_269 : vector<16xf32> to vector<16xf32>
          %swap3A_271 = vector.shape_cast %broadcast_in_dim3A_1 : vector<16xf32> to vector<16xf32>
          tpu.vector_store %arg4[%swap3A_268], %swap3A_271 {strides = array<i32>} : memref<32400xf32, #tpu.memory_space<vmem>>, vector<16xf32>,
          %swap3A_272 = arith.constant 21784 : index
          %swap3A_273 = tpu.vector_load %arg4[%swap3A_272] {strides = array<i32>} : memref<32400xf32, #tpu.memory_space<vmem>>, vector<16xf32>,
          %swap3A_274 = vector.shape_cast %swap3A_273 : vector<16xf32> to vector<16xf32>
          %swap3A_275 = vector.shape_cast %broadcast_in_dim3A_1 : vector<16xf32> to vector<16xf32>
          tpu.vector_store %arg4[%swap3A_272], %swap3A_275 {strides = array<i32>} : memref<32400xf32, #tpu.memory_space<vmem>>, vector<16xf32>,
          %swap3A_276 = arith.constant 21800 : index
          %swap3A_277 = tpu.vector_load %arg4[%swap3A_276] {strides = array<i32>} : memref<32400xf32, #tpu.memory_space<vmem>>, vector<16xf32>,
          %swap3A_278 = vector.shape_cast %swap3A_277 : vector<16xf32> to vector<16xf32>
          %swap3A_279 = vector.shape_cast %broadcast_in_dim3A_1 : vector<16xf32> to vector<16xf32>
          tpu.vector_store %arg4[%swap3A_276], %swap3A_279 {strides = array<i32>} : memref<32400xf32, #tpu.memory_space<vmem>>, vector<16xf32>,
          %swap3A_280 = arith.constant 21816 : index
          %swap3A_281 = tpu.vector_load %arg4[%swap3A_280] {strides = array<i32>} : memref<32400xf32, #tpu.memory_space<vmem>>, vector<16xf32>,
          %swap3A_282 = vector.shape_cast %swap3A_281 : vector<16xf32> to vector<16xf32>
          %swap3A_283 = vector.shape_cast %broadcast_in_dim3A_1 : vector<16xf32> to vector<16xf32>
          tpu.vector_store %arg4[%swap3A_280], %swap3A_283 {strides = array<i32>} : memref<32400xf32, #tpu.memory_space<vmem>>, vector<16xf32>,
          %swap3A_284 = arith.constant 25208 : index
          %swap3A_285 = tpu.vector_load %arg4[%swap3A_284] {strides = array<i32>} : memref<32400xf32, #tpu.memory_space<vmem>>, vector<16xf32>,
          %swap3A_286 = vector.shape_cast %swap3A_285 : vector<16xf32> to vector<16xf32>
          %swap3A_287 = vector.shape_cast %broadcast_in_dim3A_1 : vector<16xf32> to vector<16xf32>
          tpu.vector_store %arg4[%swap3A_284], %swap3A_287 {strides = array<i32>} : memref<32400xf32, #tpu.memory_space<vmem>>, vector<16xf32>,
          %swap3A_288 = arith.constant 25224 : index
          %swap3A_289 = tpu.vector_load %arg4[%swap3A_288] {strides = array<i32>} : memref<32400xf32, #tpu.memory_space<vmem>>, vector<16xf32>,
          %swap3A_290 = vector.shape_cast %swap3A_289 : vector<16xf32> to vector<16xf32>
          %swap3A_291 = vector.shape_cast %broadcast_in_dim3A_1 : vector<16xf32> to vector<16xf32>
          tpu.vector_store %arg4[%swap3A_288], %swap3A_291 {strides = array<i32>} : memref<32400xf32, #tpu.memory_space<vmem>>, vector<16xf32>,
          %swap3A_292 = arith.constant 25240 : index
          %swap3A_293 = tpu.vector_load %arg4[%swap3A_292] {strides = array<i32>} : memref<32400xf32, #tpu.memory_space<vmem>>, vector<16xf32>,
          %swap3A_294 = vector.shape_cast %swap3A_293 : vector<16xf32> to vector<16xf32>
          %swap3A_295 = vector.shape_cast %broadcast_in_dim3A_1 : vector<16xf32> to vector<16xf32>
          tpu.vector_store %arg4[%swap3A_292], %swap3A_295 {strides = array<i32>} : memref<32400xf32, #tpu.memory_space<vmem>>, vector<16xf32>,
          %swap3A_296 = arith.constant 25256 : index
          %swap3A_297 = tpu.vector_load %arg4[%swap3A_296] {strides = array<i32>} : memref<32400xf32, #tpu.memory_space<vmem>>, vector<16xf32>,
          %swap3A_298 = vector.shape_cast %swap3A_297 : vector<16xf32> to vector<16xf32>
          %swap3A_299 = vector.shape_cast %broadcast_in_dim3A_1 : vector<16xf32> to vector<16xf32>
          tpu.vector_store %arg4[%swap3A_296], %swap3A_299 {strides = array<i32>} : memref<32400xf32, #tpu.memory_space<vmem>>, vector<16xf32>,
          %swap3A_300 = arith.constant 25272 : index
          %swap3A_301 = tpu.vector_load %arg4[%swap3A_300] {strides = array<i32>} : memref<32400xf32, #tpu.memory_space<vmem>>, vector<16xf32>,
          %swap3A_302 = vector.shape_cast %swap3A_301 : vector<16xf32> to vector<16xf32>
          %swap3A_303 = vector.shape_cast %broadcast_in_dim3A_1 : vector<16xf32> to vector<16xf32>
          tpu.vector_store %arg4[%swap3A_300], %swap3A_303 {strides = array<i32>} : memref<32400xf32, #tpu.memory_space<vmem>>, vector<16xf32>,
          %swap3A_304 = arith.constant 25288 : index
          %swap3A_305 = tpu.vector_load %arg4[%swap3A_304] {strides = array<i32>} : memref<32400xf32, #tpu.memory_space<vmem>>, vector<16xf32>,
          %swap3A_306 = vector.shape_cast %swap3A_305 : vector<16xf32> to vector<16xf32>
          %swap3A_307 = vector.shape_cast %broadcast_in_dim3A_1 : vector<16xf32> to vector<16xf32>
          tpu.vector_store %arg4[%swap3A_304], %swap3A_307 {strides = array<i32>} : memref<32400xf32, #tpu.memory_space<vmem>>, vector<16xf32>,
          %swap3A_308 = arith.constant 25304 : index
          %swap3A_309 = tpu.vector_load %arg4[%swap3A_308] {strides = array<i32>} : memref<32400xf32, #tpu.memory_space<vmem>>, vector<16xf32>,
          %swap3A_310 = vector.shape_cast %swap3A_309 : vector<16xf32> to vector<16xf32>
          %swap3A_311 = vector.shape_cast %broadcast_in_dim3A_1 : vector<16xf32> to vector<16xf32>
          tpu.vector_store %arg4[%swap3A_308], %swap3A_311 {strides = array<i32>} : memref<32400xf32, #tpu.memory_space<vmem>>, vector<16xf32>,
          %swap3A_312 = arith.constant 25320 : index
          %swap3A_313 = tpu.vector_load %arg4[%swap3A_312] {strides = array<i32>} : memref<32400xf32, #tpu.memory_space<vmem>>, vector<16xf32>,
          %swap3A_314 = vector.shape_cast %swap3A_313 : vector<16xf32> to vector<16xf32>
          %swap3A_315 = vector.shape_cast %broadcast_in_dim3A_1 : vector<16xf32> to vector<16xf32>
          tpu.vector_store %arg4[%swap3A_312], %swap3A_315 {strides = array<i32>} : memref<32400xf32, #tpu.memory_space<vmem>>, vector<16xf32>,
          %swap3A_316 = arith.constant 25336 : index
          %swap3A_317 = tpu.vector_load %arg4[%swap3A_316] {strides = array<i32>} : memref<32400xf32, #tpu.memory_space<vmem>>, vector<16xf32>,
          %swap3A_318 = vector.shape_cast %swap3A_317 : vector<16xf32> to vector<16xf32>
          %swap3A_319 = vector.shape_cast %broadcast_in_dim3A_1 : vector<16xf32> to vector<16xf32>
          tpu.vector_store %arg4[%swap3A_316], %swap3A_319 {strides = array<i32>} : memref<32400xf32, #tpu.memory_space<vmem>>, vector<16xf32>,
          %swap3A_320 = arith.constant 25352 : index
          %swap3A_321 = tpu.vector_load %arg4[%swap3A_320] {strides = array<i32>} : memref<32400xf32, #tpu.memory_space<vmem>>, vector<16xf32>,
          %swap3A_322 = vector.shape_cast %swap3A_321 : vector<16xf32> to vector<16xf32>
          %swap3A_323 = vector.shape_cast %broadcast_in_dim3A_1 : vector<16xf32> to vector<16xf32>
          tpu.vector_store %arg4[%swap3A_320], %swap3A_323 {strides = array<i32>} : memref<32400xf32, #tpu.memory_space<vmem>>, vector<16xf32>,
          %swap3A_324 = arith.constant 25368 : index
          %swap3A_325 = tpu.vector_load %arg4[%swap3A_324] {strides = array<i32>} : memref<32400xf32, #tpu.memory_space<vmem>>, vector<16xf32>,
          %swap3A_326 = vector.shape_cast %swap3A_325 : vector<16xf32> to vector<16xf32>
          %swap3A_327 = vector.shape_cast %broadcast_in_dim3A_1 : vector<16xf32> to vector<16xf32>
          tpu.vector_store %arg4[%swap3A_324], %swap3A_327 {strides = array<i32>} : memref<32400xf32, #tpu.memory_space<vmem>>, vector<16xf32>,
          %swap3A_328 = arith.constant 25384 : index
          %swap3A_329 = tpu.vector_load %arg4[%swap3A_328] {strides = array<i32>} : memref<32400xf32, #tpu.memory_space<vmem>>, vector<16xf32>,
          %swap3A_330 = vector.shape_cast %swap3A_329 : vector<16xf32> to vector<16xf32>
          %swap3A_331 = vector.shape_cast %broadcast_in_dim3A_1 : vector<16xf32> to vector<16xf32>
          tpu.vector_store %arg4[%swap3A_328], %swap3A_331 {strides = array<i32>} : memref<32400xf32, #tpu.memory_space<vmem>>, vector<16xf32>,
          %swap3A_332 = arith.constant 25400 : index
          %swap3A_333 = tpu.vector_load %arg4[%swap3A_332] {strides = array<i32>} : memref<32400xf32, #tpu.memory_space<vmem>>, vector<16xf32>,
          %swap3A_334 = vector.shape_cast %swap3A_333 : vector<16xf32> to vector<16xf32>
          %swap3A_335 = vector.shape_cast %broadcast_in_dim3A_1 : vector<16xf32> to vector<16xf32>
          tpu.vector_store %arg4[%swap3A_332], %swap3A_335 {strides = array<i32>} : memref<32400xf32, #tpu.memory_space<vmem>>, vector<16xf32>,
          %swap3A_336 = arith.constant 25416 : index
          %swap3A_337 = tpu.vector_load %arg4[%swap3A_336] {strides = array<i32>} : memref<32400xf32, #tpu.memory_space<vmem>>, vector<16xf32>,
          %swap3A_338 = vector.shape_cast %swap3A_337 : vector<16xf32> to vector<16xf32>
          %swap3A_339 = vector.shape_cast %broadcast_in_dim3A_1 : vector<16xf32> to vector<16xf32>
          tpu.vector_store %arg4[%swap3A_336], %swap3A_339 {strides = array<i32>} : memref<32400xf32, #tpu.memory_space<vmem>>, vector<16xf32>,
          %swap3A_340 = arith.constant 28808 : index
          %swap3A_341 = tpu.vector_load %arg4[%swap3A_340] {strides = array<i32>} : memref<32400xf32, #tpu.memory_space<vmem>>, vector<16xf32>,
          %swap3A_342 = vector.shape_cast %swap3A_341 : vector<16xf32> to vector<16xf32>
          %swap3A_343 = vector.shape_cast %broadcast_in_dim3A_1 : vector<16xf32> to vector<16xf32>
          tpu.vector_store %arg4[%swap3A_340], %swap3A_343 {strides = array<i32>} : memref<32400xf32, #tpu.memory_space<vmem>>, vector<16xf32>,
          %swap3A_344 = arith.constant 28824 : index
          %swap3A_345 = tpu.vector_load %arg4[%swap3A_344] {strides = array<i32>} : memref<32400xf32, #tpu.memory_space<vmem>>, vector<16xf32>,
          %swap3A_346 = vector.shape_cast %swap3A_345 : vector<16xf32> to vector<16xf32>
          %swap3A_347 = vector.shape_cast %broadcast_in_dim3A_1 : vector<16xf32> to vector<16xf32>
          tpu.vector_store %arg4[%swap3A_344], %swap3A_347 {strides = array<i32>} : memref<32400xf32, #tpu.memory_space<vmem>>, vector<16xf32>,
          %swap3A_348 = arith.constant 28840 : index
          %swap3A_349 = tpu.vector_load %arg4[%swap3A_348] {strides = array<i32>} : memref<32400xf32, #tpu.memory_space<vmem>>, vector<16xf32>,
          %swap3A_350 = vector.shape_cast %swap3A_349 : vector<16xf32> to vector<16xf32>
          %swap3A_351 = vector.shape_cast %broadcast_in_dim3A_1 : vector<16xf32> to vector<16xf32>
          tpu.vector_store %arg4[%swap3A_348], %swap3A_351 {strides = array<i32>} : memref<32400xf32, #tpu.memory_space<vmem>>, vector<16xf32>,
          %swap3A_352 = arith.constant 28856 : index
          %swap3A_353 = tpu.vector_load %arg4[%swap3A_352] {strides = array<i32>} : memref<32400xf32, #tpu.memory_space<vmem>>, vector<16xf32>,
          %swap3A_354 = vector.shape_cast %swap3A_353 : vector<16xf32> to vector<16xf32>
          %swap3A_355 = vector.shape_cast %broadcast_in_dim3A_1 : vector<16xf32> to vector<16xf32>
          tpu.vector_store %arg4[%swap3A_352], %swap3A_355 {strides = array<i32>} : memref<32400xf32, #tpu.memory_space<vmem>>, vector<16xf32>,
          %swap3A_356 = arith.constant 28872 : index
          %swap3A_357 = tpu.vector_load %arg4[%swap3A_356] {strides = array<i32>} : memref<32400xf32, #tpu.memory_space<vmem>>, vector<16xf32>,
          %swap3A_358 = vector.shape_cast %swap3A_357 : vector<16xf32> to vector<16xf32>
          %swap3A_359 = vector.shape_cast %broadcast_in_dim3A_1 : vector<16xf32> to vector<16xf32>
          tpu.vector_store %arg4[%swap3A_356], %swap3A_359 {strides = array<i32>} : memref<32400xf32, #tpu.memory_space<vmem>>, vector<16xf32>,
          %swap3A_360 = arith.constant 28888 : index
          %swap3A_361 = tpu.vector_load %arg4[%swap3A_360] {strides = array<i32>} : memref<32400xf32, #tpu.memory_space<vmem>>, vector<16xf32>,
          %swap3A_362 = vector.shape_cast %swap3A_361 : vector<16xf32> to vector<16xf32>
          %swap3A_363 = vector.shape_cast %broadcast_in_dim3A_1 : vector<16xf32> to vector<16xf32>
          tpu.vector_store %arg4[%swap3A_360], %swap3A_363 {strides = array<i32>} : memref<32400xf32, #tpu.memory_space<vmem>>, vector<16xf32>,
          %swap3A_364 = arith.constant 28904 : index
          %swap3A_365 = tpu.vector_load %arg4[%swap3A_364] {strides = array<i32>} : memref<32400xf32, #tpu.memory_space<vmem>>, vector<16xf32>,
          %swap3A_366 = vector.shape_cast %swap3A_365 : vector<16xf32> to vector<16xf32>
          %swap3A_367 = vector.shape_cast %broadcast_in_dim3A_1 : vector<16xf32> to vector<16xf32>
          tpu.vector_store %arg4[%swap3A_364], %swap3A_367 {strides = array<i32>} : memref<32400xf32, #tpu.memory_space<vmem>>, vector<16xf32>,
          %swap3A_368 = arith.constant 28920 : index
          %swap3A_369 = tpu.vector_load %arg4[%swap3A_368] {strides = array<i32>} : memref<32400xf32, #tpu.memory_space<vmem>>, vector<16xf32>,
          %swap3A_370 = vector.shape_cast %swap3A_369 : vector<16xf32> to vector<16xf32>
          %swap3A_371 = vector.shape_cast %broadcast_in_dim3A_1 : vector<16xf32> to vector<16xf32>
          tpu.vector_store %arg4[%swap3A_368], %swap3A_371 {strides = array<i32>} : memref<32400xf32, #tpu.memory_space<vmem>>, vector<16xf32>,
          %swap3A_372 = arith.constant 28936 : index
          %swap3A_373 = tpu.vector_load %arg4[%swap3A_372] {strides = array<i32>} : memref<32400xf32, #tpu.memory_space<vmem>>, vector<16xf32>,
          %swap3A_374 = vector.shape_cast %swap3A_373 : vector<16xf32> to vector<16xf32>
          %swap3A_375 = vector.shape_cast %broadcast_in_dim3A_1 : vector<16xf32> to vector<16xf32>
          tpu.vector_store %arg4[%swap3A_372], %swap3A_375 {strides = array<i32>} : memref<32400xf32, #tpu.memory_space<vmem>>, vector<16xf32>,
          %swap3A_376 = arith.constant 28952 : index
          %swap3A_377 = tpu.vector_load %arg4[%swap3A_376] {strides = array<i32>} : memref<32400xf32, #tpu.memory_space<vmem>>, vector<16xf32>,
          %swap3A_378 = vector.shape_cast %swap3A_377 : vector<16xf32> to vector<16xf32>
          %swap3A_379 = vector.shape_cast %broadcast_in_dim3A_1 : vector<16xf32> to vector<16xf32>
          tpu.vector_store %arg4[%swap3A_376], %swap3A_379 {strides = array<i32>} : memref<32400xf32, #tpu.memory_space<vmem>>, vector<16xf32>,
          %swap3A_380 = arith.constant 28968 : index
          %swap3A_381 = tpu.vector_load %arg4[%swap3A_380] {strides = array<i32>} : memref<32400xf32, #tpu.memory_space<vmem>>, vector<16xf32>,
          %swap3A_382 = vector.shape_cast %swap3A_381 : vector<16xf32> to vector<16xf32>
          %swap3A_383 = vector.shape_cast %broadcast_in_dim3A_1 : vector<16xf32> to vector<16xf32>
          tpu.vector_store %arg4[%swap3A_380], %swap3A_383 {strides = array<i32>} : memref<32400xf32, #tpu.memory_space<vmem>>, vector<16xf32>,
          %swap3A_384 = arith.constant 28984 : index
          %swap3A_385 = tpu.vector_load %arg4[%swap3A_384] {strides = array<i32>} : memref<32400xf32, #tpu.memory_space<vmem>>, vector<16xf32>,
          %swap3A_386 = vector.shape_cast %swap3A_385 : vector<16xf32> to vector<16xf32>
          %swap3A_387 = vector.shape_cast %broadcast_in_dim3A_1 : vector<16xf32> to vector<16xf32>
          tpu.vector_store %arg4[%swap3A_384], %swap3A_387 {strides = array<i32>} : memref<32400xf32, #tpu.memory_space<vmem>>, vector<16xf32>,
          %swap3A_388 = arith.constant 29000 : index
          %swap3A_389 = tpu.vector_load %arg4[%swap3A_388] {strides = array<i32>} : memref<32400xf32, #tpu.memory_space<vmem>>, vector<16xf32>,
          %swap3A_390 = vector.shape_cast %swap3A_389 : vector<16xf32> to vector<16xf32>
          %swap3A_391 = vector.shape_cast %broadcast_in_dim3A_1 : vector<16xf32> to vector<16xf32>
          tpu.vector_store %arg4[%swap3A_388], %swap3A_391 {strides = array<i32>} : memref<32400xf32, #tpu.memory_space<vmem>>, vector<16xf32>,
          %swap3A_392 = arith.constant 29016 : index
          %swap3A_393 = tpu.vector_load %arg4[%swap3A_392] {strides = array<i32>} : memref<32400xf32, #tpu.memory_space<vmem>>, vector<16xf32>,
          %swap3A_394 = vector.shape_cast %swap3A_393 : vector<16xf32> to vector<16xf32>
          %swap3A_395 = vector.shape_cast %broadcast_in_dim3A_1 : vector<16xf32> to vector<16xf32>
          tpu.vector_store %arg4[%swap3A_392], %swap3A_395 {strides = array<i32>} : memref<32400xf32, #tpu.memory_space<vmem>>, vector<16xf32>,
        } else {
        }
        %eq3A_214 = arith.constant 13 : i32
        %eq3A_215 = arith.cmpi eq, %scan3A_22, %eq3A_214 : i32
        %convert_element_type3A_216 = arith.extui %eq3A_215 : i1 to i32
        %cond3A_217 = arith.constant 0 : i32
        %cond3A_218 = arith.cmpi ne, %convert_element_type3A_216, %cond3A_217 : i32
        scf.if %cond3A_218 {
          %swap3A = arith.constant 3368 : index
          %swap3A_229 = tpu.vector_load %arg4[%swap3A] {strides = array<i32>} : memref<32400xf32, #tpu.memory_space<vmem>>, vector<16xf32>,
          %swap3A_230 = vector.shape_cast %swap3A_229 : vector<16xf32> to vector<16xf32>
          %swap3A_231 = vector.shape_cast %broadcast_in_dim3A_1 : vector<16xf32> to vector<16xf32>
          tpu.vector_store %arg4[%swap3A], %swap3A_231 {strides = array<i32>} : memref<32400xf32, #tpu.memory_space<vmem>>, vector<16xf32>,
          %swap3A_232 = arith.constant 3384 : index
          %swap3A_233 = tpu.vector_load %arg4[%swap3A_232] {strides = array<i32>} : memref<32400xf32, #tpu.memory_space<vmem>>, vector<16xf32>,
          %swap3A_234 = vector.shape_cast %swap3A_233 : vector<16xf32> to vector<16xf32>
          %swap3A_235 = vector.shape_cast %broadcast_in_dim3A_1 : vector<16xf32> to vector<16xf32>
          tpu.vector_store %arg4[%swap3A_232], %swap3A_235 {strides = array<i32>} : memref<32400xf32, #tpu.memory_space<vmem>>, vector<16xf32>,
          %swap3A_236 = arith.constant 3400 : index
          %swap3A_237 = tpu.vector_load %arg4[%swap3A_236] {strides = array<i32>} : memref<32400xf32, #tpu.memory_space<vmem>>, vector<16xf32>,
          %swap3A_238 = vector.shape_cast %swap3A_237 : vector<16xf32> to vector<16xf32>
          %swap3A_239 = vector.shape_cast %broadcast_in_dim3A_1 : vector<16xf32> to vector<16xf32>
          tpu.vector_store %arg4[%swap3A_236], %swap3A_239 {strides = array<i32>} : memref<32400xf32, #tpu.memory_space<vmem>>, vector<16xf32>,
          %swap3A_240 = arith.constant 3416 : index
          %swap3A_241 = tpu.vector_load %arg4[%swap3A_240] {strides = array<i32>} : memref<32400xf32, #tpu.memory_space<vmem>>, vector<16xf32>,
          %swap3A_242 = vector.shape_cast %swap3A_241 : vector<16xf32> to vector<16xf32>
          %swap3A_243 = vector.shape_cast %broadcast_in_dim3A_1 : vector<16xf32> to vector<16xf32>
          tpu.vector_store %arg4[%swap3A_240], %swap3A_243 {strides = array<i32>} : memref<32400xf32, #tpu.memory_space<vmem>>, vector<16xf32>,
          %swap3A_244 = arith.constant 3432 : index
          %swap3A_245 = tpu.vector_load %arg4[%swap3A_244] {strides = array<i32>} : memref<32400xf32, #tpu.memory_space<vmem>>, vector<16xf32>,
          %swap3A_246 = vector.shape_cast %swap3A_245 : vector<16xf32> to vector<16xf32>
          %swap3A_247 = vector.shape_cast %broadcast_in_dim3A_1 : vector<16xf32> to vector<16xf32>
          tpu.vector_store %arg4[%swap3A_244], %swap3A_247 {strides = array<i32>} : memref<32400xf32, #tpu.memory_space<vmem>>, vector<16xf32>,
          %swap3A_248 = arith.constant 3448 : index
          %swap3A_249 = tpu.vector_load %arg4[%swap3A_248] {strides = array<i32>} : memref<32400xf32, #tpu.memory_space<vmem>>, vector<16xf32>,
          %swap3A_250 = vector.shape_cast %swap3A_249 : vector<16xf32> to vector<16xf32>
          %swap3A_251 = vector.shape_cast %broadcast_in_dim3A_1 : vector<16xf32> to vector<16xf32>
          tpu.vector_store %arg4[%swap3A_248], %swap3A_251 {strides = array<i32>} : memref<32400xf32, #tpu.memory_space<vmem>>, vector<16xf32>,
          %swap3A_252 = arith.constant 3464 : index
          %swap3A_253 = tpu.vector_load %arg4[%swap3A_252] {strides = array<i32>} : memref<32400xf32, #tpu.memory_space<vmem>>, vector<16xf32>,
          %swap3A_254 = vector.shape_cast %swap3A_253 : vector<16xf32> to vector<16xf32>
          %swap3A_255 = vector.shape_cast %broadcast_in_dim3A_1 : vector<16xf32> to vector<16xf32>
          tpu.vector_store %arg4[%swap3A_252], %swap3A_255 {strides = array<i32>} : memref<32400xf32, #tpu.memory_space<vmem>>, vector<16xf32>,
          %swap3A_256 = arith.constant 3480 : index
          %swap3A_257 = tpu.vector_load %arg4[%swap3A_256] {strides = array<i32>} : memref<32400xf32, #tpu.memory_space<vmem>>, vector<16xf32>,
          %swap3A_258 = vector.shape_cast %swap3A_257 : vector<16xf32> to vector<16xf32>
          %swap3A_259 = vector.shape_cast %broadcast_in_dim3A_1 : vector<16xf32> to vector<16xf32>
          tpu.vector_store %arg4[%swap3A_256], %swap3A_259 {strides = array<i32>} : memref<32400xf32, #tpu.memory_space<vmem>>, vector<16xf32>,
          %swap3A_260 = arith.constant 3496 : index
          %swap3A_261 = tpu.vector_load %arg4[%swap3A_260] {strides = array<i32>} : memref<32400xf32, #tpu.memory_space<vmem>>, vector<16xf32>,
          %swap3A_262 = vector.shape_cast %swap3A_261 : vector<16xf32> to vector<16xf32>
          %swap3A_263 = vector.shape_cast %broadcast_in_dim3A_1 : vector<16xf32> to vector<16xf32>
          tpu.vector_store %arg4[%swap3A_260], %swap3A_263 {strides = array<i32>} : memref<32400xf32, #tpu.memory_space<vmem>>, vector<16xf32>,
          %swap3A_264 = arith.constant 3512 : index
          %swap3A_265 = tpu.vector_load %arg4[%swap3A_264] {strides = array<i32>} : memref<32400xf32, #tpu.memory_space<vmem>>, vector<16xf32>,
          %swap3A_266 = vector.shape_cast %swap3A_265 : vector<16xf32> to vector<16xf32>
          %swap3A_267 = vector.shape_cast %broadcast_in_dim3A_1 : vector<16xf32> to vector<16xf32>
          tpu.vector_store %arg4[%swap3A_264], %swap3A_267 {strides = array<i32>} : memref<32400xf32, #tpu.memory_space<vmem>>, vector<16xf32>,
          %swap3A_268 = arith.constant 3528 : index
          %swap3A_269 = tpu.vector_load %arg4[%swap3A_268] {strides = array<i32>} : memref<32400xf32, #tpu.memory_space<vmem>>, vector<16xf32>,
          %swap3A_270 = vector.shape_cast %swap3A_269 : vector<16xf32> to vector<16xf32>
          %swap3A_271 = vector.shape_cast %broadcast_in_dim3A_1 : vector<16xf32> to vector<16xf32>
          tpu.vector_store %arg4[%swap3A_268], %swap3A_271 {strides = array<i32>} : memref<32400xf32, #tpu.memory_space<vmem>>, vector<16xf32>,
          %swap3A_272 = arith.constant 3544 : index
          %swap3A_273 = tpu.vector_load %arg4[%swap3A_272] {strides = array<i32>} : memref<32400xf32, #tpu.memory_space<vmem>>, vector<16xf32>,
          %swap3A_274 = vector.shape_cast %swap3A_273 : vector<16xf32> to vector<16xf32>
          %swap3A_275 = vector.shape_cast %broadcast_in_dim3A_1 : vector<16xf32> to vector<16xf32>
          tpu.vector_store %arg4[%swap3A_272], %swap3A_275 {strides = array<i32>} : memref<32400xf32, #tpu.memory_space<vmem>>, vector<16xf32>,
          %swap3A_276 = arith.constant 3560 : index
          %swap3A_277 = tpu.vector_load %arg4[%swap3A_276] {strides = array<i32>} : memref<32400xf32, #tpu.memory_space<vmem>>, vector<16xf32>,
          %swap3A_278 = vector.shape_cast %swap3A_277 : vector<16xf32> to vector<16xf32>
          %swap3A_279 = vector.shape_cast %broadcast_in_dim3A_1 : vector<16xf32> to vector<16xf32>
          tpu.vector_store %arg4[%swap3A_276], %swap3A_279 {strides = array<i32>} : memref<32400xf32, #tpu.memory_space<vmem>>, vector<16xf32>,
          %swap3A_280 = arith.constant 3576 : index
          %swap3A_281 = tpu.vector_load %arg4[%swap3A_280] {strides = array<i32>} : memref<32400xf32, #tpu.memory_space<vmem>>, vector<16xf32>,
          %swap3A_282 = vector.shape_cast %swap3A_281 : vector<16xf32> to vector<16xf32>
          %swap3A_283 = vector.shape_cast %broadcast_in_dim3A_1 : vector<16xf32> to vector<16xf32>
          tpu.vector_store %arg4[%swap3A_280], %swap3A_283 {strides = array<i32>} : memref<32400xf32, #tpu.memory_space<vmem>>, vector<16xf32>,
          %swap3A_284 = arith.constant 6968 : index
          %swap3A_285 = tpu.vector_load %arg4[%swap3A_284] {strides = array<i32>} : memref<32400xf32, #tpu.memory_space<vmem>>, vector<16xf32>,
          %swap3A_286 = vector.shape_cast %swap3A_285 : vector<16xf32> to vector<16xf32>
          %swap3A_287 = vector.shape_cast %broadcast_in_dim3A_1 : vector<16xf32> to vector<16xf32>
          tpu.vector_store %arg4[%swap3A_284], %swap3A_287 {strides = array<i32>} : memref<32400xf32, #tpu.memory_space<vmem>>, vector<16xf32>,
          %swap3A_288 = arith.constant 6984 : index
          %swap3A_289 = tpu.vector_load %arg4[%swap3A_288] {strides = array<i32>} : memref<32400xf32, #tpu.memory_space<vmem>>, vector<16xf32>,
          %swap3A_290 = vector.shape_cast %swap3A_289 : vector<16xf32> to vector<16xf32>
          %swap3A_291 = vector.shape_cast %broadcast_in_dim3A_1 : vector<16xf32> to vector<16xf32>
          tpu.vector_store %arg4[%swap3A_288], %swap3A_291 {strides = array<i32>} : memref<32400xf32, #tpu.memory_space<vmem>>, vector<16xf32>,
          %swap3A_292 = arith.constant 7000 : index
          %swap3A_293 = tpu.vector_load %arg4[%swap3A_292] {strides = array<i32>} : memref<32400xf32, #tpu.memory_space<vmem>>, vector<16xf32>,
          %swap3A_294 = vector.shape_cast %swap3A_293 : vector<16xf32> to vector<16xf32>
          %swap3A_295 = vector.shape_cast %broadcast_in_dim3A_1 : vector<16xf32> to vector<16xf32>
          tpu.vector_store %arg4[%swap3A_292], %swap3A_295 {strides = array<i32>} : memref<32400xf32, #tpu.memory_space<vmem>>, vector<16xf32>,
          %swap3A_296 = arith.constant 7016 : index
          %swap3A_297 = tpu.vector_load %arg4[%swap3A_296] {strides = array<i32>} : memref<32400xf32, #tpu.memory_space<vmem>>, vector<16xf32>,
          %swap3A_298 = vector.shape_cast %swap3A_297 : vector<16xf32> to vector<16xf32>
          %swap3A_299 = vector.shape_cast %broadcast_in_dim3A_1 : vector<16xf32> to vector<16xf32>
          tpu.vector_store %arg4[%swap3A_296], %swap3A_299 {strides = array<i32>} : memref<32400xf32, #tpu.memory_space<vmem>>, vector<16xf32>,
          %swap3A_300 = arith.constant 7032 : index
          %swap3A_301 = tpu.vector_load %arg4[%swap3A_300] {strides = array<i32>} : memref<32400xf32, #tpu.memory_space<vmem>>, vector<16xf32>,
          %swap3A_302 = vector.shape_cast %swap3A_301 : vector<16xf32> to vector<16xf32>
          %swap3A_303 = vector.shape_cast %broadcast_in_dim3A_1 : vector<16xf32> to vector<16xf32>
          tpu.vector_store %arg4[%swap3A_300], %swap3A_303 {strides = array<i32>} : memref<32400xf32, #tpu.memory_space<vmem>>, vector<16xf32>,
          %swap3A_304 = arith.constant 7048 : index
          %swap3A_305 = tpu.vector_load %arg4[%swap3A_304] {strides = array<i32>} : memref<32400xf32, #tpu.memory_space<vmem>>, vector<16xf32>,
          %swap3A_306 = vector.shape_cast %swap3A_305 : vector<16xf32> to vector<16xf32>
          %swap3A_307 = vector.shape_cast %broadcast_in_dim3A_1 : vector<16xf32> to vector<16xf32>
          tpu.vector_store %arg4[%swap3A_304], %swap3A_307 {strides = array<i32>} : memref<32400xf32, #tpu.memory_space<vmem>>, vector<16xf32>,
          %swap3A_308 = arith.constant 7064 : index
          %swap3A_309 = tpu.vector_load %arg4[%swap3A_308] {strides = array<i32>} : memref<32400xf32, #tpu.memory_space<vmem>>, vector<16xf32>,
          %swap3A_310 = vector.shape_cast %swap3A_309 : vector<16xf32> to vector<16xf32>
          %swap3A_311 = vector.shape_cast %broadcast_in_dim3A_1 : vector<16xf32> to vector<16xf32>
          tpu.vector_store %arg4[%swap3A_308], %swap3A_311 {strides = array<i32>} : memref<32400xf32, #tpu.memory_space<vmem>>, vector<16xf32>,
          %swap3A_312 = arith.constant 7080 : index
          %swap3A_313 = tpu.vector_load %arg4[%swap3A_312] {strides = array<i32>} : memref<32400xf32, #tpu.memory_space<vmem>>, vector<16xf32>,
          %swap3A_314 = vector.shape_cast %swap3A_313 : vector<16xf32> to vector<16xf32>
          %swap3A_315 = vector.shape_cast %broadcast_in_dim3A_1 : vector<16xf32> to vector<16xf32>
          tpu.vector_store %arg4[%swap3A_312], %swap3A_315 {strides = array<i32>} : memref<32400xf32, #tpu.memory_space<vmem>>, vector<16xf32>,
          %swap3A_316 = arith.constant 7096 : index
          %swap3A_317 = tpu.vector_load %arg4[%swap3A_316] {strides = array<i32>} : memref<32400xf32, #tpu.memory_space<vmem>>, vector<16xf32>,
          %swap3A_318 = vector.shape_cast %swap3A_317 : vector<16xf32> to vector<16xf32>
          %swap3A_319 = vector.shape_cast %broadcast_in_dim3A_1 : vector<16xf32> to vector<16xf32>
          tpu.vector_store %arg4[%swap3A_316], %swap3A_319 {strides = array<i32>} : memref<32400xf32, #tpu.memory_space<vmem>>, vector<16xf32>,
          %swap3A_320 = arith.constant 7112 : index
          %swap3A_321 = tpu.vector_load %arg4[%swap3A_320] {strides = array<i32>} : memref<32400xf32, #tpu.memory_space<vmem>>, vector<16xf32>,
          %swap3A_322 = vector.shape_cast %swap3A_321 : vector<16xf32> to vector<16xf32>
          %swap3A_323 = vector.shape_cast %broadcast_in_dim3A_1 : vector<16xf32> to vector<16xf32>
          tpu.vector_store %arg4[%swap3A_320], %swap3A_323 {strides = array<i32>} : memref<32400xf32, #tpu.memory_space<vmem>>, vector<16xf32>,
          %swap3A_324 = arith.constant 7128 : index
          %swap3A_325 = tpu.vector_load %arg4[%swap3A_324] {strides = array<i32>} : memref<32400xf32, #tpu.memory_space<vmem>>, vector<16xf32>,
          %swap3A_326 = vector.shape_cast %swap3A_325 : vector<16xf32> to vector<16xf32>
          %swap3A_327 = vector.shape_cast %broadcast_in_dim3A_1 : vector<16xf32> to vector<16xf32>
          tpu.vector_store %arg4[%swap3A_324], %swap3A_327 {strides = array<i32>} : memref<32400xf32, #tpu.memory_space<vmem>>, vector<16xf32>,
          %swap3A_328 = arith.constant 7144 : index
          %swap3A_329 = tpu.vector_load %arg4[%swap3A_328] {strides = array<i32>} : memref<32400xf32, #tpu.memory_space<vmem>>, vector<16xf32>,
          %swap3A_330 = vector.shape_cast %swap3A_329 : vector<16xf32> to vector<16xf32>
          %swap3A_331 = vector.shape_cast %broadcast_in_dim3A_1 : vector<16xf32> to vector<16xf32>
          tpu.vector_store %arg4[%swap3A_328], %swap3A_331 {strides = array<i32>} : memref<32400xf32, #tpu.memory_space<vmem>>, vector<16xf32>,
          %swap3A_332 = arith.constant 7160 : index
          %swap3A_333 = tpu.vector_load %arg4[%swap3A_332] {strides = array<i32>} : memref<32400xf32, #tpu.memory_space<vmem>>, vector<16xf32>,
          %swap3A_334 = vector.shape_cast %swap3A_333 : vector<16xf32> to vector<16xf32>
          %swap3A_335 = vector.shape_cast %broadcast_in_dim3A_1 : vector<16xf32> to vector<16xf32>
          tpu.vector_store %arg4[%swap3A_332], %swap3A_335 {strides = array<i32>} : memref<32400xf32, #tpu.memory_space<vmem>>, vector<16xf32>,
          %swap3A_336 = arith.constant 7176 : index
          %swap3A_337 = tpu.vector_load %arg4[%swap3A_336] {strides = array<i32>} : memref<32400xf32, #tpu.memory_space<vmem>>, vector<16xf32>,
          %swap3A_338 = vector.shape_cast %swap3A_337 : vector<16xf32> to vector<16xf32>
          %swap3A_339 = vector.shape_cast %broadcast_in_dim3A_1 : vector<16xf32> to vector<16xf32>
          tpu.vector_store %arg4[%swap3A_336], %swap3A_339 {strides = array<i32>} : memref<32400xf32, #tpu.memory_space<vmem>>, vector<16xf32>,
          %swap3A_340 = arith.constant 10568 : index
          %swap3A_341 = tpu.vector_load %arg4[%swap3A_340] {strides = array<i32>} : memref<32400xf32, #tpu.memory_space<vmem>>, vector<16xf32>,
          %swap3A_342 = vector.shape_cast %swap3A_341 : vector<16xf32> to vector<16xf32>
          %swap3A_343 = vector.shape_cast %broadcast_in_dim3A_1 : vector<16xf32> to vector<16xf32>
          tpu.vector_store %arg4[%swap3A_340], %swap3A_343 {strides = array<i32>} : memref<32400xf32, #tpu.memory_space<vmem>>, vector<16xf32>,
          %swap3A_344 = arith.constant 10584 : index
          %swap3A_345 = tpu.vector_load %arg4[%swap3A_344] {strides = array<i32>} : memref<32400xf32, #tpu.memory_space<vmem>>, vector<16xf32>,
          %swap3A_346 = vector.shape_cast %swap3A_345 : vector<16xf32> to vector<16xf32>
          %swap3A_347 = vector.shape_cast %broadcast_in_dim3A_1 : vector<16xf32> to vector<16xf32>
          tpu.vector_store %arg4[%swap3A_344], %swap3A_347 {strides = array<i32>} : memref<32400xf32, #tpu.memory_space<vmem>>, vector<16xf32>,
          %swap3A_348 = arith.constant 10600 : index
          %swap3A_349 = tpu.vector_load %arg4[%swap3A_348] {strides = array<i32>} : memref<32400xf32, #tpu.memory_space<vmem>>, vector<16xf32>,
          %swap3A_350 = vector.shape_cast %swap3A_349 : vector<16xf32> to vector<16xf32>
          %swap3A_351 = vector.shape_cast %broadcast_in_dim3A_1 : vector<16xf32> to vector<16xf32>
          tpu.vector_store %arg4[%swap3A_348], %swap3A_351 {strides = array<i32>} : memref<32400xf32, #tpu.memory_space<vmem>>, vector<16xf32>,
          %swap3A_352 = arith.constant 10616 : index
          %swap3A_353 = tpu.vector_load %arg4[%swap3A_352] {strides = array<i32>} : memref<32400xf32, #tpu.memory_space<vmem>>, vector<16xf32>,
          %swap3A_354 = vector.shape_cast %swap3A_353 : vector<16xf32> to vector<16xf32>
          %swap3A_355 = vector.shape_cast %broadcast_in_dim3A_1 : vector<16xf32> to vector<16xf32>
          tpu.vector_store %arg4[%swap3A_352], %swap3A_355 {strides = array<i32>} : memref<32400xf32, #tpu.memory_space<vmem>>, vector<16xf32>,
          %swap3A_356 = arith.constant 10632 : index
          %swap3A_357 = tpu.vector_load %arg4[%swap3A_356] {strides = array<i32>} : memref<32400xf32, #tpu.memory_space<vmem>>, vector<16xf32>,
          %swap3A_358 = vector.shape_cast %swap3A_357 : vector<16xf32> to vector<16xf32>
          %swap3A_359 = vector.shape_cast %broadcast_in_dim3A_1 : vector<16xf32> to vector<16xf32>
          tpu.vector_store %arg4[%swap3A_356], %swap3A_359 {strides = array<i32>} : memref<32400xf32, #tpu.memory_space<vmem>>, vector<16xf32>,
          %swap3A_360 = arith.constant 10648 : index
          %swap3A_361 = tpu.vector_load %arg4[%swap3A_360] {strides = array<i32>} : memref<32400xf32, #tpu.memory_space<vmem>>, vector<16xf32>,
          %swap3A_362 = vector.shape_cast %swap3A_361 : vector<16xf32> to vector<16xf32>
          %swap3A_363 = vector.shape_cast %broadcast_in_dim3A_1 : vector<16xf32> to vector<16xf32>
          tpu.vector_store %arg4[%swap3A_360], %swap3A_363 {strides = array<i32>} : memref<32400xf32, #tpu.memory_space<vmem>>, vector<16xf32>,
          %swap3A_364 = arith.constant 10664 : index
          %swap3A_365 = tpu.vector_load %arg4[%swap3A_364] {strides = array<i32>} : memref<32400xf32, #tpu.memory_space<vmem>>, vector<16xf32>,
          %swap3A_366 = vector.shape_cast %swap3A_365 : vector<16xf32> to vector<16xf32>
          %swap3A_367 = vector.shape_cast %broadcast_in_dim3A_1 : vector<16xf32> to vector<16xf32>
          tpu.vector_store %arg4[%swap3A_364], %swap3A_367 {strides = array<i32>} : memref<32400xf32, #tpu.memory_space<vmem>>, vector<16xf32>,
          %swap3A_368 = arith.constant 10680 : index
          %swap3A_369 = tpu.vector_load %arg4[%swap3A_368] {strides = array<i32>} : memref<32400xf32, #tpu.memory_space<vmem>>, vector<16xf32>,
          %swap3A_370 = vector.shape_cast %swap3A_369 : vector<16xf32> to vector<16xf32>
          %swap3A_371 = vector.shape_cast %broadcast_in_dim3A_1 : vector<16xf32> to vector<16xf32>
          tpu.vector_store %arg4[%swap3A_368], %swap3A_371 {strides = array<i32>} : memref<32400xf32, #tpu.memory_space<vmem>>, vector<16xf32>,
          %swap3A_372 = arith.constant 10696 : index
          %swap3A_373 = tpu.vector_load %arg4[%swap3A_372] {strides = array<i32>} : memref<32400xf32, #tpu.memory_space<vmem>>, vector<16xf32>,
          %swap3A_374 = vector.shape_cast %swap3A_373 : vector<16xf32> to vector<16xf32>
          %swap3A_375 = vector.shape_cast %broadcast_in_dim3A_1 : vector<16xf32> to vector<16xf32>
          tpu.vector_store %arg4[%swap3A_372], %swap3A_375 {strides = array<i32>} : memref<32400xf32, #tpu.memory_space<vmem>>, vector<16xf32>,
          %swap3A_376 = arith.constant 10712 : index
          %swap3A_377 = tpu.vector_load %arg4[%swap3A_376] {strides = array<i32>} : memref<32400xf32, #tpu.memory_space<vmem>>, vector<16xf32>,
          %swap3A_378 = vector.shape_cast %swap3A_377 : vector<16xf32> to vector<16xf32>
          %swap3A_379 = vector.shape_cast %broadcast_in_dim3A_1 : vector<16xf32> to vector<16xf32>
          tpu.vector_store %arg4[%swap3A_376], %swap3A_379 {strides = array<i32>} : memref<32400xf32, #tpu.memory_space<vmem>>, vector<16xf32>,
          %swap3A_380 = arith.constant 10728 : index
          %swap3A_381 = tpu.vector_load %arg4[%swap3A_380] {strides = array<i32>} : memref<32400xf32, #tpu.memory_space<vmem>>, vector<16xf32>,
          %swap3A_382 = vector.shape_cast %swap3A_381 : vector<16xf32> to vector<16xf32>
          %swap3A_383 = vector.shape_cast %broadcast_in_dim3A_1 : vector<16xf32> to vector<16xf32>
          tpu.vector_store %arg4[%swap3A_380], %swap3A_383 {strides = array<i32>} : memref<32400xf32, #tpu.memory_space<vmem>>, vector<16xf32>,
          %swap3A_384 = arith.constant 10744 : index
          %swap3A_385 = tpu.vector_load %arg4[%swap3A_384] {strides = array<i32>} : memref<32400xf32, #tpu.memory_space<vmem>>, vector<16xf32>,
          %swap3A_386 = vector.shape_cast %swap3A_385 : vector<16xf32> to vector<16xf32>
          %swap3A_387 = vector.shape_cast %broadcast_in_dim3A_1 : vector<16xf32> to vector<16xf32>
          tpu.vector_store %arg4[%swap3A_384], %swap3A_387 {strides = array<i32>} : memref<32400xf32, #tpu.memory_space<vmem>>, vector<16xf32>,
          %swap3A_388 = arith.constant 10760 : index
          %swap3A_389 = tpu.vector_load %arg4[%swap3A_388] {strides = array<i32>} : memref<32400xf32, #tpu.memory_space<vmem>>, vector<16xf32>,
          %swap3A_390 = vector.shape_cast %swap3A_389 : vector<16xf32> to vector<16xf32>
          %swap3A_391 = vector.shape_cast %broadcast_in_dim3A_1 : vector<16xf32> to vector<16xf32>
          tpu.vector_store %arg4[%swap3A_388], %swap3A_391 {strides = array<i32>} : memref<32400xf32, #tpu.memory_space<vmem>>, vector<16xf32>,
          %swap3A_392 = arith.constant 10776 : index
          %swap3A_393 = tpu.vector_load %arg4[%swap3A_392] {strides = array<i32>} : memref<32400xf32, #tpu.memory_space<vmem>>, vector<16xf32>,
          %swap3A_394 = vector.shape_cast %swap3A_393 : vector<16xf32> to vector<16xf32>
          %swap3A_395 = vector.shape_cast %broadcast_in_dim3A_1 : vector<16xf32> to vector<16xf32>
          tpu.vector_store %arg4[%swap3A_392], %swap3A_395 {strides = array<i32>} : memref<32400xf32, #tpu.memory_space<vmem>>, vector<16xf32>,
        } else {
        }
        %scan3A_219 = arith.constant 0 : i32
        %scan3A_220 = arith.constant 16 : i32
        %scan3A_221 = arith.addi %scan3A_219, %scan3A_220 : i32
        %scan3A_222 = arith.constant 1 : i32
        scf.for %scan3A_229 = %scan3A_219 to %scan3A_221 step %scan3A_222  : i32 {
          %mul3A_230 = arith.constant 224 : i32
          %mul3A_231 = arith.muli %scan3A_229, %mul3A_230 : i32
          %add3A_232 = arith.constant 8 : i32
          %add3A_233 = arith.addi %add3A_232, %mul3A_231 : i32
          %add3A_234 = arith.constant 0 : i32
          %add3A_235 = arith.addi %add3A_233, %add3A_234 : i32
          %add3A_236 = arith.constant 3600 : i32
          %add3A_237 = arith.addi %add3A_236, %add3A_235 : i32
          %get3A = arith.index_cast %add3A_237 : i32 to index
          %get3A_238 = tpu.vector_load %arg4[%get3A] {strides = array<i32>} : memref<32400xf32, #tpu.memory_space<vmem>>, vector<16xf32>,
          %get3A_239 = vector.shape_cast %get3A_238 : vector<16xf32> to vector<16xf32>
          %add3A_240 = arith.constant 14400 : i32
          %add3A_241 = arith.addi %add3A_240, %add3A_235 : i32
          %get3A_242 = arith.index_cast %add3A_241 : i32 to index
          %get3A_243 = tpu.vector_load %arg4[%get3A_242] {strides = array<i32>} : memref<32400xf32, #tpu.memory_space<vmem>>, vector<16xf32>,
          %get3A_244 = vector.shape_cast %get3A_243 : vector<16xf32> to vector<16xf32>
          %add3A_245 = arith.addf %get3A_239, %get3A_244 : vector<16xf32>
          %add3A_246 = arith.constant 25200 : i32
          %add3A_247 = arith.addi %add3A_246, %add3A_235 : i32
          %get3A_248 = arith.index_cast %add3A_247 : i32 to index
          %get3A_249 = tpu.vector_load %arg4[%get3A_248] {strides = array<i32>} : memref<32400xf32, #tpu.memory_space<vmem>>, vector<16xf32>,
          %get3A_250 = vector.shape_cast %get3A_249 : vector<16xf32> to vector<16xf32>
          %add3A_251 = arith.addf %add3A_245, %get3A_250 : vector<16xf32>
          %add3A_252 = arith.constant 0 : i32
          %add3A_253 = arith.addi %add3A_252, %add3A_235 : i32
          %add3A_254 = arith.constant 1 : i32
          %add3A_255 = arith.addi %add3A_253, %add3A_254 : i32
          %get3A_256 = arith.index_cast %add3A_255 : i32 to index
          %get3A_257 = tpu.vector_load %arg4[%get3A_256] {strides = array<i32>} : memref<32400xf32, #tpu.memory_space<vmem>>, vector<16xf32>,
          %get3A_258 = vector.shape_cast %get3A_257 : vector<16xf32> to vector<16xf32>
          %add3A_259 = arith.addf %add3A_251, %get3A_258 : vector<16xf32>
          %add3A_260 = arith.constant 10800 : i32
          %add3A_261 = arith.addi %add3A_260, %add3A_235 : i32
          %add3A_262 = arith.constant 1 : i32
          %add3A_263 = arith.addi %add3A_261, %add3A_262 : i32
          %get3A_264 = arith.index_cast %add3A_263 : i32 to index
          %get3A_265 = tpu.vector_load %arg4[%get3A_264] {strides = array<i32>} : memref<32400xf32, #tpu.memory_space<vmem>>, vector<16xf32>,
          %get3A_266 = vector.shape_cast %get3A_265 : vector<16xf32> to vector<16xf32>
          %add3A_267 = arith.addf %add3A_259, %get3A_266 : vector<16xf32>
          %add3A_268 = arith.constant 21600 : i32
          %add3A_269 = arith.addi %add3A_268, %add3A_235 : i32
          %add3A_270 = arith.constant 1 : i32
          %add3A_271 = arith.addi %add3A_269, %add3A_270 : i32
          %get3A_272 = arith.index_cast %add3A_271 : i32 to index
          %get3A_273 = tpu.vector_load %arg4[%get3A_272] {strides = array<i32>} : memref<32400xf32, #tpu.memory_space<vmem>>, vector<16xf32>,
          %get3A_274 = vector.shape_cast %get3A_273 : vector<16xf32> to vector<16xf32>
          %add3A_275 = arith.addf %add3A_267, %get3A_274 : vector<16xf32>
          %add3A_276 = arith.constant 7200 : i32
          %add3A_277 = arith.addi %add3A_276, %add3A_235 : i32
          %sub3A_278 = arith.constant 1 : i32
          %sub3A_279 = arith.subi %add3A_277, %sub3A_278 : i32
          %get3A_280 = arith.index_cast %sub3A_279 : i32 to index
          %get3A_281 = tpu.vector_load %arg4[%get3A_280] {strides = array<i32>} : memref<32400xf32, #tpu.memory_space<vmem>>, vector<16xf32>,
          %get3A_282 = vector.shape_cast %get3A_281 : vector<16xf32> to vector<16xf32>
          %jit3A = arith.constant 0.000000e+00 : f32
          %broadcast_in_dim3A_283 = vector.broadcast %jit3A : f32 to vector<16xf32>
          %select_n3A = arith.select %eq3A_3, %broadcast_in_dim3A_283, %get3A_282 : vector<16xi1>, vector<16xf32>
          %add3A_284 = arith.addf %add3A_275, %select_n3A : vector<16xf32>
          %add3A_285 = arith.constant 18000 : i32
          %add3A_286 = arith.addi %add3A_285, %add3A_235 : i32
          %sub3A_287 = arith.constant 1 : i32
          %sub3A_288 = arith.subi %add3A_286, %sub3A_287 : i32
          %get3A_289 = arith.index_cast %sub3A_288 : i32 to index
          %get3A_290 = tpu.vector_load %arg4[%get3A_289] {strides = array<i32>} : memref<32400xf32, #tpu.memory_space<vmem>>, vector<16xf32>,
          %get3A_291 = vector.shape_cast %get3A_290 : vector<16xf32> to vector<16xf32>
          %jit3A_292 = arith.constant 0.000000e+00 : f32
          %broadcast_in_dim3A_293 = vector.broadcast %jit3A_292 : f32 to vector<16xf32>
          %select_n3A_294 = arith.select %eq3A_3, %broadcast_in_dim3A_293, %get3A_291 : vector<16xi1>, vector<16xf32>
          %add3A_295 = arith.addf %add3A_284, %select_n3A_294 : vector<16xf32>
          %add3A_296 = arith.constant 28800 : i32
          %add3A_297 = arith.addi %add3A_296, %add3A_235 : i32
          %sub3A_298 = arith.constant 1 : i32
          %sub3A_299 = arith.subi %add3A_297, %sub3A_298 : i32
          %get3A_300 = arith.index_cast %sub3A_299 : i32 to index
          %get3A_301 = tpu.vector_load %arg4[%get3A_300] {strides = array<i32>} : memref<32400xf32, #tpu.memory_space<vmem>>, vector<16xf32>,
          %get3A_302 = vector.shape_cast %get3A_301 : vector<16xf32> to vector<16xf32>
          %jit3A_303 = arith.constant 0.000000e+00 : f32
          %broadcast_in_dim3A_304 = vector.broadcast %jit3A_303 : f32 to vector<16xf32>
          %select_n3A_305 = arith.select %eq3A_3, %broadcast_in_dim3A_304, %get3A_302 : vector<16xi1>, vector<16xf32>
          %add3A_306 = arith.addf %add3A_295, %select_n3A_305 : vector<16xf32>
          %mul3A_307 = arith.constant 224 : i32
          %mul3A_308 = arith.muli %scan3A_229, %mul3A_307 : i32
          %add3A_309 = arith.constant 0 : i32
          %add3A_310 = arith.addi %mul3A_308, %add3A_309 : i32
          %swap3A = arith.index_cast %add3A_310 : i32 to index
          %swap3A_311 = tpu.vector_load %arg5[%swap3A] {strides = array<i32>} : memref<3584xf32, #tpu.memory_space<vmem>>, vector<16xf32>,
          %swap3A_312 = vector.shape_cast %swap3A_311 : vector<16xf32> to vector<16xf32>
          %swap3A_313 = vector.shape_cast %add3A_306 : vector<16xf32> to vector<16xf32>
          tpu.vector_store %arg5[%swap3A], %swap3A_313 {strides = array<i32>} : memref<3584xf32, #tpu.memory_space<vmem>>, vector<16xf32>,
          %add3A_314 = arith.constant 16 : i32
          %add3A_315 = arith.addi %add3A_233, %add3A_314 : i32
          %add3A_316 = arith.constant 3600 : i32
          %add3A_317 = arith.addi %add3A_316, %add3A_315 : i32
          %get3A_318 = arith.index_cast %add3A_317 : i32 to index
          %get3A_319 = tpu.vector_load %arg4[%get3A_318] {strides = array<i32>} : memref<32400xf32, #tpu.memory_space<vmem>>, vector<16xf32>,
          %get3A_320 = vector.shape_cast %get3A_319 : vector<16xf32> to vector<16xf32>
          %add3A_321 = arith.constant 14400 : i32
          %add3A_322 = arith.addi %add3A_321, %add3A_315 : i32
          %get3A_323 = arith.index_cast %add3A_322 : i32 to index
          %get3A_324 = tpu.vector_load %arg4[%get3A_323] {strides = array<i32>} : memref<32400xf32, #tpu.memory_space<vmem>>, vector<16xf32>,
          %get3A_325 = vector.shape_cast %get3A_324 : vector<16xf32> to vector<16xf32>
          %add3A_326 = arith.addf %get3A_320, %get3A_325 : vector<16xf32>
          %add3A_327 = arith.constant 25200 : i32
          %add3A_328 = arith.addi %add3A_327, %add3A_315 : i32
          %get3A_329 = arith.index_cast %add3A_328 : i32 to index
          %get3A_330 = tpu.vector_load %arg4[%get3A_329] {strides = array<i32>} : memref<32400xf32, #tpu.memory_space<vmem>>, vector<16xf32>,
          %get3A_331 = vector.shape_cast %get3A_330 : vector<16xf32> to vector<16xf32>
          %add3A_332 = arith.addf %add3A_326, %get3A_331 : vector<16xf32>
          %add3A_333 = arith.constant 0 : i32
          %add3A_334 = arith.addi %add3A_333, %add3A_315 : i32
          %add3A_335 = arith.constant 1 : i32
          %add3A_336 = arith.addi %add3A_334, %add3A_335 : i32
          %get3A_337 = arith.index_cast %add3A_336 : i32 to index
          %get3A_338 = tpu.vector_load %arg4[%get3A_337] {strides = array<i32>} : memref<32400xf32, #tpu.memory_space<vmem>>, vector<16xf32>,
          %get3A_339 = vector.shape_cast %get3A_338 : vector<16xf32> to vector<16xf32>
          %add3A_340 = arith.addf %add3A_332, %get3A_339 : vector<16xf32>
          %add3A_341 = arith.constant 10800 : i32
          %add3A_342 = arith.addi %add3A_341, %add3A_315 : i32
          %add3A_343 = arith.constant 1 : i32
          %add3A_344 = arith.addi %add3A_342, %add3A_343 : i32
          %get3A_345 = arith.index_cast %add3A_344 : i32 to index
          %get3A_346 = tpu.vector_load %arg4[%get3A_345] {strides = array<i32>} : memref<32400xf32, #tpu.memory_space<vmem>>, vector<16xf32>,
          %get3A_347 = vector.shape_cast %get3A_346 : vector<16xf32> to vector<16xf32>
          %add3A_348 = arith.addf %add3A_340, %get3A_347 : vector<16xf32>
          %add3A_349 = arith.constant 21600 : i32
          %add3A_350 = arith.addi %add3A_349, %add3A_315 : i32
          %add3A_351 = arith.constant 1 : i32
          %add3A_352 = arith.addi %add3A_350, %add3A_351 : i32
          %get3A_353 = arith.index_cast %add3A_352 : i32 to index
          %get3A_354 = tpu.vector_load %arg4[%get3A_353] {strides = array<i32>} : memref<32400xf32, #tpu.memory_space<vmem>>, vector<16xf32>,
          %get3A_355 = vector.shape_cast %get3A_354 : vector<16xf32> to vector<16xf32>
          %add3A_356 = arith.addf %add3A_348, %get3A_355 : vector<16xf32>
          %add3A_357 = arith.constant 7200 : i32
          %add3A_358 = arith.addi %add3A_357, %add3A_315 : i32
          %sub3A_359 = arith.constant 1 : i32
          %sub3A_360 = arith.subi %add3A_358, %sub3A_359 : i32
          %get3A_361 = arith.index_cast %sub3A_360 : i32 to index
          %get3A_362 = tpu.vector_load %arg4[%get3A_361] {strides = array<i32>} : memref<32400xf32, #tpu.memory_space<vmem>>, vector<16xf32>,
          %get3A_363 = vector.shape_cast %get3A_362 : vector<16xf32> to vector<16xf32>
          %add3A_364 = arith.addf %add3A_356, %get3A_363 : vector<16xf32>
          %add3A_365 = arith.constant 18000 : i32
          %add3A_366 = arith.addi %add3A_365, %add3A_315 : i32
          %sub3A_367 = arith.constant 1 : i32
          %sub3A_368 = arith.subi %add3A_366, %sub3A_367 : i32
          %get3A_369 = arith.index_cast %sub3A_368 : i32 to index
          %get3A_370 = tpu.vector_load %arg4[%get3A_369] {strides = array<i32>} : memref<32400xf32, #tpu.memory_space<vmem>>, vector<16xf32>,
          %get3A_371 = vector.shape_cast %get3A_370 : vector<16xf32> to vector<16xf32>
          %add3A_372 = arith.addf %add3A_364, %get3A_371 : vector<16xf32>
          %add3A_373 = arith.constant 28800 : i32
          %add3A_374 = arith.addi %add3A_373, %add3A_315 : i32
          %sub3A_375 = arith.constant 1 : i32
          %sub3A_376 = arith.subi %add3A_374, %sub3A_375 : i32
          %get3A_377 = arith.index_cast %sub3A_376 : i32 to index
          %get3A_378 = tpu.vector_load %arg4[%get3A_377] {strides = array<i32>} : memref<32400xf32, #tpu.memory_space<vmem>>, vector<16xf32>,
          %get3A_379 = vector.shape_cast %get3A_378 : vector<16xf32> to vector<16xf32>
          %add3A_380 = arith.addf %add3A_372, %get3A_379 : vector<16xf32>
          %mul3A_381 = arith.constant 224 : i32
          %mul3A_382 = arith.muli %scan3A_229, %mul3A_381 : i32
          %add3A_383 = arith.constant 16 : i32
          %add3A_384 = arith.addi %mul3A_382, %add3A_383 : i32
          %swap3A_385 = arith.index_cast %add3A_384 : i32 to index
          %swap3A_386 = tpu.vector_load %arg5[%swap3A_385] {strides = array<i32>} : memref<3584xf32, #tpu.memory_space<vmem>>, vector<16xf32>,
          %swap3A_387 = vector.shape_cast %swap3A_386 : vector<16xf32> to vector<16xf32>
          %swap3A_388 = vector.shape_cast %add3A_380 : vector<16xf32> to vector<16xf32>
          tpu.vector_store %arg5[%swap3A_385], %swap3A_388 {strides = array<i32>} : memref<3584xf32, #tpu.memory_space<vmem>>, vector<16xf32>,
          %add3A_389 = arith.constant 32 : i32
          %add3A_390 = arith.addi %add3A_233, %add3A_389 : i32
          %add3A_391 = arith.constant 3600 : i32
          %add3A_392 = arith.addi %add3A_391, %add3A_390 : i32
          %get3A_393 = arith.index_cast %add3A_392 : i32 to index
          %get3A_394 = tpu.vector_load %arg4[%get3A_393] {strides = array<i32>} : memref<32400xf32, #tpu.memory_space<vmem>>, vector<16xf32>,
          %get3A_395 = vector.shape_cast %get3A_394 : vector<16xf32> to vector<16xf32>
          %add3A_396 = arith.constant 14400 : i32
          %add3A_397 = arith.addi %add3A_396, %add3A_390 : i32
          %get3A_398 = arith.index_cast %add3A_397 : i32 to index
          %get3A_399 = tpu.vector_load %arg4[%get3A_398] {strides = array<i32>} : memref<32400xf32, #tpu.memory_space<vmem>>, vector<16xf32>,
          %get3A_400 = vector.shape_cast %get3A_399 : vector<16xf32> to vector<16xf32>
          %add3A_401 = arith.addf %get3A_395, %get3A_400 : vector<16xf32>
          %add3A_402 = arith.constant 25200 : i32
          %add3A_403 = arith.addi %add3A_402, %add3A_390 : i32
          %get3A_404 = arith.index_cast %add3A_403 : i32 to index
          %get3A_405 = tpu.vector_load %arg4[%get3A_404] {strides = array<i32>} : memref<32400xf32, #tpu.memory_space<vmem>>, vector<16xf32>,
          %get3A_406 = vector.shape_cast %get3A_405 : vector<16xf32> to vector<16xf32>
          %add3A_407 = arith.addf %add3A_401, %get3A_406 : vector<16xf32>
          %add3A_408 = arith.constant 0 : i32
          %add3A_409 = arith.addi %add3A_408, %add3A_390 : i32
          %add3A_410 = arith.constant 1 : i32
          %add3A_411 = arith.addi %add3A_409, %add3A_410 : i32
          %get3A_412 = arith.index_cast %add3A_411 : i32 to index
          %get3A_413 = tpu.vector_load %arg4[%get3A_412] {strides = array<i32>} : memref<32400xf32, #tpu.memory_space<vmem>>, vector<16xf32>,
          %get3A_414 = vector.shape_cast %get3A_413 : vector<16xf32> to vector<16xf32>
          %add3A_415 = arith.addf %add3A_407, %get3A_414 : vector<16xf32>
          %add3A_416 = arith.constant 10800 : i32
          %add3A_417 = arith.addi %add3A_416, %add3A_390 : i32
          %add3A_418 = arith.constant 1 : i32
          %add3A_419 = arith.addi %add3A_417, %add3A_418 : i32
          %get3A_420 = arith.index_cast %add3A_419 : i32 to index
          %get3A_421 = tpu.vector_load %arg4[%get3A_420] {strides = array<i32>} : memref<32400xf32, #tpu.memory_space<vmem>>, vector<16xf32>,
          %get3A_422 = vector.shape_cast %get3A_421 : vector<16xf32> to vector<16xf32>
          %add3A_423 = arith.addf %add3A_415, %get3A_422 : vector<16xf32>
          %add3A_424 = arith.constant 21600 : i32
          %add3A_425 = arith.addi %add3A_424, %add3A_390 : i32
          %add3A_426 = arith.constant 1 : i32
          %add3A_427 = arith.addi %add3A_425, %add3A_426 : i32
          %get3A_428 = arith.index_cast %add3A_427 : i32 to index
          %get3A_429 = tpu.vector_load %arg4[%get3A_428] {strides = array<i32>} : memref<32400xf32, #tpu.memory_space<vmem>>, vector<16xf32>,
          %get3A_430 = vector.shape_cast %get3A_429 : vector<16xf32> to vector<16xf32>
          %add3A_431 = arith.addf %add3A_423, %get3A_430 : vector<16xf32>
          %add3A_432 = arith.constant 7200 : i32
          %add3A_433 = arith.addi %add3A_432, %add3A_390 : i32
          %sub3A_434 = arith.constant 1 : i32
          %sub3A_435 = arith.subi %add3A_433, %sub3A_434 : i32
          %get3A_436 = arith.index_cast %sub3A_435 : i32 to index
          %get3A_437 = tpu.vector_load %arg4[%get3A_436] {strides = array<i32>} : memref<32400xf32, #tpu.memory_space<vmem>>, vector<16xf32>,
          %get3A_438 = vector.shape_cast %get3A_437 : vector<16xf32> to vector<16xf32>
          %add3A_439 = arith.addf %add3A_431, %get3A_438 : vector<16xf32>
          %add3A_440 = arith.constant 18000 : i32
          %add3A_441 = arith.addi %add3A_440, %add3A_390 : i32
          %sub3A_442 = arith.constant 1 : i32
          %sub3A_443 = arith.subi %add3A_441, %sub3A_442 : i32
          %get3A_444 = arith.index_cast %sub3A_443 : i32 to index
          %get3A_445 = tpu.vector_load %arg4[%get3A_444] {strides = array<i32>} : memref<32400xf32, #tpu.memory_space<vmem>>, vector<16xf32>,
          %get3A_446 = vector.shape_cast %get3A_445 : vector<16xf32> to vector<16xf32>
          %add3A_447 = arith.addf %add3A_439, %get3A_446 : vector<16xf32>
          %add3A_448 = arith.constant 28800 : i32
          %add3A_449 = arith.addi %add3A_448, %add3A_390 : i32
          %sub3A_450 = arith.constant 1 : i32
          %sub3A_451 = arith.subi %add3A_449, %sub3A_450 : i32
          %get3A_452 = arith.index_cast %sub3A_451 : i32 to index
          %get3A_453 = tpu.vector_load %arg4[%get3A_452] {strides = array<i32>} : memref<32400xf32, #tpu.memory_space<vmem>>, vector<16xf32>,
          %get3A_454 = vector.shape_cast %get3A_453 : vector<16xf32> to vector<16xf32>
          %add3A_455 = arith.addf %add3A_447, %get3A_454 : vector<16xf32>
          %mul3A_456 = arith.constant 224 : i32
          %mul3A_457 = arith.muli %scan3A_229, %mul3A_456 : i32
          %add3A_458 = arith.constant 32 : i32
          %add3A_459 = arith.addi %mul3A_457, %add3A_458 : i32
          %swap3A_460 = arith.index_cast %add3A_459 : i32 to index
          %swap3A_461 = tpu.vector_load %arg5[%swap3A_460] {strides = array<i32>} : memref<3584xf32, #tpu.memory_space<vmem>>, vector<16xf32>,
          %swap3A_462 = vector.shape_cast %swap3A_461 : vector<16xf32> to vector<16xf32>
          %swap3A_463 = vector.shape_cast %add3A_455 : vector<16xf32> to vector<16xf32>
          tpu.vector_store %arg5[%swap3A_460], %swap3A_463 {strides = array<i32>} : memref<3584xf32, #tpu.memory_space<vmem>>, vector<16xf32>,
          %add3A_464 = arith.constant 48 : i32
          %add3A_465 = arith.addi %add3A_233, %add3A_464 : i32
          %add3A_466 = arith.constant 3600 : i32
          %add3A_467 = arith.addi %add3A_466, %add3A_465 : i32
          %get3A_468 = arith.index_cast %add3A_467 : i32 to index
          %get3A_469 = tpu.vector_load %arg4[%get3A_468] {strides = array<i32>} : memref<32400xf32, #tpu.memory_space<vmem>>, vector<16xf32>,
          %get3A_470 = vector.shape_cast %get3A_469 : vector<16xf32> to vector<16xf32>
          %add3A_471 = arith.constant 14400 : i32
          %add3A_472 = arith.addi %add3A_471, %add3A_465 : i32
          %get3A_473 = arith.index_cast %add3A_472 : i32 to index
          %get3A_474 = tpu.vector_load %arg4[%get3A_473] {strides = array<i32>} : memref<32400xf32, #tpu.memory_space<vmem>>, vector<16xf32>,
          %get3A_475 = vector.shape_cast %get3A_474 : vector<16xf32> to vector<16xf32>
          %add3A_476 = arith.addf %get3A_470, %get3A_475 : vector<16xf32>
          %add3A_477 = arith.constant 25200 : i32
          %add3A_478 = arith.addi %add3A_477, %add3A_465 : i32
          %get3A_479 = arith.index_cast %add3A_478 : i32 to index
          %get3A_480 = tpu.vector_load %arg4[%get3A_479] {strides = array<i32>} : memref<32400xf32, #tpu.memory_space<vmem>>, vector<16xf32>,
          %get3A_481 = vector.shape_cast %get3A_480 : vector<16xf32> to vector<16xf32>
          %add3A_482 = arith.addf %add3A_476, %get3A_481 : vector<16xf32>
          %add3A_483 = arith.constant 0 : i32
          %add3A_484 = arith.addi %add3A_483, %add3A_465 : i32
          %add3A_485 = arith.constant 1 : i32
          %add3A_486 = arith.addi %add3A_484, %add3A_485 : i32
          %get3A_487 = arith.index_cast %add3A_486 : i32 to index
          %get3A_488 = tpu.vector_load %arg4[%get3A_487] {strides = array<i32>} : memref<32400xf32, #tpu.memory_space<vmem>>, vector<16xf32>,
          %get3A_489 = vector.shape_cast %get3A_488 : vector<16xf32> to vector<16xf32>
          %add3A_490 = arith.addf %add3A_482, %get3A_489 : vector<16xf32>
          %add3A_491 = arith.constant 10800 : i32
          %add3A_492 = arith.addi %add3A_491, %add3A_465 : i32
          %add3A_493 = arith.constant 1 : i32
          %add3A_494 = arith.addi %add3A_492, %add3A_493 : i32
          %get3A_495 = arith.index_cast %add3A_494 : i32 to index
          %get3A_496 = tpu.vector_load %arg4[%get3A_495] {strides = array<i32>} : memref<32400xf32, #tpu.memory_space<vmem>>, vector<16xf32>,
          %get3A_497 = vector.shape_cast %get3A_496 : vector<16xf32> to vector<16xf32>
          %add3A_498 = arith.addf %add3A_490, %get3A_497 : vector<16xf32>
          %add3A_499 = arith.constant 21600 : i32
          %add3A_500 = arith.addi %add3A_499, %add3A_465 : i32
          %add3A_501 = arith.constant 1 : i32
          %add3A_502 = arith.addi %add3A_500, %add3A_501 : i32
          %get3A_503 = arith.index_cast %add3A_502 : i32 to index
          %get3A_504 = tpu.vector_load %arg4[%get3A_503] {strides = array<i32>} : memref<32400xf32, #tpu.memory_space<vmem>>, vector<16xf32>,
          %get3A_505 = vector.shape_cast %get3A_504 : vector<16xf32> to vector<16xf32>
          %add3A_506 = arith.addf %add3A_498, %get3A_505 : vector<16xf32>
          %add3A_507 = arith.constant 7200 : i32
          %add3A_508 = arith.addi %add3A_507, %add3A_465 : i32
          %sub3A_509 = arith.constant 1 : i32
          %sub3A_510 = arith.subi %add3A_508, %sub3A_509 : i32
          %get3A_511 = arith.index_cast %sub3A_510 : i32 to index
          %get3A_512 = tpu.vector_load %arg4[%get3A_511] {strides = array<i32>} : memref<32400xf32, #tpu.memory_space<vmem>>, vector<16xf32>,
          %get3A_513 = vector.shape_cast %get3A_512 : vector<16xf32> to vector<16xf32>
          %add3A_514 = arith.addf %add3A_506, %get3A_513 : vector<16xf32>
          %add3A_515 = arith.constant 18000 : i32
          %add3A_516 = arith.addi %add3A_515, %add3A_465 : i32
          %sub3A_517 = arith.constant 1 : i32
          %sub3A_518 = arith.subi %add3A_516, %sub3A_517 : i32
          %get3A_519 = arith.index_cast %sub3A_518 : i32 to index
          %get3A_520 = tpu.vector_load %arg4[%get3A_519] {strides = array<i32>} : memref<32400xf32, #tpu.memory_space<vmem>>, vector<16xf32>,
          %get3A_521 = vector.shape_cast %get3A_520 : vector<16xf32> to vector<16xf32>
          %add3A_522 = arith.addf %add3A_514, %get3A_521 : vector<16xf32>
          %add3A_523 = arith.constant 28800 : i32
          %add3A_524 = arith.addi %add3A_523, %add3A_465 : i32
          %sub3A_525 = arith.constant 1 : i32
          %sub3A_526 = arith.subi %add3A_524, %sub3A_525 : i32
          %get3A_527 = arith.index_cast %sub3A_526 : i32 to index
          %get3A_528 = tpu.vector_load %arg4[%get3A_527] {strides = array<i32>} : memref<32400xf32, #tpu.memory_space<vmem>>, vector<16xf32>,
          %get3A_529 = vector.shape_cast %get3A_528 : vector<16xf32> to vector<16xf32>
          %add3A_530 = arith.addf %add3A_522, %get3A_529 : vector<16xf32>
          %mul3A_531 = arith.constant 224 : i32
          %mul3A_532 = arith.muli %scan3A_229, %mul3A_531 : i32
          %add3A_533 = arith.constant 48 : i32
          %add3A_534 = arith.addi %mul3A_532, %add3A_533 : i32
          %swap3A_535 = arith.index_cast %add3A_534 : i32 to index
          %swap3A_536 = tpu.vector_load %arg5[%swap3A_535] {strides = array<i32>} : memref<3584xf32, #tpu.memory_space<vmem>>, vector<16xf32>,
          %swap3A_537 = vector.shape_cast %swap3A_536 : vector<16xf32> to vector<16xf32>
          %swap3A_538 = vector.shape_cast %add3A_530 : vector<16xf32> to vector<16xf32>
          tpu.vector_store %arg5[%swap3A_535], %swap3A_538 {strides = array<i32>} : memref<3584xf32, #tpu.memory_space<vmem>>, vector<16xf32>,
          %add3A_539 = arith.constant 64 : i32
          %add3A_540 = arith.addi %add3A_233, %add3A_539 : i32
          %add3A_541 = arith.constant 3600 : i32
          %add3A_542 = arith.addi %add3A_541, %add3A_540 : i32
          %get3A_543 = arith.index_cast %add3A_542 : i32 to index
          %get3A_544 = tpu.vector_load %arg4[%get3A_543] {strides = array<i32>} : memref<32400xf32, #tpu.memory_space<vmem>>, vector<16xf32>,
          %get3A_545 = vector.shape_cast %get3A_544 : vector<16xf32> to vector<16xf32>
          %add3A_546 = arith.constant 14400 : i32
          %add3A_547 = arith.addi %add3A_546, %add3A_540 : i32
          %get3A_548 = arith.index_cast %add3A_547 : i32 to index
          %get3A_549 = tpu.vector_load %arg4[%get3A_548] {strides = array<i32>} : memref<32400xf32, #tpu.memory_space<vmem>>, vector<16xf32>,
          %get3A_550 = vector.shape_cast %get3A_549 : vector<16xf32> to vector<16xf32>
          %add3A_551 = arith.addf %get3A_545, %get3A_550 : vector<16xf32>
          %add3A_552 = arith.constant 25200 : i32
          %add3A_553 = arith.addi %add3A_552, %add3A_540 : i32
          %get3A_554 = arith.index_cast %add3A_553 : i32 to index
          %get3A_555 = tpu.vector_load %arg4[%get3A_554] {strides = array<i32>} : memref<32400xf32, #tpu.memory_space<vmem>>, vector<16xf32>,
          %get3A_556 = vector.shape_cast %get3A_555 : vector<16xf32> to vector<16xf32>
          %add3A_557 = arith.addf %add3A_551, %get3A_556 : vector<16xf32>
          %add3A_558 = arith.constant 0 : i32
          %add3A_559 = arith.addi %add3A_558, %add3A_540 : i32
          %add3A_560 = arith.constant 1 : i32
          %add3A_561 = arith.addi %add3A_559, %add3A_560 : i32
          %get3A_562 = arith.index_cast %add3A_561 : i32 to index
          %get3A_563 = tpu.vector_load %arg4[%get3A_562] {strides = array<i32>} : memref<32400xf32, #tpu.memory_space<vmem>>, vector<16xf32>,
          %get3A_564 = vector.shape_cast %get3A_563 : vector<16xf32> to vector<16xf32>
          %add3A_565 = arith.addf %add3A_557, %get3A_564 : vector<16xf32>
          %add3A_566 = arith.constant 10800 : i32
          %add3A_567 = arith.addi %add3A_566, %add3A_540 : i32
          %add3A_568 = arith.constant 1 : i32
          %add3A_569 = arith.addi %add3A_567, %add3A_568 : i32
          %get3A_570 = arith.index_cast %add3A_569 : i32 to index
          %get3A_571 = tpu.vector_load %arg4[%get3A_570] {strides = array<i32>} : memref<32400xf32, #tpu.memory_space<vmem>>, vector<16xf32>,
          %get3A_572 = vector.shape_cast %get3A_571 : vector<16xf32> to vector<16xf32>
          %add3A_573 = arith.addf %add3A_565, %get3A_572 : vector<16xf32>
          %add3A_574 = arith.constant 21600 : i32
          %add3A_575 = arith.addi %add3A_574, %add3A_540 : i32
          %add3A_576 = arith.constant 1 : i32
          %add3A_577 = arith.addi %add3A_575, %add3A_576 : i32
          %get3A_578 = arith.index_cast %add3A_577 : i32 to index
          %get3A_579 = tpu.vector_load %arg4[%get3A_578] {strides = array<i32>} : memref<32400xf32, #tpu.memory_space<vmem>>, vector<16xf32>,
          %get3A_580 = vector.shape_cast %get3A_579 : vector<16xf32> to vector<16xf32>
          %add3A_581 = arith.addf %add3A_573, %get3A_580 : vector<16xf32>
          %add3A_582 = arith.constant 7200 : i32
          %add3A_583 = arith.addi %add3A_582, %add3A_540 : i32
          %sub3A_584 = arith.constant 1 : i32
          %sub3A_585 = arith.subi %add3A_583, %sub3A_584 : i32
          %get3A_586 = arith.index_cast %sub3A_585 : i32 to index
          %get3A_587 = tpu.vector_load %arg4[%get3A_586] {strides = array<i32>} : memref<32400xf32, #tpu.memory_space<vmem>>, vector<16xf32>,
          %get3A_588 = vector.shape_cast %get3A_587 : vector<16xf32> to vector<16xf32>
          %add3A_589 = arith.addf %add3A_581, %get3A_588 : vector<16xf32>
          %add3A_590 = arith.constant 18000 : i32
          %add3A_591 = arith.addi %add3A_590, %add3A_540 : i32
          %sub3A_592 = arith.constant 1 : i32
          %sub3A_593 = arith.subi %add3A_591, %sub3A_592 : i32
          %get3A_594 = arith.index_cast %sub3A_593 : i32 to index
          %get3A_595 = tpu.vector_load %arg4[%get3A_594] {strides = array<i32>} : memref<32400xf32, #tpu.memory_space<vmem>>, vector<16xf32>,
          %get3A_596 = vector.shape_cast %get3A_595 : vector<16xf32> to vector<16xf32>
          %add3A_597 = arith.addf %add3A_589, %get3A_596 : vector<16xf32>
          %add3A_598 = arith.constant 28800 : i32
          %add3A_599 = arith.addi %add3A_598, %add3A_540 : i32
          %sub3A_600 = arith.constant 1 : i32
          %sub3A_601 = arith.subi %add3A_599, %sub3A_600 : i32
          %get3A_602 = arith.index_cast %sub3A_601 : i32 to index
          %get3A_603 = tpu.vector_load %arg4[%get3A_602] {strides = array<i32>} : memref<32400xf32, #tpu.memory_space<vmem>>, vector<16xf32>,
          %get3A_604 = vector.shape_cast %get3A_603 : vector<16xf32> to vector<16xf32>
          %add3A_605 = arith.addf %add3A_597, %get3A_604 : vector<16xf32>
          %mul3A_606 = arith.constant 224 : i32
          %mul3A_607 = arith.muli %scan3A_229, %mul3A_606 : i32
          %add3A_608 = arith.constant 64 : i32
          %add3A_609 = arith.addi %mul3A_607, %add3A_608 : i32
          %swap3A_610 = arith.index_cast %add3A_609 : i32 to index
          %swap3A_611 = tpu.vector_load %arg5[%swap3A_610] {strides = array<i32>} : memref<3584xf32, #tpu.memory_space<vmem>>, vector<16xf32>,
          %swap3A_612 = vector.shape_cast %swap3A_611 : vector<16xf32> to vector<16xf32>
          %swap3A_613 = vector.shape_cast %add3A_605 : vector<16xf32> to vector<16xf32>
          tpu.vector_store %arg5[%swap3A_610], %swap3A_613 {strides = array<i32>} : memref<3584xf32, #tpu.memory_space<vmem>>, vector<16xf32>,
          %add3A_614 = arith.constant 80 : i32
          %add3A_615 = arith.addi %add3A_233, %add3A_614 : i32
          %add3A_616 = arith.constant 3600 : i32
          %add3A_617 = arith.addi %add3A_616, %add3A_615 : i32
          %get3A_618 = arith.index_cast %add3A_617 : i32 to index
          %get3A_619 = tpu.vector_load %arg4[%get3A_618] {strides = array<i32>} : memref<32400xf32, #tpu.memory_space<vmem>>, vector<16xf32>,
          %get3A_620 = vector.shape_cast %get3A_619 : vector<16xf32> to vector<16xf32>
          %add3A_621 = arith.constant 14400 : i32
          %add3A_622 = arith.addi %add3A_621, %add3A_615 : i32
          %get3A_623 = arith.index_cast %add3A_622 : i32 to index
          %get3A_624 = tpu.vector_load %arg4[%get3A_623] {strides = array<i32>} : memref<32400xf32, #tpu.memory_space<vmem>>, vector<16xf32>,
          %get3A_625 = vector.shape_cast %get3A_624 : vector<16xf32> to vector<16xf32>
          %add3A_626 = arith.addf %get3A_620, %get3A_625 : vector<16xf32>
          %add3A_627 = arith.constant 25200 : i32
          %add3A_628 = arith.addi %add3A_627, %add3A_615 : i32
          %get3A_629 = arith.index_cast %add3A_628 : i32 to index
          %get3A_630 = tpu.vector_load %arg4[%get3A_629] {strides = array<i32>} : memref<32400xf32, #tpu.memory_space<vmem>>, vector<16xf32>,
          %get3A_631 = vector.shape_cast %get3A_630 : vector<16xf32> to vector<16xf32>
          %add3A_632 = arith.addf %add3A_626, %get3A_631 : vector<16xf32>
          %add3A_633 = arith.constant 0 : i32
          %add3A_634 = arith.addi %add3A_633, %add3A_615 : i32
          %add3A_635 = arith.constant 1 : i32
          %add3A_636 = arith.addi %add3A_634, %add3A_635 : i32
          %get3A_637 = arith.index_cast %add3A_636 : i32 to index
          %get3A_638 = tpu.vector_load %arg4[%get3A_637] {strides = array<i32>} : memref<32400xf32, #tpu.memory_space<vmem>>, vector<16xf32>,
          %get3A_639 = vector.shape_cast %get3A_638 : vector<16xf32> to vector<16xf32>
          %add3A_640 = arith.addf %add3A_632, %get3A_639 : vector<16xf32>
          %add3A_641 = arith.constant 10800 : i32
          %add3A_642 = arith.addi %add3A_641, %add3A_615 : i32
          %add3A_643 = arith.constant 1 : i32
          %add3A_644 = arith.addi %add3A_642, %add3A_643 : i32
          %get3A_645 = arith.index_cast %add3A_644 : i32 to index
          %get3A_646 = tpu.vector_load %arg4[%get3A_645] {strides = array<i32>} : memref<32400xf32, #tpu.memory_space<vmem>>, vector<16xf32>,
          %get3A_647 = vector.shape_cast %get3A_646 : vector<16xf32> to vector<16xf32>
          %add3A_648 = arith.addf %add3A_640, %get3A_647 : vector<16xf32>
          %add3A_649 = arith.constant 21600 : i32
          %add3A_650 = arith.addi %add3A_649, %add3A_615 : i32
          %add3A_651 = arith.constant 1 : i32
          %add3A_652 = arith.addi %add3A_650, %add3A_651 : i32
          %get3A_653 = arith.index_cast %add3A_652 : i32 to index
          %get3A_654 = tpu.vector_load %arg4[%get3A_653] {strides = array<i32>} : memref<32400xf32, #tpu.memory_space<vmem>>, vector<16xf32>,
          %get3A_655 = vector.shape_cast %get3A_654 : vector<16xf32> to vector<16xf32>
          %add3A_656 = arith.addf %add3A_648, %get3A_655 : vector<16xf32>
          %add3A_657 = arith.constant 7200 : i32
          %add3A_658 = arith.addi %add3A_657, %add3A_615 : i32
          %sub3A_659 = arith.constant 1 : i32
          %sub3A_660 = arith.subi %add3A_658, %sub3A_659 : i32
          %get3A_661 = arith.index_cast %sub3A_660 : i32 to index
          %get3A_662 = tpu.vector_load %arg4[%get3A_661] {strides = array<i32>} : memref<32400xf32, #tpu.memory_space<vmem>>, vector<16xf32>,
          %get3A_663 = vector.shape_cast %get3A_662 : vector<16xf32> to vector<16xf32>
          %add3A_664 = arith.addf %add3A_656, %get3A_663 : vector<16xf32>
          %add3A_665 = arith.constant 18000 : i32
          %add3A_666 = arith.addi %add3A_665, %add3A_615 : i32
          %sub3A_667 = arith.constant 1 : i32
          %sub3A_668 = arith.subi %add3A_666, %sub3A_667 : i32
          %get3A_669 = arith.index_cast %sub3A_668 : i32 to index
          %get3A_670 = tpu.vector_load %arg4[%get3A_669] {strides = array<i32>} : memref<32400xf32, #tpu.memory_space<vmem>>, vector<16xf32>,
          %get3A_671 = vector.shape_cast %get3A_670 : vector<16xf32> to vector<16xf32>
          %add3A_672 = arith.addf %add3A_664, %get3A_671 : vector<16xf32>
          %add3A_673 = arith.constant 28800 : i32
          %add3A_674 = arith.addi %add3A_673, %add3A_615 : i32
          %sub3A_675 = arith.constant 1 : i32
          %sub3A_676 = arith.subi %add3A_674, %sub3A_675 : i32
          %get3A_677 = arith.index_cast %sub3A_676 : i32 to index
          %get3A_678 = tpu.vector_load %arg4[%get3A_677] {strides = array<i32>} : memref<32400xf32, #tpu.memory_space<vmem>>, vector<16xf32>,
          %get3A_679 = vector.shape_cast %get3A_678 : vector<16xf32> to vector<16xf32>
          %add3A_680 = arith.addf %add3A_672, %get3A_679 : vector<16xf32>
          %mul3A_681 = arith.constant 224 : i32
          %mul3A_682 = arith.muli %scan3A_229, %mul3A_681 : i32
          %add3A_683 = arith.constant 80 : i32
          %add3A_684 = arith.addi %mul3A_682, %add3A_683 : i32
          %swap3A_685 = arith.index_cast %add3A_684 : i32 to index
          %swap3A_686 = tpu.vector_load %arg5[%swap3A_685] {strides = array<i32>} : memref<3584xf32, #tpu.memory_space<vmem>>, vector<16xf32>,
          %swap3A_687 = vector.shape_cast %swap3A_686 : vector<16xf32> to vector<16xf32>
          %swap3A_688 = vector.shape_cast %add3A_680 : vector<16xf32> to vector<16xf32>
          tpu.vector_store %arg5[%swap3A_685], %swap3A_688 {strides = array<i32>} : memref<3584xf32, #tpu.memory_space<vmem>>, vector<16xf32>,
          %add3A_689 = arith.constant 96 : i32
          %add3A_690 = arith.addi %add3A_233, %add3A_689 : i32
          %add3A_691 = arith.constant 3600 : i32
          %add3A_692 = arith.addi %add3A_691, %add3A_690 : i32
          %get3A_693 = arith.index_cast %add3A_692 : i32 to index
          %get3A_694 = tpu.vector_load %arg4[%get3A_693] {strides = array<i32>} : memref<32400xf32, #tpu.memory_space<vmem>>, vector<16xf32>,
          %get3A_695 = vector.shape_cast %get3A_694 : vector<16xf32> to vector<16xf32>
          %add3A_696 = arith.constant 14400 : i32
          %add3A_697 = arith.addi %add3A_696, %add3A_690 : i32
          %get3A_698 = arith.index_cast %add3A_697 : i32 to index
          %get3A_699 = tpu.vector_load %arg4[%get3A_698] {strides = array<i32>} : memref<32400xf32, #tpu.memory_space<vmem>>, vector<16xf32>,
          %get3A_700 = vector.shape_cast %get3A_699 : vector<16xf32> to vector<16xf32>
          %add3A_701 = arith.addf %get3A_695, %get3A_700 : vector<16xf32>
          %add3A_702 = arith.constant 25200 : i32
          %add3A_703 = arith.addi %add3A_702, %add3A_690 : i32
          %get3A_704 = arith.index_cast %add3A_703 : i32 to index
          %get3A_705 = tpu.vector_load %arg4[%get3A_704] {strides = array<i32>} : memref<32400xf32, #tpu.memory_space<vmem>>, vector<16xf32>,
          %get3A_706 = vector.shape_cast %get3A_705 : vector<16xf32> to vector<16xf32>
          %add3A_707 = arith.addf %add3A_701, %get3A_706 : vector<16xf32>
          %add3A_708 = arith.constant 0 : i32
          %add3A_709 = arith.addi %add3A_708, %add3A_690 : i32
          %add3A_710 = arith.constant 1 : i32
          %add3A_711 = arith.addi %add3A_709, %add3A_710 : i32
          %get3A_712 = arith.index_cast %add3A_711 : i32 to index
          %get3A_713 = tpu.vector_load %arg4[%get3A_712] {strides = array<i32>} : memref<32400xf32, #tpu.memory_space<vmem>>, vector<16xf32>,
          %get3A_714 = vector.shape_cast %get3A_713 : vector<16xf32> to vector<16xf32>
          %add3A_715 = arith.addf %add3A_707, %get3A_714 : vector<16xf32>
          %add3A_716 = arith.constant 10800 : i32
          %add3A_717 = arith.addi %add3A_716, %add3A_690 : i32
          %add3A_718 = arith.constant 1 : i32
          %add3A_719 = arith.addi %add3A_717, %add3A_718 : i32
          %get3A_720 = arith.index_cast %add3A_719 : i32 to index
          %get3A_721 = tpu.vector_load %arg4[%get3A_720] {strides = array<i32>} : memref<32400xf32, #tpu.memory_space<vmem>>, vector<16xf32>,
          %get3A_722 = vector.shape_cast %get3A_721 : vector<16xf32> to vector<16xf32>
          %add3A_723 = arith.addf %add3A_715, %get3A_722 : vector<16xf32>
          %add3A_724 = arith.constant 21600 : i32
          %add3A_725 = arith.addi %add3A_724, %add3A_690 : i32
          %add3A_726 = arith.constant 1 : i32
          %add3A_727 = arith.addi %add3A_725, %add3A_726 : i32
          %get3A_728 = arith.index_cast %add3A_727 : i32 to index
          %get3A_729 = tpu.vector_load %arg4[%get3A_728] {strides = array<i32>} : memref<32400xf32, #tpu.memory_space<vmem>>, vector<16xf32>,
          %get3A_730 = vector.shape_cast %get3A_729 : vector<16xf32> to vector<16xf32>
          %add3A_731 = arith.addf %add3A_723, %get3A_730 : vector<16xf32>
          %add3A_732 = arith.constant 7200 : i32
          %add3A_733 = arith.addi %add3A_732, %add3A_690 : i32
          %sub3A_734 = arith.constant 1 : i32
          %sub3A_735 = arith.subi %add3A_733, %sub3A_734 : i32
          %get3A_736 = arith.index_cast %sub3A_735 : i32 to index
          %get3A_737 = tpu.vector_load %arg4[%get3A_736] {strides = array<i32>} : memref<32400xf32, #tpu.memory_space<vmem>>, vector<16xf32>,
          %get3A_738 = vector.shape_cast %get3A_737 : vector<16xf32> to vector<16xf32>
          %add3A_739 = arith.addf %add3A_731, %get3A_738 : vector<16xf32>
          %add3A_740 = arith.constant 18000 : i32
          %add3A_741 = arith.addi %add3A_740, %add3A_690 : i32
          %sub3A_742 = arith.constant 1 : i32
          %sub3A_743 = arith.subi %add3A_741, %sub3A_742 : i32
          %get3A_744 = arith.index_cast %sub3A_743 : i32 to index
          %get3A_745 = tpu.vector_load %arg4[%get3A_744] {strides = array<i32>} : memref<32400xf32, #tpu.memory_space<vmem>>, vector<16xf32>,
          %get3A_746 = vector.shape_cast %get3A_745 : vector<16xf32> to vector<16xf32>
          %add3A_747 = arith.addf %add3A_739, %get3A_746 : vector<16xf32>
          %add3A_748 = arith.constant 28800 : i32
          %add3A_749 = arith.addi %add3A_748, %add3A_690 : i32
          %sub3A_750 = arith.constant 1 : i32
          %sub3A_751 = arith.subi %add3A_749, %sub3A_750 : i32
          %get3A_752 = arith.index_cast %sub3A_751 : i32 to index
          %get3A_753 = tpu.vector_load %arg4[%get3A_752] {strides = array<i32>} : memref<32400xf32, #tpu.memory_space<vmem>>, vector<16xf32>,
          %get3A_754 = vector.shape_cast %get3A_753 : vector<16xf32> to vector<16xf32>
          %add3A_755 = arith.addf %add3A_747, %get3A_754 : vector<16xf32>
          %mul3A_756 = arith.constant 224 : i32
          %mul3A_757 = arith.muli %scan3A_229, %mul3A_756 : i32
          %add3A_758 = arith.constant 96 : i32
          %add3A_759 = arith.addi %mul3A_757, %add3A_758 : i32
          %swap3A_760 = arith.index_cast %add3A_759 : i32 to index
          %swap3A_761 = tpu.vector_load %arg5[%swap3A_760] {strides = array<i32>} : memref<3584xf32, #tpu.memory_space<vmem>>, vector<16xf32>,
          %swap3A_762 = vector.shape_cast %swap3A_761 : vector<16xf32> to vector<16xf32>
          %swap3A_763 = vector.shape_cast %add3A_755 : vector<16xf32> to vector<16xf32>
          tpu.vector_store %arg5[%swap3A_760], %swap3A_763 {strides = array<i32>} : memref<3584xf32, #tpu.memory_space<vmem>>, vector<16xf32>,
          %add3A_764 = arith.constant 112 : i32
          %add3A_765 = arith.addi %add3A_233, %add3A_764 : i32
          %add3A_766 = arith.constant 3600 : i32
          %add3A_767 = arith.addi %add3A_766, %add3A_765 : i32
          %get3A_768 = arith.index_cast %add3A_767 : i32 to index
          %get3A_769 = tpu.vector_load %arg4[%get3A_768] {strides = array<i32>} : memref<32400xf32, #tpu.memory_space<vmem>>, vector<16xf32>,
          %get3A_770 = vector.shape_cast %get3A_769 : vector<16xf32> to vector<16xf32>
          %add3A_771 = arith.constant 14400 : i32
          %add3A_772 = arith.addi %add3A_771, %add3A_765 : i32
          %get3A_773 = arith.index_cast %add3A_772 : i32 to index
          %get3A_774 = tpu.vector_load %arg4[%get3A_773] {strides = array<i32>} : memref<32400xf32, #tpu.memory_space<vmem>>, vector<16xf32>,
          %get3A_775 = vector.shape_cast %get3A_774 : vector<16xf32> to vector<16xf32>
          %add3A_776 = arith.addf %get3A_770, %get3A_775 : vector<16xf32>
          %add3A_777 = arith.constant 25200 : i32
          %add3A_778 = arith.addi %add3A_777, %add3A_765 : i32
          %get3A_779 = arith.index_cast %add3A_778 : i32 to index
          %get3A_780 = tpu.vector_load %arg4[%get3A_779] {strides = array<i32>} : memref<32400xf32, #tpu.memory_space<vmem>>, vector<16xf32>,
          %get3A_781 = vector.shape_cast %get3A_780 : vector<16xf32> to vector<16xf32>
          %add3A_782 = arith.addf %add3A_776, %get3A_781 : vector<16xf32>
          %add3A_783 = arith.constant 0 : i32
          %add3A_784 = arith.addi %add3A_783, %add3A_765 : i32
          %add3A_785 = arith.constant 1 : i32
          %add3A_786 = arith.addi %add3A_784, %add3A_785 : i32
          %get3A_787 = arith.index_cast %add3A_786 : i32 to index
          %get3A_788 = tpu.vector_load %arg4[%get3A_787] {strides = array<i32>} : memref<32400xf32, #tpu.memory_space<vmem>>, vector<16xf32>,
          %get3A_789 = vector.shape_cast %get3A_788 : vector<16xf32> to vector<16xf32>
          %add3A_790 = arith.addf %add3A_782, %get3A_789 : vector<16xf32>
          %add3A_791 = arith.constant 10800 : i32
          %add3A_792 = arith.addi %add3A_791, %add3A_765 : i32
          %add3A_793 = arith.constant 1 : i32
          %add3A_794 = arith.addi %add3A_792, %add3A_793 : i32
          %get3A_795 = arith.index_cast %add3A_794 : i32 to index
          %get3A_796 = tpu.vector_load %arg4[%get3A_795] {strides = array<i32>} : memref<32400xf32, #tpu.memory_space<vmem>>, vector<16xf32>,
          %get3A_797 = vector.shape_cast %get3A_796 : vector<16xf32> to vector<16xf32>
          %add3A_798 = arith.addf %add3A_790, %get3A_797 : vector<16xf32>
          %add3A_799 = arith.constant 21600 : i32
          %add3A_800 = arith.addi %add3A_799, %add3A_765 : i32
          %add3A_801 = arith.constant 1 : i32
          %add3A_802 = arith.addi %add3A_800, %add3A_801 : i32
          %get3A_803 = arith.index_cast %add3A_802 : i32 to index
          %get3A_804 = tpu.vector_load %arg4[%get3A_803] {strides = array<i32>} : memref<32400xf32, #tpu.memory_space<vmem>>, vector<16xf32>,
          %get3A_805 = vector.shape_cast %get3A_804 : vector<16xf32> to vector<16xf32>
          %add3A_806 = arith.addf %add3A_798, %get3A_805 : vector<16xf32>
          %add3A_807 = arith.constant 7200 : i32
          %add3A_808 = arith.addi %add3A_807, %add3A_765 : i32
          %sub3A_809 = arith.constant 1 : i32
          %sub3A_810 = arith.subi %add3A_808, %sub3A_809 : i32
          %get3A_811 = arith.index_cast %sub3A_810 : i32 to index
          %get3A_812 = tpu.vector_load %arg4[%get3A_811] {strides = array<i32>} : memref<32400xf32, #tpu.memory_space<vmem>>, vector<16xf32>,
          %get3A_813 = vector.shape_cast %get3A_812 : vector<16xf32> to vector<16xf32>
          %add3A_814 = arith.addf %add3A_806, %get3A_813 : vector<16xf32>
          %add3A_815 = arith.constant 18000 : i32
          %add3A_816 = arith.addi %add3A_815, %add3A_765 : i32
          %sub3A_817 = arith.constant 1 : i32
          %sub3A_818 = arith.subi %add3A_816, %sub3A_817 : i32
          %get3A_819 = arith.index_cast %sub3A_818 : i32 to index
          %get3A_820 = tpu.vector_load %arg4[%get3A_819] {strides = array<i32>} : memref<32400xf32, #tpu.memory_space<vmem>>, vector<16xf32>,
          %get3A_821 = vector.shape_cast %get3A_820 : vector<16xf32> to vector<16xf32>
          %add3A_822 = arith.addf %add3A_814, %get3A_821 : vector<16xf32>
          %add3A_823 = arith.constant 28800 : i32
          %add3A_824 = arith.addi %add3A_823, %add3A_765 : i32
          %sub3A_825 = arith.constant 1 : i32
          %sub3A_826 = arith.subi %add3A_824, %sub3A_825 : i32
          %get3A_827 = arith.index_cast %sub3A_826 : i32 to index
          %get3A_828 = tpu.vector_load %arg4[%get3A_827] {strides = array<i32>} : memref<32400xf32, #tpu.memory_space<vmem>>, vector<16xf32>,
          %get3A_829 = vector.shape_cast %get3A_828 : vector<16xf32> to vector<16xf32>
          %add3A_830 = arith.addf %add3A_822, %get3A_829 : vector<16xf32>
          %mul3A_831 = arith.constant 224 : i32
          %mul3A_832 = arith.muli %scan3A_229, %mul3A_831 : i32
          %add3A_833 = arith.constant 112 : i32
          %add3A_834 = arith.addi %mul3A_832, %add3A_833 : i32
          %swap3A_835 = arith.index_cast %add3A_834 : i32 to index
          %swap3A_836 = tpu.vector_load %arg5[%swap3A_835] {strides = array<i32>} : memref<3584xf32, #tpu.memory_space<vmem>>, vector<16xf32>,
          %swap3A_837 = vector.shape_cast %swap3A_836 : vector<16xf32> to vector<16xf32>
          %swap3A_838 = vector.shape_cast %add3A_830 : vector<16xf32> to vector<16xf32>
          tpu.vector_store %arg5[%swap3A_835], %swap3A_838 {strides = array<i32>} : memref<3584xf32, #tpu.memory_space<vmem>>, vector<16xf32>,
          %add3A_839 = arith.constant 128 : i32
          %add3A_840 = arith.addi %add3A_233, %add3A_839 : i32
          %add3A_841 = arith.constant 3600 : i32
          %add3A_842 = arith.addi %add3A_841, %add3A_840 : i32
          %get3A_843 = arith.index_cast %add3A_842 : i32 to index
          %get3A_844 = tpu.vector_load %arg4[%get3A_843] {strides = array<i32>} : memref<32400xf32, #tpu.memory_space<vmem>>, vector<16xf32>,
          %get3A_845 = vector.shape_cast %get3A_844 : vector<16xf32> to vector<16xf32>
          %add3A_846 = arith.constant 14400 : i32
          %add3A_847 = arith.addi %add3A_846, %add3A_840 : i32
          %get3A_848 = arith.index_cast %add3A_847 : i32 to index
          %get3A_849 = tpu.vector_load %arg4[%get3A_848] {strides = array<i32>} : memref<32400xf32, #tpu.memory_space<vmem>>, vector<16xf32>,
          %get3A_850 = vector.shape_cast %get3A_849 : vector<16xf32> to vector<16xf32>
          %add3A_851 = arith.addf %get3A_845, %get3A_850 : vector<16xf32>
          %add3A_852 = arith.constant 25200 : i32
          %add3A_853 = arith.addi %add3A_852, %add3A_840 : i32
          %get3A_854 = arith.index_cast %add3A_853 : i32 to index
          %get3A_855 = tpu.vector_load %arg4[%get3A_854] {strides = array<i32>} : memref<32400xf32, #tpu.memory_space<vmem>>, vector<16xf32>,
          %get3A_856 = vector.shape_cast %get3A_855 : vector<16xf32> to vector<16xf32>
          %add3A_857 = arith.addf %add3A_851, %get3A_856 : vector<16xf32>
          %add3A_858 = arith.constant 0 : i32
          %add3A_859 = arith.addi %add3A_858, %add3A_840 : i32
          %add3A_860 = arith.constant 1 : i32
          %add3A_861 = arith.addi %add3A_859, %add3A_860 : i32
          %get3A_862 = arith.index_cast %add3A_861 : i32 to index
          %get3A_863 = tpu.vector_load %arg4[%get3A_862] {strides = array<i32>} : memref<32400xf32, #tpu.memory_space<vmem>>, vector<16xf32>,
          %get3A_864 = vector.shape_cast %get3A_863 : vector<16xf32> to vector<16xf32>
          %add3A_865 = arith.addf %add3A_857, %get3A_864 : vector<16xf32>
          %add3A_866 = arith.constant 10800 : i32
          %add3A_867 = arith.addi %add3A_866, %add3A_840 : i32
          %add3A_868 = arith.constant 1 : i32
          %add3A_869 = arith.addi %add3A_867, %add3A_868 : i32
          %get3A_870 = arith.index_cast %add3A_869 : i32 to index
          %get3A_871 = tpu.vector_load %arg4[%get3A_870] {strides = array<i32>} : memref<32400xf32, #tpu.memory_space<vmem>>, vector<16xf32>,
          %get3A_872 = vector.shape_cast %get3A_871 : vector<16xf32> to vector<16xf32>
          %add3A_873 = arith.addf %add3A_865, %get3A_872 : vector<16xf32>
          %add3A_874 = arith.constant 21600 : i32
          %add3A_875 = arith.addi %add3A_874, %add3A_840 : i32
          %add3A_876 = arith.constant 1 : i32
          %add3A_877 = arith.addi %add3A_875, %add3A_876 : i32
          %get3A_878 = arith.index_cast %add3A_877 : i32 to index
          %get3A_879 = tpu.vector_load %arg4[%get3A_878] {strides = array<i32>} : memref<32400xf32, #tpu.memory_space<vmem>>, vector<16xf32>,
          %get3A_880 = vector.shape_cast %get3A_879 : vector<16xf32> to vector<16xf32>
          %add3A_881 = arith.addf %add3A_873, %get3A_880 : vector<16xf32>
          %add3A_882 = arith.constant 7200 : i32
          %add3A_883 = arith.addi %add3A_882, %add3A_840 : i32
          %sub3A_884 = arith.constant 1 : i32
          %sub3A_885 = arith.subi %add3A_883, %sub3A_884 : i32
          %get3A_886 = arith.index_cast %sub3A_885 : i32 to index
          %get3A_887 = tpu.vector_load %arg4[%get3A_886] {strides = array<i32>} : memref<32400xf32, #tpu.memory_space<vmem>>, vector<16xf32>,
          %get3A_888 = vector.shape_cast %get3A_887 : vector<16xf32> to vector<16xf32>
          %add3A_889 = arith.addf %add3A_881, %get3A_888 : vector<16xf32>
          %add3A_890 = arith.constant 18000 : i32
          %add3A_891 = arith.addi %add3A_890, %add3A_840 : i32
          %sub3A_892 = arith.constant 1 : i32
          %sub3A_893 = arith.subi %add3A_891, %sub3A_892 : i32
          %get3A_894 = arith.index_cast %sub3A_893 : i32 to index
          %get3A_895 = tpu.vector_load %arg4[%get3A_894] {strides = array<i32>} : memref<32400xf32, #tpu.memory_space<vmem>>, vector<16xf32>,
          %get3A_896 = vector.shape_cast %get3A_895 : vector<16xf32> to vector<16xf32>
          %add3A_897 = arith.addf %add3A_889, %get3A_896 : vector<16xf32>
          %add3A_898 = arith.constant 28800 : i32
          %add3A_899 = arith.addi %add3A_898, %add3A_840 : i32
          %sub3A_900 = arith.constant 1 : i32
          %sub3A_901 = arith.subi %add3A_899, %sub3A_900 : i32
          %get3A_902 = arith.index_cast %sub3A_901 : i32 to index
          %get3A_903 = tpu.vector_load %arg4[%get3A_902] {strides = array<i32>} : memref<32400xf32, #tpu.memory_space<vmem>>, vector<16xf32>,
          %get3A_904 = vector.shape_cast %get3A_903 : vector<16xf32> to vector<16xf32>
          %add3A_905 = arith.addf %add3A_897, %get3A_904 : vector<16xf32>
          %mul3A_906 = arith.constant 224 : i32
          %mul3A_907 = arith.muli %scan3A_229, %mul3A_906 : i32
          %add3A_908 = arith.constant 128 : i32
          %add3A_909 = arith.addi %mul3A_907, %add3A_908 : i32
          %swap3A_910 = arith.index_cast %add3A_909 : i32 to index
          %swap3A_911 = tpu.vector_load %arg5[%swap3A_910] {strides = array<i32>} : memref<3584xf32, #tpu.memory_space<vmem>>, vector<16xf32>,
          %swap3A_912 = vector.shape_cast %swap3A_911 : vector<16xf32> to vector<16xf32>
          %swap3A_913 = vector.shape_cast %add3A_905 : vector<16xf32> to vector<16xf32>
          tpu.vector_store %arg5[%swap3A_910], %swap3A_913 {strides = array<i32>} : memref<3584xf32, #tpu.memory_space<vmem>>, vector<16xf32>,
          %add3A_914 = arith.constant 144 : i32
          %add3A_915 = arith.addi %add3A_233, %add3A_914 : i32
          %add3A_916 = arith.constant 3600 : i32
          %add3A_917 = arith.addi %add3A_916, %add3A_915 : i32
          %get3A_918 = arith.index_cast %add3A_917 : i32 to index
          %get3A_919 = tpu.vector_load %arg4[%get3A_918] {strides = array<i32>} : memref<32400xf32, #tpu.memory_space<vmem>>, vector<16xf32>,
          %get3A_920 = vector.shape_cast %get3A_919 : vector<16xf32> to vector<16xf32>
          %add3A_921 = arith.constant 14400 : i32
          %add3A_922 = arith.addi %add3A_921, %add3A_915 : i32
          %get3A_923 = arith.index_cast %add3A_922 : i32 to index
          %get3A_924 = tpu.vector_load %arg4[%get3A_923] {strides = array<i32>} : memref<32400xf32, #tpu.memory_space<vmem>>, vector<16xf32>,
          %get3A_925 = vector.shape_cast %get3A_924 : vector<16xf32> to vector<16xf32>
          %add3A_926 = arith.addf %get3A_920, %get3A_925 : vector<16xf32>
          %add3A_927 = arith.constant 25200 : i32
          %add3A_928 = arith.addi %add3A_927, %add3A_915 : i32
          %get3A_929 = arith.index_cast %add3A_928 : i32 to index
          %get3A_930 = tpu.vector_load %arg4[%get3A_929] {strides = array<i32>} : memref<32400xf32, #tpu.memory_space<vmem>>, vector<16xf32>,
          %get3A_931 = vector.shape_cast %get3A_930 : vector<16xf32> to vector<16xf32>
          %add3A_932 = arith.addf %add3A_926, %get3A_931 : vector<16xf32>
          %add3A_933 = arith.constant 0 : i32
          %add3A_934 = arith.addi %add3A_933, %add3A_915 : i32
          %add3A_935 = arith.constant 1 : i32
          %add3A_936 = arith.addi %add3A_934, %add3A_935 : i32
          %get3A_937 = arith.index_cast %add3A_936 : i32 to index
          %get3A_938 = tpu.vector_load %arg4[%get3A_937] {strides = array<i32>} : memref<32400xf32, #tpu.memory_space<vmem>>, vector<16xf32>,
          %get3A_939 = vector.shape_cast %get3A_938 : vector<16xf32> to vector<16xf32>
          %add3A_940 = arith.addf %add3A_932, %get3A_939 : vector<16xf32>
          %add3A_941 = arith.constant 10800 : i32
          %add3A_942 = arith.addi %add3A_941, %add3A_915 : i32
          %add3A_943 = arith.constant 1 : i32
          %add3A_944 = arith.addi %add3A_942, %add3A_943 : i32
          %get3A_945 = arith.index_cast %add3A_944 : i32 to index
          %get3A_946 = tpu.vector_load %arg4[%get3A_945] {strides = array<i32>} : memref<32400xf32, #tpu.memory_space<vmem>>, vector<16xf32>,
          %get3A_947 = vector.shape_cast %get3A_946 : vector<16xf32> to vector<16xf32>
          %add3A_948 = arith.addf %add3A_940, %get3A_947 : vector<16xf32>
          %add3A_949 = arith.constant 21600 : i32
          %add3A_950 = arith.addi %add3A_949, %add3A_915 : i32
          %add3A_951 = arith.constant 1 : i32
          %add3A_952 = arith.addi %add3A_950, %add3A_951 : i32
          %get3A_953 = arith.index_cast %add3A_952 : i32 to index
          %get3A_954 = tpu.vector_load %arg4[%get3A_953] {strides = array<i32>} : memref<32400xf32, #tpu.memory_space<vmem>>, vector<16xf32>,
          %get3A_955 = vector.shape_cast %get3A_954 : vector<16xf32> to vector<16xf32>
          %add3A_956 = arith.addf %add3A_948, %get3A_955 : vector<16xf32>
          %add3A_957 = arith.constant 7200 : i32
          %add3A_958 = arith.addi %add3A_957, %add3A_915 : i32
          %sub3A_959 = arith.constant 1 : i32
          %sub3A_960 = arith.subi %add3A_958, %sub3A_959 : i32
          %get3A_961 = arith.index_cast %sub3A_960 : i32 to index
          %get3A_962 = tpu.vector_load %arg4[%get3A_961] {strides = array<i32>} : memref<32400xf32, #tpu.memory_space<vmem>>, vector<16xf32>,
          %get3A_963 = vector.shape_cast %get3A_962 : vector<16xf32> to vector<16xf32>
          %add3A_964 = arith.addf %add3A_956, %get3A_963 : vector<16xf32>
          %add3A_965 = arith.constant 18000 : i32
          %add3A_966 = arith.addi %add3A_965, %add3A_915 : i32
          %sub3A_967 = arith.constant 1 : i32
          %sub3A_968 = arith.subi %add3A_966, %sub3A_967 : i32
          %get3A_969 = arith.index_cast %sub3A_968 : i32 to index
          %get3A_970 = tpu.vector_load %arg4[%get3A_969] {strides = array<i32>} : memref<32400xf32, #tpu.memory_space<vmem>>, vector<16xf32>,
          %get3A_971 = vector.shape_cast %get3A_970 : vector<16xf32> to vector<16xf32>
          %add3A_972 = arith.addf %add3A_964, %get3A_971 : vector<16xf32>
          %add3A_973 = arith.constant 28800 : i32
          %add3A_974 = arith.addi %add3A_973, %add3A_915 : i32
          %sub3A_975 = arith.constant 1 : i32
          %sub3A_976 = arith.subi %add3A_974, %sub3A_975 : i32
          %get3A_977 = arith.index_cast %sub3A_976 : i32 to index
          %get3A_978 = tpu.vector_load %arg4[%get3A_977] {strides = array<i32>} : memref<32400xf32, #tpu.memory_space<vmem>>, vector<16xf32>,
          %get3A_979 = vector.shape_cast %get3A_978 : vector<16xf32> to vector<16xf32>
          %add3A_980 = arith.addf %add3A_972, %get3A_979 : vector<16xf32>
          %mul3A_981 = arith.constant 224 : i32
          %mul3A_982 = arith.muli %scan3A_229, %mul3A_981 : i32
          %add3A_983 = arith.constant 144 : i32
          %add3A_984 = arith.addi %mul3A_982, %add3A_983 : i32
          %swap3A_985 = arith.index_cast %add3A_984 : i32 to index
          %swap3A_986 = tpu.vector_load %arg5[%swap3A_985] {strides = array<i32>} : memref<3584xf32, #tpu.memory_space<vmem>>, vector<16xf32>,
          %swap3A_987 = vector.shape_cast %swap3A_986 : vector<16xf32> to vector<16xf32>
          %swap3A_988 = vector.shape_cast %add3A_980 : vector<16xf32> to vector<16xf32>
          tpu.vector_store %arg5[%swap3A_985], %swap3A_988 {strides = array<i32>} : memref<3584xf32, #tpu.memory_space<vmem>>, vector<16xf32>,
          %add3A_989 = arith.constant 160 : i32
          %add3A_990 = arith.addi %add3A_233, %add3A_989 : i32
          %add3A_991 = arith.constant 3600 : i32
          %add3A_992 = arith.addi %add3A_991, %add3A_990 : i32
          %get3A_993 = arith.index_cast %add3A_992 : i32 to index
          %get3A_994 = tpu.vector_load %arg4[%get3A_993] {strides = array<i32>} : memref<32400xf32, #tpu.memory_space<vmem>>, vector<16xf32>,
          %get3A_995 = vector.shape_cast %get3A_994 : vector<16xf32> to vector<16xf32>
          %add3A_996 = arith.constant 14400 : i32
          %add3A_997 = arith.addi %add3A_996, %add3A_990 : i32
          %get3A_998 = arith.index_cast %add3A_997 : i32 to index
          %get3A_999 = tpu.vector_load %arg4[%get3A_998] {strides = array<i32>} : memref<32400xf32, #tpu.memory_space<vmem>>, vector<16xf32>,
          %get3A_1000 = vector.shape_cast %get3A_999 : vector<16xf32> to vector<16xf32>
          %add3A_1001 = arith.addf %get3A_995, %get3A_1000 : vector<16xf32>
          %add3A_1002 = arith.constant 25200 : i32
          %add3A_1003 = arith.addi %add3A_1002, %add3A_990 : i32
          %get3A_1004 = arith.index_cast %add3A_1003 : i32 to index
          %get3A_1005 = tpu.vector_load %arg4[%get3A_1004] {strides = array<i32>} : memref<32400xf32, #tpu.memory_space<vmem>>, vector<16xf32>,
          %get3A_1006 = vector.shape_cast %get3A_1005 : vector<16xf32> to vector<16xf32>
          %add3A_1007 = arith.addf %add3A_1001, %get3A_1006 : vector<16xf32>
          %add3A_1008 = arith.constant 0 : i32
          %add3A_1009 = arith.addi %add3A_1008, %add3A_990 : i32
          %add3A_1010 = arith.constant 1 : i32
          %add3A_1011 = arith.addi %add3A_1009, %add3A_1010 : i32
          %get3A_1012 = arith.index_cast %add3A_1011 : i32 to index
          %get3A_1013 = tpu.vector_load %arg4[%get3A_1012] {strides = array<i32>} : memref<32400xf32, #tpu.memory_space<vmem>>, vector<16xf32>,
          %get3A_1014 = vector.shape_cast %get3A_1013 : vector<16xf32> to vector<16xf32>
          %add3A_1015 = arith.addf %add3A_1007, %get3A_1014 : vector<16xf32>
          %add3A_1016 = arith.constant 10800 : i32
          %add3A_1017 = arith.addi %add3A_1016, %add3A_990 : i32
          %add3A_1018 = arith.constant 1 : i32
          %add3A_1019 = arith.addi %add3A_1017, %add3A_1018 : i32
          %get3A_1020 = arith.index_cast %add3A_1019 : i32 to index
          %get3A_1021 = tpu.vector_load %arg4[%get3A_1020] {strides = array<i32>} : memref<32400xf32, #tpu.memory_space<vmem>>, vector<16xf32>,
          %get3A_1022 = vector.shape_cast %get3A_1021 : vector<16xf32> to vector<16xf32>
          %add3A_1023 = arith.addf %add3A_1015, %get3A_1022 : vector<16xf32>
          %add3A_1024 = arith.constant 21600 : i32
          %add3A_1025 = arith.addi %add3A_1024, %add3A_990 : i32
          %add3A_1026 = arith.constant 1 : i32
          %add3A_1027 = arith.addi %add3A_1025, %add3A_1026 : i32
          %get3A_1028 = arith.index_cast %add3A_1027 : i32 to index
          %get3A_1029 = tpu.vector_load %arg4[%get3A_1028] {strides = array<i32>} : memref<32400xf32, #tpu.memory_space<vmem>>, vector<16xf32>,
          %get3A_1030 = vector.shape_cast %get3A_1029 : vector<16xf32> to vector<16xf32>
          %add3A_1031 = arith.addf %add3A_1023, %get3A_1030 : vector<16xf32>
          %add3A_1032 = arith.constant 7200 : i32
          %add3A_1033 = arith.addi %add3A_1032, %add3A_990 : i32
          %sub3A_1034 = arith.constant 1 : i32
          %sub3A_1035 = arith.subi %add3A_1033, %sub3A_1034 : i32
          %get3A_1036 = arith.index_cast %sub3A_1035 : i32 to index
          %get3A_1037 = tpu.vector_load %arg4[%get3A_1036] {strides = array<i32>} : memref<32400xf32, #tpu.memory_space<vmem>>, vector<16xf32>,
          %get3A_1038 = vector.shape_cast %get3A_1037 : vector<16xf32> to vector<16xf32>
          %add3A_1039 = arith.addf %add3A_1031, %get3A_1038 : vector<16xf32>
          %add3A_1040 = arith.constant 18000 : i32
          %add3A_1041 = arith.addi %add3A_1040, %add3A_990 : i32
          %sub3A_1042 = arith.constant 1 : i32
          %sub3A_1043 = arith.subi %add3A_1041, %sub3A_1042 : i32
          %get3A_1044 = arith.index_cast %sub3A_1043 : i32 to index
          %get3A_1045 = tpu.vector_load %arg4[%get3A_1044] {strides = array<i32>} : memref<32400xf32, #tpu.memory_space<vmem>>, vector<16xf32>,
          %get3A_1046 = vector.shape_cast %get3A_1045 : vector<16xf32> to vector<16xf32>
          %add3A_1047 = arith.addf %add3A_1039, %get3A_1046 : vector<16xf32>
          %add3A_1048 = arith.constant 28800 : i32
          %add3A_1049 = arith.addi %add3A_1048, %add3A_990 : i32
          %sub3A_1050 = arith.constant 1 : i32
          %sub3A_1051 = arith.subi %add3A_1049, %sub3A_1050 : i32
          %get3A_1052 = arith.index_cast %sub3A_1051 : i32 to index
          %get3A_1053 = tpu.vector_load %arg4[%get3A_1052] {strides = array<i32>} : memref<32400xf32, #tpu.memory_space<vmem>>, vector<16xf32>,
          %get3A_1054 = vector.shape_cast %get3A_1053 : vector<16xf32> to vector<16xf32>
          %add3A_1055 = arith.addf %add3A_1047, %get3A_1054 : vector<16xf32>
          %mul3A_1056 = arith.constant 224 : i32
          %mul3A_1057 = arith.muli %scan3A_229, %mul3A_1056 : i32
          %add3A_1058 = arith.constant 160 : i32
          %add3A_1059 = arith.addi %mul3A_1057, %add3A_1058 : i32
          %swap3A_1060 = arith.index_cast %add3A_1059 : i32 to index
          %swap3A_1061 = tpu.vector_load %arg5[%swap3A_1060] {strides = array<i32>} : memref<3584xf32, #tpu.memory_space<vmem>>, vector<16xf32>,
          %swap3A_1062 = vector.shape_cast %swap3A_1061 : vector<16xf32> to vector<16xf32>
          %swap3A_1063 = vector.shape_cast %add3A_1055 : vector<16xf32> to vector<16xf32>
          tpu.vector_store %arg5[%swap3A_1060], %swap3A_1063 {strides = array<i32>} : memref<3584xf32, #tpu.memory_space<vmem>>, vector<16xf32>,
          %add3A_1064 = arith.constant 176 : i32
          %add3A_1065 = arith.addi %add3A_233, %add3A_1064 : i32
          %add3A_1066 = arith.constant 3600 : i32
          %add3A_1067 = arith.addi %add3A_1066, %add3A_1065 : i32
          %get3A_1068 = arith.index_cast %add3A_1067 : i32 to index
          %get3A_1069 = tpu.vector_load %arg4[%get3A_1068] {strides = array<i32>} : memref<32400xf32, #tpu.memory_space<vmem>>, vector<16xf32>,
          %get3A_1070 = vector.shape_cast %get3A_1069 : vector<16xf32> to vector<16xf32>
          %add3A_1071 = arith.constant 14400 : i32
          %add3A_1072 = arith.addi %add3A_1071, %add3A_1065 : i32
          %get3A_1073 = arith.index_cast %add3A_1072 : i32 to index
          %get3A_1074 = tpu.vector_load %arg4[%get3A_1073] {strides = array<i32>} : memref<32400xf32, #tpu.memory_space<vmem>>, vector<16xf32>,
          %get3A_1075 = vector.shape_cast %get3A_1074 : vector<16xf32> to vector<16xf32>
          %add3A_1076 = arith.addf %get3A_1070, %get3A_1075 : vector<16xf32>
          %add3A_1077 = arith.constant 25200 : i32
          %add3A_1078 = arith.addi %add3A_1077, %add3A_1065 : i32
          %get3A_1079 = arith.index_cast %add3A_1078 : i32 to index
          %get3A_1080 = tpu.vector_load %arg4[%get3A_1079] {strides = array<i32>} : memref<32400xf32, #tpu.memory_space<vmem>>, vector<16xf32>,
          %get3A_1081 = vector.shape_cast %get3A_1080 : vector<16xf32> to vector<16xf32>
          %add3A_1082 = arith.addf %add3A_1076, %get3A_1081 : vector<16xf32>
          %add3A_1083 = arith.constant 0 : i32
          %add3A_1084 = arith.addi %add3A_1083, %add3A_1065 : i32
          %add3A_1085 = arith.constant 1 : i32
          %add3A_1086 = arith.addi %add3A_1084, %add3A_1085 : i32
          %get3A_1087 = arith.index_cast %add3A_1086 : i32 to index
          %get3A_1088 = tpu.vector_load %arg4[%get3A_1087] {strides = array<i32>} : memref<32400xf32, #tpu.memory_space<vmem>>, vector<16xf32>,
          %get3A_1089 = vector.shape_cast %get3A_1088 : vector<16xf32> to vector<16xf32>
          %add3A_1090 = arith.addf %add3A_1082, %get3A_1089 : vector<16xf32>
          %add3A_1091 = arith.constant 10800 : i32
          %add3A_1092 = arith.addi %add3A_1091, %add3A_1065 : i32
          %add3A_1093 = arith.constant 1 : i32
          %add3A_1094 = arith.addi %add3A_1092, %add3A_1093 : i32
          %get3A_1095 = arith.index_cast %add3A_1094 : i32 to index
          %get3A_1096 = tpu.vector_load %arg4[%get3A_1095] {strides = array<i32>} : memref<32400xf32, #tpu.memory_space<vmem>>, vector<16xf32>,
          %get3A_1097 = vector.shape_cast %get3A_1096 : vector<16xf32> to vector<16xf32>
          %add3A_1098 = arith.addf %add3A_1090, %get3A_1097 : vector<16xf32>
          %add3A_1099 = arith.constant 21600 : i32
          %add3A_1100 = arith.addi %add3A_1099, %add3A_1065 : i32
          %add3A_1101 = arith.constant 1 : i32
          %add3A_1102 = arith.addi %add3A_1100, %add3A_1101 : i32
          %get3A_1103 = arith.index_cast %add3A_1102 : i32 to index
          %get3A_1104 = tpu.vector_load %arg4[%get3A_1103] {strides = array<i32>} : memref<32400xf32, #tpu.memory_space<vmem>>, vector<16xf32>,
          %get3A_1105 = vector.shape_cast %get3A_1104 : vector<16xf32> to vector<16xf32>
          %add3A_1106 = arith.addf %add3A_1098, %get3A_1105 : vector<16xf32>
          %add3A_1107 = arith.constant 7200 : i32
          %add3A_1108 = arith.addi %add3A_1107, %add3A_1065 : i32
          %sub3A_1109 = arith.constant 1 : i32
          %sub3A_1110 = arith.subi %add3A_1108, %sub3A_1109 : i32
          %get3A_1111 = arith.index_cast %sub3A_1110 : i32 to index
          %get3A_1112 = tpu.vector_load %arg4[%get3A_1111] {strides = array<i32>} : memref<32400xf32, #tpu.memory_space<vmem>>, vector<16xf32>,
          %get3A_1113 = vector.shape_cast %get3A_1112 : vector<16xf32> to vector<16xf32>
          %add3A_1114 = arith.addf %add3A_1106, %get3A_1113 : vector<16xf32>
          %add3A_1115 = arith.constant 18000 : i32
          %add3A_1116 = arith.addi %add3A_1115, %add3A_1065 : i32
          %sub3A_1117 = arith.constant 1 : i32
          %sub3A_1118 = arith.subi %add3A_1116, %sub3A_1117 : i32
          %get3A_1119 = arith.index_cast %sub3A_1118 : i32 to index
          %get3A_1120 = tpu.vector_load %arg4[%get3A_1119] {strides = array<i32>} : memref<32400xf32, #tpu.memory_space<vmem>>, vector<16xf32>,
          %get3A_1121 = vector.shape_cast %get3A_1120 : vector<16xf32> to vector<16xf32>
          %add3A_1122 = arith.addf %add3A_1114, %get3A_1121 : vector<16xf32>
          %add3A_1123 = arith.constant 28800 : i32
          %add3A_1124 = arith.addi %add3A_1123, %add3A_1065 : i32
          %sub3A_1125 = arith.constant 1 : i32
          %sub3A_1126 = arith.subi %add3A_1124, %sub3A_1125 : i32
          %get3A_1127 = arith.index_cast %sub3A_1126 : i32 to index
          %get3A_1128 = tpu.vector_load %arg4[%get3A_1127] {strides = array<i32>} : memref<32400xf32, #tpu.memory_space<vmem>>, vector<16xf32>,
          %get3A_1129 = vector.shape_cast %get3A_1128 : vector<16xf32> to vector<16xf32>
          %add3A_1130 = arith.addf %add3A_1122, %get3A_1129 : vector<16xf32>
          %mul3A_1131 = arith.constant 224 : i32
          %mul3A_1132 = arith.muli %scan3A_229, %mul3A_1131 : i32
          %add3A_1133 = arith.constant 176 : i32
          %add3A_1134 = arith.addi %mul3A_1132, %add3A_1133 : i32
          %swap3A_1135 = arith.index_cast %add3A_1134 : i32 to index
          %swap3A_1136 = tpu.vector_load %arg5[%swap3A_1135] {strides = array<i32>} : memref<3584xf32, #tpu.memory_space<vmem>>, vector<16xf32>,
          %swap3A_1137 = vector.shape_cast %swap3A_1136 : vector<16xf32> to vector<16xf32>
          %swap3A_1138 = vector.shape_cast %add3A_1130 : vector<16xf32> to vector<16xf32>
          tpu.vector_store %arg5[%swap3A_1135], %swap3A_1138 {strides = array<i32>} : memref<3584xf32, #tpu.memory_space<vmem>>, vector<16xf32>,
          %add3A_1139 = arith.constant 192 : i32
          %add3A_1140 = arith.addi %add3A_233, %add3A_1139 : i32
          %add3A_1141 = arith.constant 3600 : i32
          %add3A_1142 = arith.addi %add3A_1141, %add3A_1140 : i32
          %get3A_1143 = arith.index_cast %add3A_1142 : i32 to index
          %get3A_1144 = tpu.vector_load %arg4[%get3A_1143] {strides = array<i32>} : memref<32400xf32, #tpu.memory_space<vmem>>, vector<16xf32>,
          %get3A_1145 = vector.shape_cast %get3A_1144 : vector<16xf32> to vector<16xf32>
          %add3A_1146 = arith.constant 14400 : i32
          %add3A_1147 = arith.addi %add3A_1146, %add3A_1140 : i32
          %get3A_1148 = arith.index_cast %add3A_1147 : i32 to index
          %get3A_1149 = tpu.vector_load %arg4[%get3A_1148] {strides = array<i32>} : memref<32400xf32, #tpu.memory_space<vmem>>, vector<16xf32>,
          %get3A_1150 = vector.shape_cast %get3A_1149 : vector<16xf32> to vector<16xf32>
          %add3A_1151 = arith.addf %get3A_1145, %get3A_1150 : vector<16xf32>
          %add3A_1152 = arith.constant 25200 : i32
          %add3A_1153 = arith.addi %add3A_1152, %add3A_1140 : i32
          %get3A_1154 = arith.index_cast %add3A_1153 : i32 to index
          %get3A_1155 = tpu.vector_load %arg4[%get3A_1154] {strides = array<i32>} : memref<32400xf32, #tpu.memory_space<vmem>>, vector<16xf32>,
          %get3A_1156 = vector.shape_cast %get3A_1155 : vector<16xf32> to vector<16xf32>
          %add3A_1157 = arith.addf %add3A_1151, %get3A_1156 : vector<16xf32>
          %add3A_1158 = arith.constant 0 : i32
          %add3A_1159 = arith.addi %add3A_1158, %add3A_1140 : i32
          %add3A_1160 = arith.constant 1 : i32
          %add3A_1161 = arith.addi %add3A_1159, %add3A_1160 : i32
          %get3A_1162 = arith.index_cast %add3A_1161 : i32 to index
          %get3A_1163 = tpu.vector_load %arg4[%get3A_1162] {strides = array<i32>} : memref<32400xf32, #tpu.memory_space<vmem>>, vector<16xf32>,
          %get3A_1164 = vector.shape_cast %get3A_1163 : vector<16xf32> to vector<16xf32>
          %add3A_1165 = arith.addf %add3A_1157, %get3A_1164 : vector<16xf32>
          %add3A_1166 = arith.constant 10800 : i32
          %add3A_1167 = arith.addi %add3A_1166, %add3A_1140 : i32
          %add3A_1168 = arith.constant 1 : i32
          %add3A_1169 = arith.addi %add3A_1167, %add3A_1168 : i32
          %get3A_1170 = arith.index_cast %add3A_1169 : i32 to index
          %get3A_1171 = tpu.vector_load %arg4[%get3A_1170] {strides = array<i32>} : memref<32400xf32, #tpu.memory_space<vmem>>, vector<16xf32>,
          %get3A_1172 = vector.shape_cast %get3A_1171 : vector<16xf32> to vector<16xf32>
          %add3A_1173 = arith.addf %add3A_1165, %get3A_1172 : vector<16xf32>
          %add3A_1174 = arith.constant 21600 : i32
          %add3A_1175 = arith.addi %add3A_1174, %add3A_1140 : i32
          %add3A_1176 = arith.constant 1 : i32
          %add3A_1177 = arith.addi %add3A_1175, %add3A_1176 : i32
          %get3A_1178 = arith.index_cast %add3A_1177 : i32 to index
          %get3A_1179 = tpu.vector_load %arg4[%get3A_1178] {strides = array<i32>} : memref<32400xf32, #tpu.memory_space<vmem>>, vector<16xf32>,
          %get3A_1180 = vector.shape_cast %get3A_1179 : vector<16xf32> to vector<16xf32>
          %add3A_1181 = arith.addf %add3A_1173, %get3A_1180 : vector<16xf32>
          %add3A_1182 = arith.constant 7200 : i32
          %add3A_1183 = arith.addi %add3A_1182, %add3A_1140 : i32
          %sub3A_1184 = arith.constant 1 : i32
          %sub3A_1185 = arith.subi %add3A_1183, %sub3A_1184 : i32
          %get3A_1186 = arith.index_cast %sub3A_1185 : i32 to index
          %get3A_1187 = tpu.vector_load %arg4[%get3A_1186] {strides = array<i32>} : memref<32400xf32, #tpu.memory_space<vmem>>, vector<16xf32>,
          %get3A_1188 = vector.shape_cast %get3A_1187 : vector<16xf32> to vector<16xf32>
          %add3A_1189 = arith.addf %add3A_1181, %get3A_1188 : vector<16xf32>
          %add3A_1190 = arith.constant 18000 : i32
          %add3A_1191 = arith.addi %add3A_1190, %add3A_1140 : i32
          %sub3A_1192 = arith.constant 1 : i32
          %sub3A_1193 = arith.subi %add3A_1191, %sub3A_1192 : i32
          %get3A_1194 = arith.index_cast %sub3A_1193 : i32 to index
          %get3A_1195 = tpu.vector_load %arg4[%get3A_1194] {strides = array<i32>} : memref<32400xf32, #tpu.memory_space<vmem>>, vector<16xf32>,
          %get3A_1196 = vector.shape_cast %get3A_1195 : vector<16xf32> to vector<16xf32>
          %add3A_1197 = arith.addf %add3A_1189, %get3A_1196 : vector<16xf32>
          %add3A_1198 = arith.constant 28800 : i32
          %add3A_1199 = arith.addi %add3A_1198, %add3A_1140 : i32
          %sub3A_1200 = arith.constant 1 : i32
          %sub3A_1201 = arith.subi %add3A_1199, %sub3A_1200 : i32
          %get3A_1202 = arith.index_cast %sub3A_1201 : i32 to index
          %get3A_1203 = tpu.vector_load %arg4[%get3A_1202] {strides = array<i32>} : memref<32400xf32, #tpu.memory_space<vmem>>, vector<16xf32>,
          %get3A_1204 = vector.shape_cast %get3A_1203 : vector<16xf32> to vector<16xf32>
          %add3A_1205 = arith.addf %add3A_1197, %get3A_1204 : vector<16xf32>
          %mul3A_1206 = arith.constant 224 : i32
          %mul3A_1207 = arith.muli %scan3A_229, %mul3A_1206 : i32
          %add3A_1208 = arith.constant 192 : i32
          %add3A_1209 = arith.addi %mul3A_1207, %add3A_1208 : i32
          %swap3A_1210 = arith.index_cast %add3A_1209 : i32 to index
          %swap3A_1211 = tpu.vector_load %arg5[%swap3A_1210] {strides = array<i32>} : memref<3584xf32, #tpu.memory_space<vmem>>, vector<16xf32>,
          %swap3A_1212 = vector.shape_cast %swap3A_1211 : vector<16xf32> to vector<16xf32>
          %swap3A_1213 = vector.shape_cast %add3A_1205 : vector<16xf32> to vector<16xf32>
          tpu.vector_store %arg5[%swap3A_1210], %swap3A_1213 {strides = array<i32>} : memref<3584xf32, #tpu.memory_space<vmem>>, vector<16xf32>,
          %add3A_1214 = arith.constant 208 : i32
          %add3A_1215 = arith.addi %add3A_233, %add3A_1214 : i32
          %add3A_1216 = arith.constant 3600 : i32
          %add3A_1217 = arith.addi %add3A_1216, %add3A_1215 : i32
          %get3A_1218 = arith.index_cast %add3A_1217 : i32 to index
          %get3A_1219 = tpu.vector_load %arg4[%get3A_1218] {strides = array<i32>} : memref<32400xf32, #tpu.memory_space<vmem>>, vector<16xf32>,
          %get3A_1220 = vector.shape_cast %get3A_1219 : vector<16xf32> to vector<16xf32>
          %add3A_1221 = arith.constant 14400 : i32
          %add3A_1222 = arith.addi %add3A_1221, %add3A_1215 : i32
          %get3A_1223 = arith.index_cast %add3A_1222 : i32 to index
          %get3A_1224 = tpu.vector_load %arg4[%get3A_1223] {strides = array<i32>} : memref<32400xf32, #tpu.memory_space<vmem>>, vector<16xf32>,
          %get3A_1225 = vector.shape_cast %get3A_1224 : vector<16xf32> to vector<16xf32>
          %add3A_1226 = arith.addf %get3A_1220, %get3A_1225 : vector<16xf32>
          %add3A_1227 = arith.constant 25200 : i32
          %add3A_1228 = arith.addi %add3A_1227, %add3A_1215 : i32
          %get3A_1229 = arith.index_cast %add3A_1228 : i32 to index
          %get3A_1230 = tpu.vector_load %arg4[%get3A_1229] {strides = array<i32>} : memref<32400xf32, #tpu.memory_space<vmem>>, vector<16xf32>,
          %get3A_1231 = vector.shape_cast %get3A_1230 : vector<16xf32> to vector<16xf32>
          %add3A_1232 = arith.addf %add3A_1226, %get3A_1231 : vector<16xf32>
          %add3A_1233 = arith.constant 0 : i32
          %add3A_1234 = arith.addi %add3A_1233, %add3A_1215 : i32
          %add3A_1235 = arith.constant 1 : i32
          %add3A_1236 = arith.addi %add3A_1234, %add3A_1235 : i32
          %get3A_1237 = arith.index_cast %add3A_1236 : i32 to index
          %get3A_1238 = tpu.vector_load %arg4[%get3A_1237] {strides = array<i32>} : memref<32400xf32, #tpu.memory_space<vmem>>, vector<16xf32>,
          %get3A_1239 = vector.shape_cast %get3A_1238 : vector<16xf32> to vector<16xf32>
          %jit3A_1240 = arith.constant 0.000000e+00 : f32
          %broadcast_in_dim3A_1241 = vector.broadcast %jit3A_1240 : f32 to vector<16xf32>
          %select_n3A_1242 = arith.select %eq3A_6, %broadcast_in_dim3A_1241, %get3A_1239 : vector<16xi1>, vector<16xf32>
          %add3A_1243 = arith.addf %add3A_1232, %select_n3A_1242 : vector<16xf32>
          %add3A_1244 = arith.constant 10800 : i32
          %add3A_1245 = arith.addi %add3A_1244, %add3A_1215 : i32
          %add3A_1246 = arith.constant 1 : i32
          %add3A_1247 = arith.addi %add3A_1245, %add3A_1246 : i32
          %get3A_1248 = arith.index_cast %add3A_1247 : i32 to index
          %get3A_1249 = tpu.vector_load %arg4[%get3A_1248] {strides = array<i32>} : memref<32400xf32, #tpu.memory_space<vmem>>, vector<16xf32>,
          %get3A_1250 = vector.shape_cast %get3A_1249 : vector<16xf32> to vector<16xf32>
          %jit3A_1251 = arith.constant 0.000000e+00 : f32
          %broadcast_in_dim3A_1252 = vector.broadcast %jit3A_1251 : f32 to vector<16xf32>
          %select_n3A_1253 = arith.select %eq3A_6, %broadcast_in_dim3A_1252, %get3A_1250 : vector<16xi1>, vector<16xf32>
          %add3A_1254 = arith.addf %add3A_1243, %select_n3A_1253 : vector<16xf32>
          %add3A_1255 = arith.constant 21600 : i32
          %add3A_1256 = arith.addi %add3A_1255, %add3A_1215 : i32
          %add3A_1257 = arith.constant 1 : i32
          %add3A_1258 = arith.addi %add3A_1256, %add3A_1257 : i32
          %get3A_1259 = arith.index_cast %add3A_1258 : i32 to index
          %get3A_1260 = tpu.vector_load %arg4[%get3A_1259] {strides = array<i32>} : memref<32400xf32, #tpu.memory_space<vmem>>, vector<16xf32>,
          %get3A_1261 = vector.shape_cast %get3A_1260 : vector<16xf32> to vector<16xf32>
          %jit3A_1262 = arith.constant 0.000000e+00 : f32
          %broadcast_in_dim3A_1263 = vector.broadcast %jit3A_1262 : f32 to vector<16xf32>
          %select_n3A_1264 = arith.select %eq3A_6, %broadcast_in_dim3A_1263, %get3A_1261 : vector<16xi1>, vector<16xf32>
          %add3A_1265 = arith.addf %add3A_1254, %select_n3A_1264 : vector<16xf32>
          %add3A_1266 = arith.constant 7200 : i32
          %add3A_1267 = arith.addi %add3A_1266, %add3A_1215 : i32
          %sub3A_1268 = arith.constant 1 : i32
          %sub3A_1269 = arith.subi %add3A_1267, %sub3A_1268 : i32
          %get3A_1270 = arith.index_cast %sub3A_1269 : i32 to index
          %get3A_1271 = tpu.vector_load %arg4[%get3A_1270] {strides = array<i32>} : memref<32400xf32, #tpu.memory_space<vmem>>, vector<16xf32>,
          %get3A_1272 = vector.shape_cast %get3A_1271 : vector<16xf32> to vector<16xf32>
          %add3A_1273 = arith.addf %add3A_1265, %get3A_1272 : vector<16xf32>
          %add3A_1274 = arith.constant 18000 : i32
          %add3A_1275 = arith.addi %add3A_1274, %add3A_1215 : i32
          %sub3A_1276 = arith.constant 1 : i32
          %sub3A_1277 = arith.subi %add3A_1275, %sub3A_1276 : i32
          %get3A_1278 = arith.index_cast %sub3A_1277 : i32 to index
          %get3A_1279 = tpu.vector_load %arg4[%get3A_1278] {strides = array<i32>} : memref<32400xf32, #tpu.memory_space<vmem>>, vector<16xf32>,
          %get3A_1280 = vector.shape_cast %get3A_1279 : vector<16xf32> to vector<16xf32>
          %add3A_1281 = arith.addf %add3A_1273, %get3A_1280 : vector<16xf32>
          %add3A_1282 = arith.constant 28800 : i32
          %add3A_1283 = arith.addi %add3A_1282, %add3A_1215 : i32
          %sub3A_1284 = arith.constant 1 : i32
          %sub3A_1285 = arith.subi %add3A_1283, %sub3A_1284 : i32
          %get3A_1286 = arith.index_cast %sub3A_1285 : i32 to index
          %get3A_1287 = tpu.vector_load %arg4[%get3A_1286] {strides = array<i32>} : memref<32400xf32, #tpu.memory_space<vmem>>, vector<16xf32>,
          %get3A_1288 = vector.shape_cast %get3A_1287 : vector<16xf32> to vector<16xf32>
          %add3A_1289 = arith.addf %add3A_1281, %get3A_1288 : vector<16xf32>
          %mul3A_1290 = arith.constant 224 : i32
          %mul3A_1291 = arith.muli %scan3A_229, %mul3A_1290 : i32
          %add3A_1292 = arith.constant 208 : i32
          %add3A_1293 = arith.addi %mul3A_1291, %add3A_1292 : i32
          %swap3A_1294 = arith.index_cast %add3A_1293 : i32 to index
          %swap3A_1295 = tpu.vector_load %arg5[%swap3A_1294] {strides = array<i32>} : memref<3584xf32, #tpu.memory_space<vmem>>, vector<16xf32>,
          %swap3A_1296 = vector.shape_cast %swap3A_1295 : vector<16xf32> to vector<16xf32>
          %swap3A_1297 = vector.shape_cast %add3A_1289 : vector<16xf32> to vector<16xf32>
          tpu.vector_store %arg5[%swap3A_1294], %swap3A_1297 {strides = array<i32>} : memref<3584xf32, #tpu.memory_space<vmem>>, vector<16xf32>,
        }
        %scan3A_223 = arith.constant 16 : i32
        %mul3A_224 = arith.constant 50176 : i32
        %mul3A_225 = arith.muli %add3A_14, %mul3A_224 : i32
        %mul3A_226 = arith.constant 224 : i32
        %mul3A_227 = arith.muli %mul3A_24, %mul3A_226 : i32
        %add3A_228 = arith.addi %mul3A_225, %mul3A_227 : i32
        "tpu.region"() ({
          %run_scoped3A = tpu.sem_alloc : memref<!tpu.dma_semaphore, #tpu.memory_space<semaphore_mem>>
          %dma_start3A_229 = tpu.memref_slice %arg3[%add3A_228] : memref<9633792xf32, #tpu.memory_space<hbm>> -> memref<3584xf32, #tpu.memory_space<hbm>>
          %dma_start3A_230 = tpu.memref_slice %arg3[%add3A_228] : memref<9633792xf32, #tpu.memory_space<hbm>> -> memref<3584xf32, #tpu.memory_space<hbm>>
          tpu.enqueue_dma source(%arg5 : memref<3584xf32, #tpu.memory_space<vmem>>) target(%dma_start3A_230 : memref<3584xf32, #tpu.memory_space<hbm>>) target_semaphore(%run_scoped3A : memref<!tpu.dma_semaphore, #tpu.memory_space<semaphore_mem>>)
          %dma_wait3A_231 = tpu.memref_slice %arg3[%add3A_228] : memref<9633792xf32, #tpu.memory_space<hbm>> -> memref<3584xf32, #tpu.memory_space<hbm>>
          %dma_wait3A_232 = tpu.memref_slice %arg3[%add3A_228] : memref<9633792xf32, #tpu.memory_space<hbm>> -> memref<3584xf32, #tpu.memory_space<hbm>>
          tpu.wait_dma2 semaphore(%run_scoped3A : memref<!tpu.dma_semaphore, #tpu.memory_space<semaphore_mem>>) src(%arg5 : memref<3584xf32, #tpu.memory_space<vmem>>) dst(%dma_wait3A_232 : memref<3584xf32, #tpu.memory_space<hbm>>)
          tpu.yield
        }) : () -> ()
      }
      %scan3A_21 = arith.constant 14 : i32
    }
    %scan3A_10 = arith.constant 6 : i32
    return
  }
}

</mosaic_0001>

<sc_bundles>
// kernel: kernel.3.cloned.1.call-start
scs
__scs_entry_jumppad:
0x0: {  	(pc) =	sbr.rel $0x88, $3  }
0x1: {  	(tag) =	ssettag $0x0;
	lr =	simm.s32 $0x1  }
0x2: {  	[smem:$0x3FA0] =	sst lr;
	_ =	strace $0xD0000000  }
0x3: {  	_ = 	snop  }
0x4: {  	_ = 	snop  }
0x5: {  	_ = 	snop  }
0x6: {  	_ = 	snop  }
0x7: {  	_ = 	snop  }
__scs_overlays_trampoline_lowered:
0x8: {  	[smem:$0x3FAF] =	sst s0  }
0x9: {  	[smem:$0x3FB0] =	sst s1  }
0xa: {  	[smem:$0x3FB1] =	sst s2  }
0xb: {  	[smem:$0x3FB2] =	sst s3  }
0xc: {  	[smem:$0x3FB3] =	sst s4  }
0xd: {  	[smem:$0x3FB4] =	sst s5  }
0xe: {  	[smem:$0x3FB5] =	sst s6  }
0xf: {  	[smem:$0x3FB6] =	sst s7  }
0x10: {  	[smem:$0x3FB7] =	sst s8  }
0x11: {  	[smem:$0x3FB8] =	sst s9;
	s0 =	simm.s32 @!p0 $0x0  }
0x12: {  	s1 =	sld [smem:$0x3F9E];
	s0 =	simm.s32 @p0 $0x1  }
0x13: {  	[smem:$0x3FB9] =	sst s0;
	s0 =	simm.s32 @!p1 $0x0  }
0x14: {  	s2 =	sld [smem:$0x3F9D];
	s0 =	simm.s32 @p1 $0x1  }
0x15: {  	[smem:$0x3FBA] =	sst s0;
	s0 =	simm.s32 @!p2 $0x0  }
0x16: {  	s3 =	sld [smem:$0x3FDB];
	s0 =	simm.s32 @p2 $0x1  }
0x17: {  	s4 =	simm.s32 $0x1BF5;
	[smem:$0x3FBC] =	sst s0  }
0x18: {  	s0 =	sld [smem:$0x3F9F];
	_ =	swait.ge [sflag:s4], $0x0  }
0x19: {  	s7 =	sld [smem:$0x3FA0]  }
0x1a: {  	s8 =	sadd.s32 $0xFFFFE003, lr  }
0x1b: {  	s9 =	sadd.s32 $0xFFFFFEF7, lr;
	s5 =	simm.s32 $0xFFFFFFFF;
	p2 =	slt.u32 s8, $0xFFFFF086  }
0x1c: {  	p1 =	slt.u32 s9, $0xF7A;
	s5 =	simm.s32 @!p2 $0x0  }
0x1d: {  	s5 =	simm.s32 @p1 $0x1;
	p0 =	seq.s32 s7, s2  }
0x1e: {  	s7 =	smul.u32 @!p0 $0xF7A, s2;
	p2 =	seq.s32 @!p0 s5, $0x0  }
0x1f: {  	s9 =	smul.u32 $0xF7A, s1;
	s8 =	simm.s32 @!p0 $0x1BF5;
	p2 =	por !p2, p0  }
0x20: {  	[sflag:s8] =	ssyncset.s32 @!p0 $0xFFFFF086;
	s6 =	sadd.s32 @!p0 s3, s7;
	s7 =	simm.s32 @!p0 $0x108  }
0x21: {  	s3 =	sadd.s32 s3, s9;
	s6 =	sadd.s32 @!p0 $0x88, s6;
	s7 =	simm.s32 @p2 $0x1082  }
0x22: {  	[simem:s7], [sflag:s8] =	dma.local @!p0 [hbm:s6], $0xF7A  }
0x23: {  	s9 =	sor.u32 $0xD0000000, s2;
	s6 =	simm.s32 $0x108;
	_ =	swait.ge @!p0 [sflag:s8], $0x0  }
0x24: {  	s3 =	sadd.s32 $0x88, s3;
	s6 =	simm.s32 @!p1 $0x1082;
	[sflag:s4] =	ssyncset.s32 $0xFFFFF086  }
0x25: {  	[simem:s6], [sflag:s4] =	dma.local [hbm:s3], $0xF7A  }
0x26: {  	[smem:$0x3FA0] =	sst s1;
	(tag) =	ssettag s2;
	_ =	strace s9  }
0x27: {  	s1 =	sld [smem:$0x3FB0]  }
0x28: {  	s2 =	sld [smem:$0x3FB1]  }
0x29: {  	s4 =	sld [smem:$0x3FB3]  }
0x2a: {  	p0 =	seq.s32 s5, $0x0;
	s5 =	sld [smem:$0x3FB4]  }
0x2b: {  	s6 =	sld [smem:$0x3FB5]  }
0x2c: {  	s7 =	sld [smem:$0x3FB6]  }
0x2d: {  	s3 =	simm.s32 $0x108;
	s8 =	sld [smem:$0x3FB7]  }
0x2e: {  	s3 =	simm.s32 @!p0 $0x1082;
	s9 =	sld [smem:$0x3FB8]  }
0x2f: {  	lr =	sadd.s32 s0, s3;
	s0 =	sld [smem:$0x3FAF]  }
0x30: {  	s3 =	sld [smem:$0x3FB2]  }
0x31: {  	[smem:$0x3FBB] =	sst s10  }
0x32: {  	s10 =	sld [smem:$0x3FB9];
	_ =	sdelay $0x3  }
0x33: {  	p0 =	seq.s32 s10, $0x1;
	s10 =	sld [smem:$0x3FBB];
	_ =	sdelay $0x3  }
0x34: {  	[smem:$0x3FBB] =	sst s10  }
0x35: {  	s10 =	sld [smem:$0x3FBA];
	_ =	sdelay $0x3  }
0x36: {  	p1 =	seq.s32 s10, $0x1;
	s10 =	sld [smem:$0x3FBB];
	_ =	sdelay $0x3  }
0x37: {  	[smem:$0x3FBB] =	sst s10  }
0x38: {  	s10 =	sld [smem:$0x3FBC]  }
0x39: {  	_ = 	snop;
	(pc) =	sbr.ind lr, $3  }
0x3a: {  	_ = 	snop  }
0x3b: {  	_ = 	snop  }
0x3c: {  	p2 =	seq.s32 s10, $0x1;
	s10 =	sld [smem:$0x3FBB]  }
0x3d: {  	_ =	shalt  }
0x3e: {  	_ =	shalt  }
0x3f: {  	_ =	shalt  }
0x40: {  	_ =	shalt  }
0x41: {  	_ =	shalt  }
0x42: {  	_ =	shalt  }
0x43: {  	_ =	shalt  }
0x44: {  	_ =	shalt  }
0x45: {  	_ =	shalt  }
0x46: {  	_ =	shalt  }
0x47: {  	_ =	shalt  }
0x48: {  	_ =	shalt  }
0x49: {  	_ =	shalt  }
0x4a: {  	_ =	shalt  }
0x4b: {  	_ =	shalt  }
0x4c: {  	_ =	shalt  }
0x4d: {  	_ =	shalt  }
0x4e: {  	_ =	shalt  }
0x4f: {  	_ =	shalt  }
0x50: {  	_ =	shalt  }
0x51: {  	_ =	shalt  }
0x52: {  	_ =	shalt  }
0x53: {  	_ =	shalt  }
0x54: {  	_ =	shalt  }
0x55: {  	_ =	shalt  }
0x56: {  	_ =	shalt  }
0x57: {  	_ =	shalt  }
0x58: {  	_ =	shalt  }
0x59: {  	_ =	shalt  }
0x5a: {  	_ =	shalt  }
0x5b: {  	_ =	shalt  }
0x5c: {  	_ =	shalt  }
0x5d: {  	_ =	shalt  }
0x5e: {  	_ =	shalt  }
0x5f: {  	_ =	shalt  }
0x60: {  	_ =	shalt  }
0x61: {  	_ =	shalt  }
0x62: {  	_ =	shalt  }
0x63: {  	_ =	shalt  }
0x64: {  	_ =	shalt  }
0x65: {  	_ =	shalt  }
0x66: {  	_ =	shalt  }
0x67: {  	_ =	shalt  }
0x68: {  	_ =	shalt  }
0x69: {  	_ =	shalt  }
0x6a: {  	_ =	shalt  }
0x6b: {  	_ =	shalt  }
0x6c: {  	_ =	shalt  }
0x6d: {  	_ =	shalt  }
0x6e: {  	_ =	shalt  }
0x6f: {  	_ =	shalt  }
0x70: {  	_ =	shalt  }
0x71: {  	_ =	shalt  }
0x72: {  	_ =	shalt  }
0x73: {  	_ =	shalt  }
0x74: {  	_ =	shalt  }
0x75: {  	_ =	shalt  }
0x76: {  	_ =	shalt  }
0x77: {  	_ =	shalt  }
0x78: {  	_ =	shalt  }
0x79: {  	_ =	shalt  }
0x7a: {  	_ =	shalt  }
0x7b: {  	_ =	shalt  }
0x7c: {  	_ =	shalt  }
0x7d: {  	_ =	shalt  }
0x7e: {  	_ =	shalt  }
0x7f: {  	_ =	shalt  }
0x80: {  	_ =	shalt  }
0x81: {  	_ =	shalt  }
0x82: {  	_ =	shalt  }
0x83: {  	_ =	shalt  }
0x84: {  	_ =	shalt  }
0x85: {  	_ =	shalt  }
0x86: {  	_ =	shalt  }
0x87: {  	_ =	shalt  }
.Lfunc_end0:
.L_simem_size_0:
called_computation.1_lowered:
.L_overlay_start_0:
0x88: {  	s2 =	sld [smem:$0x3FD9]  }
0x89: {  	s3 =	sld [smem:$0x3FFE];
	_ =	sdelay $0x1  }
0x8a: {  	s1 =	srdreg.scid  }
0x8b: {  	s0 =	sand.u32 $0x1, s1  }
0x8c: {  	s16 =	sshll.u32 s0, $0xA;
	s2 =	sadd.s32 s3, s2  }
0x8d: {  	s2 =	sadd.s32 s2, s16  }
0x8e: {  	[smem:$0x3FC7] =	sst s2  }
0x8f: {  	_ = 	snop  }
0x90: {  	(tm) =	ssettm $0x1  }
0x91: {  	s17 =	sld [smem:$0x3FFB];
	_ =	sdelay $0x3  }
0x92: {  	_ =	strace s17  }
0x93: {  	s2 =	sld [smem:$0x3FFC];
	_ =	sdelay $0x3  }
0x94: {  	_ =	strace s2  }
0x95: {  	s2 =	sld [smem:$0x3FFD];
	_ =	sdelay $0x3  }
0x96: {  	_ =	strace s2  }
0x97: {  	_ =	strace $0x8FFFFFFF  }
0x98: {  	s18 =	sld [smem:$0x3FDB];
	_ =	sdelay $0x1  }
0x99: {  	s19 =	simm.s32 $_scs_section_size  }
0x9a: {  	s4 =	simm.s32 $_size__tile_overlayer_lowered;
	s5 =	simm.s32 $_tile_overlayer_lowered  }
0x9b: {  	s22 =	simm.s32 $0x1BFF;
	s21 =	sshll.u32 s5, $0x1;
	s2 =	sadd.s32 s19, s18  }
0x9c: {  	s6 =	simm.s32 $0x0;
	s20 =	sshll.u32 s4, $0x1;
	s4 =	sadd.s32 s21, s2  }
0x9d: {  	[timem:s6], [sflag:s22] =	dma.local [hbm:s4], s20  }
0x9e: {  	_ =	swait.ge [sflag:s22], s20  }
0x9f: {  	s3 =	ssub.s32 $0x0, s20;
	[sflag:s22] =	ssyncset.done $0x0  }
0xa0: {  	[sflag:s22] =	ssyncadd.s32 s3;
	_ =	sdelay $0x1  }
0xa1: {  	s23 =	simm.s32 $0x1B8B  }
0xa2: {  	_ =	swait.ge [sflag:s23], $0x1  }
0xa3: {  	[sflag:s23] =	ssyncset.done $0x0  }
0xa4: {  	s25 =	simm.s32 $0x1B8E;
	s24 =	sld [smem:$0x3FFE];
	[sflag:s23] =	ssyncadd.s32 $0xFFFFFFFF  }
0xa5: {  	s26 =	simm.s32 $execute0_lowered;
	[smem:$0x3FD2] =	sst s25  }
0xa6: {  	s4 =	sshll.u32 s26, $0x1;
	_ =	strace $0x80000049;
	[dreg:$0x1] =	wrdreg $0xFFFFFFFF  }
0xa7: {  	s28 =	simm.s32 $_size_execute0_lowered;
	s2 =	sadd.s32 s2, s4;
	[dreg:$0x0] =	wrdreg $0x0  }
0xa8: {  	s4 =	sshll.u32 s28, $0x1;
	[dreg:$0x2] =	wrdreg s2  }
0xa9: {  	[dreg:$0x3] =	wrdreg s4  }
0xaa: {  	[dreg:$0x4] =	wrdreg $0xC0  }
0xab: {  	_ =	task [dreg:s6], $0x5FFFF  }
0xac: {  	[dreg:$0x1] =	wrdreg $0xFFFFFFFF  }
0xad: {  	[dreg:$0x0] =	wrdreg $0x60  }
0xae: {  	[dreg:$0x2] =	wrdreg s24  }
0xaf: {  	[dreg:$0x3] =	wrdreg $0x9  }
0xb0: {  	_ =	task.clear_ibuf [dreg:s6], $0x4FFFF;
	_ =	strace $0x90000049  }
0xb1: {  	s29 =	simm.s32 $0x9;
	_ =	strace $0x8000004B  }
0xb2: {  	_ =	swait.ge [sflag:s29], $0x1  }
0xb3: {  	[sflag:s29] =	ssyncadd.s32 $0xFFFFFFFF  }
0xb4: {  	_ =	strace $0x9000004B  }
0xb5: {  	_ =	sfence  }
0xb6: {  	s30 =	sld [smem:$0x0];
	_ =	sdelay $0x2  }
0xb7: {  	s31 =	sshll.u32 s1, $0xD;
	s1 =	sshrl.u32 s1, $0x2  }
0xb8: {  	s3 =	sand.u32 $0x4000, s31;
	s1 =	sadd.s32 s1, s30  }
0xb9: {  	s0 =	sor.u32 s3, s0;
	s1 =	sshll.u32 s1, $0x11  }
0xba: {  	s0 =	sor.u32 s1, s0  }
0xbb: {  	s0 =	sadd.s32 $0x8F2B, s0  }
0xbc: {  	[sflag:s0] =	ssyncadd.remote.s32 $0x1  }
0xbd: {  	_ =	sfence.sel $0xFFFF  }
0xbe: {  	[dreg:$0x0] =	wrdreg $0xFFFFFFFF;
	(pc) =	sbr.abs _section_cstart, $3  }
0xbf: {  	[dreg:$0x1] =	wrdreg $0xFFFFFFFF  }
0xc0: {  	_ =	task.clear_ibuf [dreg:s6], $0x2FFFF;
	_ =	strace $0x9FFFFFFF  }
0xc1: {  	(tm) =	ssettm $0x7FFFFFFF  }
tec
execute0_lowered:
.L_overlay_start_1:
0x0: {  	(tag) =	ssettag $0x1  }
0x1: {  	s0 =	rddreg [dreg:$0x0];
	s1 =	simm.s32 $0x0;
	s2 =	srdreg.scid  }
0x2: {  	s4 =	stileid.u32;
	s8 =	simm.s32 $0xE18;
	s9 =	simm.s32 $0x1C28  }
0x3: {  	s10 =	simm.s32 $0x2A38;
	s11 =	simm.s32 $0x3848;
	s12 =	simm.s32 $0x4658  }
0x4: {  	s13 =	simm.s32 $0x5468;
	s14 =	simm.s32 $0x6278;
	s15 =	simm.s32 $0x7088  }
0x5: {  	s16 =	simm.s32 $0x1;
	s2 =	sand.u32 $0x1, s2;
	s7 =	sshll.u32 s4, $0x1  }
0x6: {  	s17 =	simm.s32 $0x7F00;
	s5 =	ssub.s32 $0x2, s2;
	s2 =	sor.u32 s2, s7  }
0x7: {  	[smem:$0x7FF] =	sst s1;
	s6 =	sshrl.u32 s5, $0x1;
	s2 =	smul.u32 $0x6, s2  }
0x8: {  	s3 =	sadd.s32 $0x800, s0;
	s4 =	sadd.s32 $0xA56800, s0;
	s31 =	ssub.s32 s5, s6  }
0x9: {  	_ =	strace $0x8000004A;
	[dreg:$0x2] =	wrdreg s2;
	s0 =	smax.u32 s31, $0x1  }
0xa: {  	v0 =	vlaneseq.u32;
	s18 =	simm.s32 $0x2;
	s2 =	simm.s32 $0x0;
	[dreg:$0x3] =	wrdreg s0  }
.LBB2_1:
0xb: {  	[dreg:$0x4] =	wrdreg s2;
	s2 =	simm.s32 $0x0  }
.LBB2_2:
0xc: {  	s0 =	rddreg [dreg:$0x2]  }
0xd: {  	s0 =	sadd.s32 s0, s2  }
0xe: {  	s21 =	smul.u32 $0x6E400, s0  }
0xf: {  	[dreg:$0x5] =	wrdreg s2;
	s2 =	simm.s32 $0x0;
	s31 =	smul.u32 $0xC400, s0  }
0x10: {  	s0 =	simm.s32 $0x0;
	s22 =	sadd.s32 $0xC400, s21;
	s23 =	sadd.s32 $0x18800, s21  }
0x11: {  	s24 =	sadd.s32 $0x24C00, s21;
	s25 =	sadd.s32 $0x31000, s21;
	s26 =	sadd.s32 $0x3D400, s21  }
0x12: {  	s28 =	sadd.s32 $0x49800, s21;
	s29 =	sadd.s32 $0x55C00, s21;
	s30 =	sadd.s32 $0x62000, s21  }
.LBB2_3:
0x13: {  	s6 =	smul.u32 $0xE00, s2;
	_ =	sdelay $0x1  }
0x14: {  	s5 =	sor.u32 $0xE0, s6  }
0x15: {  	s19 =	sadd.s32 s21, s5  }
0x16: {  	s19 =	sshrl.u32 s19, $0x3  }
0x17: {  	s7 =	simm.s32 $0x8;
	s20 =	sadd.s32 s5, s22;
	s19 =	sadd.s32 s3, s19  }
0x18: {  	[tilespmem:s7], [sflag:$0x1] =	stream.linear.gather [hbm4b:s19+s1], $0xE00, $0x38;
	[tilespmem:$0x8D00] =	vst v63  }
0x19: {  	s5 =	sadd.s32 s5, s23;
	s19 =	sshrl.u32 s20, $0x3  }
0x1a: {  	s5 =	sshrl.u32 s5, $0x3;
	s19 =	sadd.s32 s3, s19  }
0x1b: {  	[tilespmem:s8], [sflag:$0x1] =	stream.linear.gather [hbm4b:s19+s1], $0xE00, $0x38;
	[tilespmem:$0x8D00] =	vst v63  }
0x1c: {  	s5 =	sadd.s32 s3, s5;
	s7 =	sadd.s32 s6, s24  }
0x1d: {  	[tilespmem:s9], [sflag:$0x1] =	stream.linear.gather [hbm4b:s5+s1], $0xE00, $0x38;
	[tilespmem:$0x8D00] =	vst v63  }
0x1e: {  	s5 =	sshrl.u32 s7, $0x3  }
0x1f: {  	s19 =	sadd.s32 s6, s25;
	s5 =	sadd.s32 s3, s5  }
0x20: {  	[tilespmem:s10], [sflag:$0x1] =	stream.linear.gather [hbm4b:s5+s1], $0xE00, $0x38;
	[tilespmem:$0x8D00] =	vst v63  }
0x21: {  	s5 =	sshrl.u32 s19, $0x3  }
0x22: {  	s20 =	sadd.s32 s6, s26;
	s5 =	sadd.s32 s3, s5  }
0x23: {  	[tilespmem:s11], [sflag:$0x1] =	stream.linear.gather [hbm4b:s5+s1], $0xE00, $0x38;
	[tilespmem:$0x8D00] =	vst v63  }
0x24: {  	s5 =	sshrl.u32 s20, $0x3  }
0x25: {  	s5 =	sadd.s32 s3, s5  }
0x26: {  	[tilespmem:s12], [sflag:$0x1] =	stream.linear.gather [hbm4b:s5+s1], $0xE00, $0x38;
	[tilespmem:$0x8D00] =	vst v63  }
0x27: {  	s5 =	sadd.s32 $0xFFFFFF20, s6  }
0x28: {  	s7 =	sadd.s32 s5, s28  }
0x29: {  	s19 =	sshrl.u32 s7, $0x3  }
0x2a: {  	s20 =	sadd.s32 s5, s29;
	s19 =	sadd.s32 s3, s19  }
0x2b: {  	[tilespmem:s13], [sflag:$0x1] =	stream.linear.gather [hbm4b:s19+s1], $0xE00, $0x38;
	[tilespmem:$0x8D00] =	vst v63  }
0x2c: {  	s5 =	sadd.s32 s5, s30;
	s19 =	sshrl.u32 s20, $0x3  }
0x2d: {  	s5 =	sshrl.u32 s5, $0x3;
	s19 =	sadd.s32 s3, s19  }
0x2e: {  	[tilespmem:s14], [sflag:$0x1] =	stream.linear.gather [hbm4b:s19+s1], $0xE00, $0x38;
	[tilespmem:$0x8D00] =	vst v63  }
0x2f: {  	s5 =	sadd.s32 s3, s5  }
0x30: {  	[tilespmem:s15], [sflag:$0x1] =	stream.linear.gather [hbm4b:s5+s1], $0xE00, $0x38;
	[tilespmem:$0x8D00] =	vst v63  }
0x31: {  	_ =	swait.ge [sflag:s16], $0xE00  }
0x32: {  	[sflag:s16] =	ssyncset.done $0x0  }
0x33: {  	[sflag:s16] =	ssyncadd.s32 $0xFFFFF200  }
0x34: {  	_ =	swait.ge [sflag:s16], $0xE00  }
0x35: {  	[sflag:s16] =	ssyncset.done $0x0  }
0x36: {  	[sflag:s16] =	ssyncadd.s32 $0xFFFFF200  }
0x37: {  	_ =	swait.ge [sflag:s16], $0xE00  }
0x38: {  	[sflag:s16] =	ssyncset.done $0x0  }
0x39: {  	[sflag:s16] =	ssyncadd.s32 $0xFFFFF200  }
0x3a: {  	_ =	swait.ge [sflag:s16], $0xE00  }
0x3b: {  	[sflag:s16] =	ssyncset.done $0x0  }
0x3c: {  	[sflag:s16] =	ssyncadd.s32 $0xFFFFF200  }
0x3d: {  	_ =	swait.ge [sflag:s16], $0xE00  }
0x3e: {  	[sflag:s16] =	ssyncset.done $0x0  }
0x3f: {  	[sflag:s16] =	ssyncadd.s32 $0xFFFFF200  }
0x40: {  	_ =	swait.ge [sflag:s16], $0xE00  }
0x41: {  	[sflag:s16] =	ssyncset.done $0x0  }
0x42: {  	[sflag:s16] =	ssyncadd.s32 $0xFFFFF200  }
0x43: {  	_ =	swait.ge [sflag:s16], $0xE00  }
0x44: {  	[sflag:s16] =	ssyncset.done $0x0  }
0x45: {  	[sflag:s16] =	ssyncadd.s32 $0xFFFFF200  }
0x46: {  	_ =	swait.ge [sflag:s16], $0xE00  }
0x47: {  	[sflag:s16] =	ssyncset.done $0x0  }
0x48: {  	[sflag:s16] =	ssyncadd.s32 $0xFFFFF200  }
0x49: {  	_ =	swait.ge [sflag:s16], $0xE00  }
0x4a: {  	p0 =	seq.s32 s2, $0xD;
	[sflag:s16] =	ssyncset.done $0x0  }
0x4b: {  	v1 =	vimm.f32 @p0 $0.0e+00;
	[sflag:s16] =	ssyncadd.s32 $0xFFFFF200  }
0x4c: {  	[tilespmem:$0xD28] =	vst @p0 v1  }
0x4d: {  	[tilespmem:$0xD38] =	vst @p0 v1  }
0x4e: {  	[tilespmem:$0xD48] =	vst @p0 v1  }
0x4f: {  	[tilespmem:$0xD58] =	vst @p0 v1  }
0x50: {  	[tilespmem:$0xD68] =	vst @p0 v1  }
0x51: {  	[tilespmem:$0xD78] =	vst @p0 v1  }
0x52: {  	[tilespmem:$0xD88] =	vst @p0 v1  }
0x53: {  	[tilespmem:$0xD98] =	vst @p0 v1  }
0x54: {  	[tilespmem:$0xDA8] =	vst @p0 v1  }
0x55: {  	[tilespmem:$0xDB8] =	vst @p0 v1  }
0x56: {  	[tilespmem:$0xDC8] =	vst @p0 v1  }
0x57: {  	[tilespmem:$0xDD8] =	vst @p0 v1  }
0x58: {  	[tilespmem:$0xDE8] =	vst @p0 v1  }
0x59: {  	[tilespmem:$0xDF8] =	vst @p0 v1  }
0x5a: {  	[tilespmem:$0x1B38] =	vst @p0 v1  }
0x5b: {  	[tilespmem:$0x1B48] =	vst @p0 v1  }
0x5c: {  	[tilespmem:$0x1B58] =	vst @p0 v1  }
0x5d: {  	[tilespmem:$0x1B68] =	vst @p0 v1  }
0x5e: {  	[tilespmem:$0x1B78] =	vst @p0 v1  }
0x5f: {  	[tilespmem:$0x1B88] =	vst @p0 v1  }
0x60: {  	[tilespmem:$0x1B98] =	vst @p0 v1  }
0x61: {  	[tilespmem:$0x1BA8] =	vst @p0 v1  }
0x62: {  	[tilespmem:$0x1BB8] =	vst @p0 v1  }
0x63: {  	[tilespmem:$0x1BC8] =	vst @p0 v1  }
0x64: {  	[tilespmem:$0x1BD8] =	vst @p0 v1  }
0x65: {  	[tilespmem:$0x1BE8] =	vst @p0 v1  }
0x66: {  	[tilespmem:$0x1BF8] =	vst @p0 v1  }
0x67: {  	[tilespmem:$0x1C08] =	vst @p0 v1  }
0x68: {  	[tilespmem:$0x2948] =	vst @p0 v1  }
0x69: {  	[tilespmem:$0x2958] =	vst @p0 v1  }
0x6a: {  	[tilespmem:$0x2968] =	vst @p0 v1  }
0x6b: {  	[tilespmem:$0x2978] =	vst @p0 v1  }
0x6c: {  	[tilespmem:$0x2988] =	vst @p0 v1  }
0x6d: {  	[tilespmem:$0x2998] =	vst @p0 v1  }
0x6e: {  	[tilespmem:$0x29A8] =	vst @p0 v1  }
0x6f: {  	[tilespmem:$0x29B8] =	vst @p0 v1  }
0x70: {  	[tilespmem:$0x29C8] =	vst @p0 v1  }
0x71: {  	[tilespmem:$0x29D8] =	vst @p0 v1  }
0x72: {  	[tilespmem:$0x29E8] =	vst @p0 v1  }
0x73: {  	p1 =	sne.s32 @!p0 s2, $0x0;
	[tilespmem:$0x29F8] =	vst @p0 v1  }
0x74: {  	p1 =	por p1, p0;
	[tilespmem:$0x2A08] =	vst @p0 v1  }
0x75: {  	[tilespmem:$0x2A18] =	vst @p0 v1;
	v1 =	vimm.f32 @!p1 $0.0e+00  }
0x76: {  	[tilespmem:$0x5468] =	vst @!p1 v1  }
0x77: {  	[tilespmem:$0x5478] =	vst @!p1 v1  }
0x78: {  	[tilespmem:$0x5488] =	vst @!p1 v1  }
0x79: {  	[tilespmem:$0x5498] =	vst @!p1 v1  }
0x7a: {  	[tilespmem:$0x54A8] =	vst @!p1 v1  }
0x7b: {  	[tilespmem:$0x54B8] =	vst @!p1 v1  }
0x7c: {  	[tilespmem:$0x54C8] =	vst @!p1 v1  }
0x7d: {  	[tilespmem:$0x54D8] =	vst @!p1 v1  }
0x7e: {  	[tilespmem:$0x54E8] =	vst @!p1 v1  }
0x7f: {  	[tilespmem:$0x54F8] =	vst @!p1 v1  }
0x80: {  	[tilespmem:$0x5508] =	vst @!p1 v1  }
0x81: {  	[tilespmem:$0x5518] =	vst @!p1 v1  }
0x82: {  	[tilespmem:$0x5528] =	vst @!p1 v1  }
0x83: {  	[tilespmem:$0x5538] =	vst @!p1 v1  }
0x84: {  	[tilespmem:$0x6278] =	vst @!p1 v1  }
0x85: {  	[tilespmem:$0x6288] =	vst @!p1 v1  }
0x86: {  	[tilespmem:$0x6298] =	vst @!p1 v1  }
0x87: {  	[tilespmem:$0x62A8] =	vst @!p1 v1  }
0x88: {  	[tilespmem:$0x62B8] =	vst @!p1 v1  }
0x89: {  	[tilespmem:$0x62C8] =	vst @!p1 v1  }
0x8a: {  	[tilespmem:$0x62D8] =	vst @!p1 v1  }
0x8b: {  	[tilespmem:$0x62E8] =	vst @!p1 v1  }
0x8c: {  	[tilespmem:$0x62F8] =	vst @!p1 v1  }
0x8d: {  	[tilespmem:$0x6308] =	vst @!p1 v1  }
0x8e: {  	[tilespmem:$0x6318] =	vst @!p1 v1  }
0x8f: {  	[tilespmem:$0x6328] =	vst @!p1 v1  }
0x90: {  	[tilespmem:$0x6338] =	vst @!p1 v1  }
0x91: {  	[tilespmem:$0x6348] =	vst @!p1 v1  }
0x92: {  	[tilespmem:$0x7088] =	vst @!p1 v1  }
0x93: {  	[tilespmem:$0x7098] =	vst @!p1 v1  }
0x94: {  	[tilespmem:$0x70A8] =	vst @!p1 v1  }
0x95: {  	[tilespmem:$0x70B8] =	vst @!p1 v1  }
0x96: {  	[tilespmem:$0x70C8] =	vst @!p1 v1  }
0x97: {  	[tilespmem:$0x70D8] =	vst @!p1 v1  }
0x98: {  	[tilespmem:$0x70E8] =	vst @!p1 v1  }
0x99: {  	[tilespmem:$0x70F8] =	vst @!p1 v1  }
0x9a: {  	[tilespmem:$0x7108] =	vst @!p1 v1  }
0x9b: {  	[tilespmem:$0x7118] =	vst @!p1 v1  }
0x9c: {  	[tilespmem:$0x7128] =	vst @!p1 v1  }
0x9d: {  	[tilespmem:$0x7138] =	vst @!p1 v1  }
0x9e: {  	[tilespmem:$0x7148] =	vst @!p1 v1  }
0x9f: {  	s7 =	simm.s32 $0x0;
	[tilespmem:$0x7158] =	vst @!p1 v1  }
0xa0: {  	v6 =	vld [tilespmem:s7+$0x7097]  }
0xa1: {  	v7 =	vld [tilespmem:s7+$0x70A7]  }
0xa2: {  	v8 =	vld [tilespmem:s7+$0x70B7]  }
0xa3: {  	v3 =	vld [tilespmem:s7+$0x70C7]  }
0xa4: {  	v2 =	vld [tilespmem:s7+$0x70D7]  }
0xa5: {  	v1 =	vld [tilespmem:s7+$0x70E7]  }
0xa6: {  	v9 =	vld [tilespmem:s7+$0x7087]  }
0xa7: {  	v10 =	vld [tilespmem:s7+$0x4667]  }
0xa8: {  	v11 =	vld [tilespmem:s7+$0x4677]  }
0xa9: {  	v12 =	vld [tilespmem:s7+$0x4687]  }
0xaa: {  	v5 =	vld [tilespmem:s7+$0x4697]  }
0xab: {  	v4 =	vld [tilespmem:s7+$0x46A7]  }
0xac: {  	v13 =	vld [tilespmem:s7+$0x1CA7]  }
0xad: {  	v14 =	vld [tilespmem:s7+$0x4657]  }
0xae: {  	v15 =	vld [tilespmem:s7+$0x1C37]  }
0xaf: {  	v16 =	vld [tilespmem:s7+$0x1C47]  }
0xb0: {  	v17 =	vld [tilespmem:s7+$0x1C57]  }
0xb1: {  	v18 =	vld [tilespmem:s7+$0x1C67]  }
0xb2: {  	v19 =	vld [tilespmem:s7+$0x1C77]  }
0xb3: {  	v20 =	vld [tilespmem:s7+$0x54E9]  }
0xb4: {  	v21 =	vld [tilespmem:s7+$0x5469]  }
0xb5: {  	v22 =	vld [tilespmem:s7+$0x1C27]  }
0xb6: {  	v23 =	vld [tilespmem:s7+$0x5479]  }
0xb7: {  	v24 =	vld [tilespmem:s7+$0x5489]  }
0xb8: {  	v25 =	vld [tilespmem:s7+$0x5499]  }
0xb9: {  	v26 =	vld [tilespmem:s7+$0x54A9]  }
0xba: {  	v27 =	vld [tilespmem:s7+$0x54B9]  }
0xbb: {  	v28 =	vld [tilespmem:s7+$0x2AB9]  }
0xbc: {  	v29 =	vld [tilespmem:s7+$0x2A39]  }
0xbd: {  	v30 =	vld [tilespmem:s7+$0x2A49]  }
0xbe: {  	v31 =	vld [tilespmem:s7+$0x2A59]  }
0xbf: {  	v32 =	vld [tilespmem:s7+$0x2A69]  }
0xc0: {  	v35 =	vld [tilespmem:s7+$0x89]  }
0xc1: {  	v36 =	vld [tilespmem:s7+$0x9]  }
0xc2: {  	v37 =	vld [tilespmem:s7+$0xE98]  }
0xc3: {  	v38 =	vld [tilespmem:s7+$0x38C8]  }
0xc4: {  	v39 =	vld [tilespmem:s7+$0x19]  }
0xc5: {  	v40 =	vld [tilespmem:s7+$0x62F8]  }
0xc6: {  	v41 =	vld [tilespmem:s7+$0x6278]  }
0xc7: {  	v42 =	vld [tilespmem:s7+$0x6288]  }
0xc8: {  	v43 =	vld [tilespmem:s7+$0x3848]  }
0xc9: {  	v44 =	vld [tilespmem:s7+$0xE28]  }
0xca: {  	v51 =	vld [tilespmem:s7+$0x3858];
	v37 =	vadd.f32 v38, v37  }
0xcb: {  	v50 =	vld [tilespmem:s7+$0xE18]  }
0xcc: {  	v46 =	vld [tilespmem:s7+$0xE48];
	v37 =	vadd.f32 v40, v37  }
0xcd: {  	v53 =	vld [tilespmem:s7+$0x3878]  }
0xce: {  	v45 =	vld [tilespmem:s7+$0xE38];
	v35 =	vadd.f32 v35, v37  }
0xcf: {  	v54 =	vld [tilespmem:s7+$0x62A8];
	v40 =	vadd.f32 v51, v44  }
0xd0: {  	v52 =	vld [tilespmem:s7+$0x3868];
	v28 =	vadd.f32 v28, v35  }
0xd1: {  	v56 =	vld [tilespmem:s7+$0x39];
	v40 =	vadd.f32 v42, v40  }
0xd2: {  	v47 =	vld [tilespmem:s7+$0x6298];
	v35 =	vadd.f32 v53, v46;
	v20 =	vadd.f32 v20, v28  }
0xd3: {  	v33 =	vld [tilespmem:s7+$0x2A79];
	v39 =	vadd.f32 v39, v40;
	v28 =	vadd.f32 v43, v50  }
0xd4: {  	v55 =	vld [tilespmem:s7+$0x29];
	v35 =	vadd.f32 v54, v35;
	v13 =	vadd.f32 v13, v20  }
0xd5: {  	v34 =	vld [tilespmem:s7+$0x2A89];
	v20 =	vadd.f32 v41, v28;
	v28 =	vadd.f32 v52, v45  }
0xd6: {  	v57 =	vld [tilespmem:s7+$0x49];
	v30 =	vadd.f32 v30, v39;
	v35 =	vadd.f32 v56, v35  }
0xd7: {  	v58 =	vld [tilespmem:s7+$0x59];
	v20 =	vadd.f32 v36, v20;
	v28 =	vadd.f32 v47, v28  }
0xd8: {  	v59 =	vld [tilespmem:s7+$0x62B8];
	v23 =	vadd.f32 v23, v30;
	v30 =	vadd.f32 v32, v35  }
0xd9: {  	v60 =	vld [tilespmem:s7+$0xE58];
	v20 =	vadd.f32 v29, v20;
	v28 =	vadd.f32 v55, v28  }
0xda: {  	v15 =	vadd.f32 v15, v23;
	v29 =	vld [tilespmem:s7+$0x62C8];
	v23 =	vadd.f32 v25, v30  }
0xdb: {  	vm0 =	veq.s32 v0, $0x0;
	v20 =	vadd.f32 v21, v20;
	v21 =	vadd.f32 v31, v28;
	v28 =	vld [tilespmem:s7+$0x3888]  }
0xdc: {  	v22 =	vsel vm0, $0x0, v22;
	v10 =	vadd.f32 v10, v15;
	v31 =	vld [tilespmem:s7+$0xE68];
	v15 =	vadd.f32 v17, v23  }
0xdd: {  	v17 =	vld [tilespmem:s7+$0xE88];
	v20 =	vadd.f32 v22, v20;
	v21 =	vadd.f32 v24, v21  }
0xde: {  	v14 =	vsel vm0, $0x0, v14;
	v22 =	vld [tilespmem:s7+$0x3898]  }
0xdf: {  	v24 =	vld [tilespmem:s7+$0xE78];
	v14 =	vadd.f32 v14, v20;
	v16 =	vadd.f32 v16, v21  }
0xe0: {  	v9 =	vsel vm0, $0x0, v9;
	v20 =	vld [tilespmem:s7+$0x38A8]  }
0xe1: {  	v9 =	vadd.f32 v9, v14;
	v11 =	vadd.f32 v11, v16;
	v14 =	vld [tilespmem:s7+$0x38B8]  }
0xe2: {  	v6 =	vadd.f32 v6, v10;
	v10 =	vadd.f32 v12, v15;
	v12 =	vld [tilespmem:s7+$0x62D8]  }
0xe3: {  	v15 =	vld [tilespmem:s7+$0x62E8];
	v7 =	vadd.f32 v7, v11;
	v11 =	vadd.f32 v28, v60  }
0xe4: {  	v8 =	vadd.f32 v8, v10;
	v16 =	vld [tilespmem:s7+$0x69];
	v10 =	vadd.f32 v22, v31  }
0xe5: {  	v21 =	vld [tilespmem:s7+$0x79];
	v20 =	vadd.f32 v20, v24;
	v11 =	vadd.f32 v59, v11  }
0xe6: {  	v22 =	vld [tilespmem:s7+$0x2A99];
	v10 =	vadd.f32 v29, v10;
	v14 =	vadd.f32 v14, v17  }
0xe7: {  	v12 =	vadd.f32 v12, v20;
	v17 =	vld [tilespmem:s7+$0x2AA9];
	v11 =	vadd.f32 v57, v11  }
0xe8: {  	v10 =	vadd.f32 v58, v10;
	v20 =	vld [tilespmem:s7+$0x54C9];
	v14 =	vadd.f32 v15, v14  }
0xe9: {  	v12 =	vadd.f32 v16, v12;
	v15 =	vld [tilespmem:s7+$0x54D9];
	v11 =	vadd.f32 v33, v11  }
0xea: {  	v10 =	vadd.f32 v34, v10;
	v16 =	vld [tilespmem:s7+$0x1C87];
	v14 =	vadd.f32 v21, v14  }
0xeb: {  	v12 =	vadd.f32 v22, v12;
	v21 =	vld [tilespmem:s7+$0x1C97];
	v11 =	vadd.f32 v26, v11  }
0xec: {  	v10 =	vadd.f32 v27, v10;
	v22 =	vld [tilespmem:s7+$0x46B7];
	v14 =	vadd.f32 v17, v14  }
0xed: {  	v12 =	vadd.f32 v20, v12;
	v17 =	vld [tilespmem:s7+$0x46C7];
	v11 =	vadd.f32 v18, v11  }
0xee: {  	v10 =	vadd.f32 v19, v10;
	v14 =	vadd.f32 v15, v14;
	v15 =	vld [tilespmem:s7+$0x46D7]  }
0xef: {  	[tilespmem:s7+$0x7F00] =	vst v9;
	v9 =	vadd.f32 v16, v12;
	v5 =	vadd.f32 v5, v11;
	v11 =	vld [tilespmem:s7+$0x70F7]  }
0xf0: {  	[tilespmem:s7+$0x7F10] =	vst v6;
	v4 =	vadd.f32 v4, v10;
	v10 =	vld [tilespmem:s7+$0x7107];
	v6 =	vadd.f32 v21, v14  }
0xf1: {  	[tilespmem:s7+$0x7F30] =	vst v8;
	v3 =	vadd.f32 v3, v5;
	v5 =	vadd.f32 v22, v9  }
0xf2: {  	[tilespmem:s7+$0x7F20] =	vst v7;
	v2 =	vadd.f32 v2, v4;
	v4 =	vadd.f32 v17, v6  }
0xf3: {  	[tilespmem:s7+$0x7F40] =	vst v3;
	v1 =	vadd.f32 v1, v5;
	v3 =	vadd.f32 v15, v13  }
0xf4: {  	[tilespmem:s7+$0x7F50] =	vst v2;
	v2 =	vadd.f32 v11, v4  }
0xf5: {  	[tilespmem:s7+$0x7F60] =	vst v1;
	v1 =	vadd.f32 v10, v3  }
0xf6: {  	s20 =	sand.u32 $0xFE0, s0;
	[tilespmem:s7+$0x7F70] =	vst v2  }
0xf7: {  	[tilespmem:s20+$0x7F80] =	vst v1  }
0xf8: {  	v1 =	vld [tilespmem:s7+$0xEE8]  }
0xf9: {  	v2 =	vld [tilespmem:s7+$0x3918]  }
0xfa: {  	v3 =	vld [tilespmem:s7+$0xEA8]  }
0xfb: {  	v4 =	vld [tilespmem:s7+$0x6348]  }
0xfc: {  	v5 =	vld [tilespmem:s7+$0xD9]  }
0xfd: {  	v6 =	vld [tilespmem:s7+$0x38D8]  }
0xfe: {  	v7 =	vld [tilespmem:s7+$0x2B09]  }
0xff: {  	v8 =	vld [tilespmem:s7+$0x6308]  }
0x100: {  	v9 =	vld [tilespmem:s7+$0x5539]  }
0x101: {  	v10 =	vld [tilespmem:s7+$0x99]  }
0x102: {  	v11 =	vld [tilespmem:s7+$0x2AC9]  }
0x103: {  	v12 =	vld [tilespmem:s7+$0x1CF7]  }
0x104: {  	v13 =	vld [tilespmem:s7+$0x54F9]  }
0x105: {  	v14 =	vld [tilespmem:s7+$0x4727]  }
0x106: {  	v15 =	vld [tilespmem:s7+$0x1CB7]  }
0x107: {  	v16 =	vld [tilespmem:s7+$0x7157]  }
0x108: {  	v17 =	vld [tilespmem:s7+$0x46E7]  }
0x109: {  	v18 =	vld [tilespmem:s7+$0x7117]  }
0x10a: {  	v19 =	vld [tilespmem:s7+$0xEB8]  }
0x10b: {  	v20 =	vld [tilespmem:s7+$0x38E8]  }
0x10c: {  	v21 =	vld [tilespmem:s7+$0x6318]  }
0x10d: {  	v22 =	vld [tilespmem:s7+$0xA9]  }
0x10e: {  	v23 =	vld [tilespmem:s7+$0x2AD9]  }
0x10f: {  	v24 =	vld [tilespmem:s7+$0x5509]  }
0x110: {  	v25 =	vld [tilespmem:s7+$0x46F7];
	v1 =	vadd.f32 v2, v1  }
0x111: {  	v2 =	vld [tilespmem:s7+$0x1CC7];
	v3 =	vadd.f32 v6, v3  }
0x112: {  	vm1 =	veq.s32 v0, $0xF;
	v6 =	vadd.f32 v20, v19;
	v19 =	vld [tilespmem:s7+$0xEC8];
	v1 =	vadd.f32 v4, v1  }
0x113: {  	v5 =	vsel vm1, $0x0, v5;
	v4 =	vld [tilespmem:s7+$0x7127];
	v3 =	vadd.f32 v8, v3  }
0x114: {  	v6 =	vadd.f32 v21, v6;
	v1 =	vadd.f32 v5, v1;
	v5 =	vld [tilespmem:s7+$0x38F8]  }
0x115: {  	v7 =	vsel vm1, $0x0, v7;
	v8 =	vld [tilespmem:s7+$0x6328];
	v3 =	vadd.f32 v10, v3  }
0x116: {  	v6 =	vadd.f32 v22, v6;
	v10 =	vld [tilespmem:s7+$0x2AE9];
	v1 =	vadd.f32 v7, v1  }
0x117: {  	v9 =	vsel vm1, $0x0, v9;
	v7 =	vld [tilespmem:s7+$0xB9];
	v3 =	vadd.f32 v11, v3  }
0x118: {  	v6 =	vadd.f32 v23, v6;
	v11 =	vld [tilespmem:s7+$0x1CD7];
	v1 =	vadd.f32 v9, v1  }
0x119: {  	v9 =	vld [tilespmem:s7+$0x5519];
	v3 =	vadd.f32 v13, v3;
	v5 =	vadd.f32 v5, v19  }
0x11a: {  	v6 =	vadd.f32 v24, v6;
	v13 =	vld [tilespmem:s7+$0xED8];
	v1 =	vadd.f32 v1, v12  }
0x11b: {  	v12 =	vld [tilespmem:s7+$0x4707];
	v5 =	vadd.f32 v8, v5  }
0x11c: {  	v2 =	vadd.f32 v2, v6;
	v6 =	vld [tilespmem:s7+$0x3908];
	v1 =	vadd.f32 v1, v14  }
0x11d: {  	v3 =	vadd.f32 v15, v3;
	v8 =	vld [tilespmem:s7+$0x7137];
	v5 =	vadd.f32 v7, v5  }
0x11e: {  	v2 =	vadd.f32 v25, v2;
	v14 =	vld [tilespmem:s7+$0x2AF9];
	v1 =	vadd.f32 v1, v16  }
0x11f: {  	v3 =	vadd.f32 v17, v3;
	v7 =	vld [tilespmem:s7+$0x6338];
	v5 =	vadd.f32 v10, v5  }
0x120: {  	v10 =	vld [tilespmem:s7+$0xC9];
	[tilespmem:s7+$0x7FD0] =	vst v1;
	v1 =	vadd.f32 v4, v2  }
0x121: {  	v3 =	vadd.f32 v18, v3;
	v4 =	vld [tilespmem:s7+$0x5529];
	v2 =	vadd.f32 v9, v5  }
0x122: {  	v5 =	vld [tilespmem:s7+$0x1CE7];
	[tilespmem:s7+$0x7FA0] =	vst v1;
	v1 =	vadd.f32 v6, v13  }
0x123: {  	s19 =	simm.s32 $0xE0;
	[tilespmem:s7+$0x7F90] =	vst v3;
	v6 =	vld [tilespmem:s7+$0x4717];
	v2 =	vadd.f32 v11, v2  }
0x124: {  	v15 =	vld [tilespmem:s19+$0x7097];
	v1 =	vadd.f32 v7, v1  }
0x125: {  	v9 =	vld [tilespmem:s19+$0x70A7];
	v2 =	vadd.f32 v12, v2  }
0x126: {  	v3 =	vld [tilespmem:s19+$0x70C7];
	v10 =	vadd.f32 v10, v1  }
0x127: {  	v7 =	vld [tilespmem:s19+$0x70B7];
	v2 =	vadd.f32 v8, v2  }
0x128: {  	v1 =	vld [tilespmem:s19+$0x70D7];
	v10 =	vadd.f32 v14, v10  }
0x129: {  	v8 =	vld [tilespmem:s7+$0x7147];
	[tilespmem:s7+$0x7FB0] =	vst v2  }
0x12a: {  	v2 =	vld [tilespmem:s19+$0x70E7];
	v4 =	vadd.f32 v4, v10  }
0x12b: {  	v16 =	vld [tilespmem:s19+$0x7087]  }
0x12c: {  	v17 =	vld [tilespmem:s19+$0x4667];
	v4 =	vadd.f32 v5, v4  }
0x12d: {  	v22 =	vld [tilespmem:s19+$0x4677]  }
0x12e: {  	v31 =	vld [tilespmem:s19+$0x4687];
	v6 =	vadd.f32 v6, v4  }
0x12f: {  	v14 =	vld [tilespmem:s19+$0x1CA7]  }
0x130: {  	v18 =	vld [tilespmem:s19+$0x4657];
	v6 =	vadd.f32 v8, v6  }
0x131: {  	v5 =	vld [tilespmem:s19+$0x4697]  }
0x132: {  	v4 =	vld [tilespmem:s19+$0x46A7];
	[tilespmem:s7+$0x7FC0] =	vst v6  }
0x133: {  	v19 =	vld [tilespmem:s19+$0x1C37]  }
0x134: {  	v30 =	vld [tilespmem:s19+$0x1C47]  }
0x135: {  	v32 =	vld [tilespmem:s19+$0x1C57]  }
0x136: {  	v8 =	vld [tilespmem:s19+$0x1C67]  }
0x137: {  	v6 =	vld [tilespmem:s19+$0x1C77]  }
0x138: {  	v20 =	vld [tilespmem:s19+$0x54E9]  }
0x139: {  	v26 =	vld [tilespmem:s19+$0x5469]  }
0x13a: {  	v27 =	vld [tilespmem:s19+$0x1C27]  }
0x13b: {  	v28 =	vld [tilespmem:s19+$0x5479]  }
0x13c: {  	v29 =	vld [tilespmem:s19+$0x5489]  }
0x13d: {  	v33 =	vld [tilespmem:s19+$0x5499]  }
0x13e: {  	v11 =	vld [tilespmem:s19+$0x54A9]  }
0x13f: {  	v10 =	vld [tilespmem:s19+$0x54B9]  }
0x140: {  	v21 =	vld [tilespmem:s19+$0x2AB9]  }
0x141: {  	v24 =	vld [tilespmem:s19+$0x2A39]  }
0x142: {  	v25 =	vld [tilespmem:s19+$0x2A49]  }
0x143: {  	v34 =	vld [tilespmem:s19+$0x2A59]  }
0x144: {  	v35 =	vld [tilespmem:s19+$0x2A69]  }
0x145: {  	v13 =	vld [tilespmem:s19+$0x2A79]  }
0x146: {  	v23 =	vld [tilespmem:s19+$0x89]  }
0x147: {  	v61 =	vld [tilespmem:s19+$0xE98]  }
0x148: {  	v62 =	vld [tilespmem:s19+$0x38C8]  }
0x149: {  	v63 =	vld [tilespmem:s19+$0x19]  }
0x14a: {  	v48 =	vld [tilespmem:s19+$0x62F8]  }
0x14b: {  	v49 =	vld [tilespmem:s19+$0x6278]  }
0x14c: {  	v50 =	vld [tilespmem:s19+$0x6288]  }
0x14d: {  	v53 =	vld [tilespmem:s19+$0xE28]  }
0x14e: {  	v54 =	vld [tilespmem:s19+$0x3858]  }
0x14f: {  	v51 =	vld [tilespmem:s19+$0x3848]  }
0x150: {  	v55 =	vld [tilespmem:s19+$0xE38];
	v37 =	vadd.f32 v62, v61  }
0x151: {  	v56 =	vld [tilespmem:s19+$0x3868]  }
0x152: {  	v52 =	vld [tilespmem:s19+$0xE18];
	v37 =	vadd.f32 v48, v37  }
0x153: {  	v58 =	vld [tilespmem:s19+$0x6298];
	v40 =	vadd.f32 v54, v53  }
0x154: {  	v57 =	vld [tilespmem:s19+$0xE48];
	v23 =	vadd.f32 v23, v37  }
0x155: {  	v60 =	vld [tilespmem:s19+$0x29];
	v40 =	vadd.f32 v50, v40  }
0x156: {  	v37 =	vadd.f32 v56, v55;
	v21 =	vadd.f32 v21, v23;
	v23 =	vld [tilespmem:s19+$0x3878]  }
0x157: {  	v36 =	vld [tilespmem:s19+$0x9]  }
0x158: {  	v59 =	vld [tilespmem:s19+$0x62A8];
	v39 =	vadd.f32 v63, v40;
	v37 =	vadd.f32 v58, v37  }
0x159: {  	v12 =	vld [tilespmem:s19+$0x2A89];
	v20 =	vadd.f32 v20, v21;
	v21 =	vadd.f32 v51, v52  }
0x15a: {  	v61 =	vld [tilespmem:s19+$0x39];
	v39 =	vadd.f32 v25, v39;
	v37 =	vadd.f32 v60, v37  }
0x15b: {  	v62 =	vsel vm0, $0x0, v27;
	v27 =	vld [tilespmem:s19+$0xE68];
	v21 =	vadd.f32 v49, v21;
	v23 =	vadd.f32 v23, v57  }
0x15c: {  	v25 =	vld [tilespmem:s19+$0xE58];
	v39 =	vadd.f32 v28, v39;
	v14 =	vadd.f32 v14, v20  }
0x15d: {  	v28 =	vld [tilespmem:s19+$0x3898];
	v36 =	vadd.f32 v36, v21;
	v38 =	vadd.f32 v59, v23  }
0x15e: {  	v20 =	vld [tilespmem:s19+$0x49];
	v34 =	vadd.f32 v34, v37;
	v19 =	vadd.f32 v19, v39  }
0x15f: {  	v21 =	vld [tilespmem:s19+$0x59];
	v36 =	vadd.f32 v24, v36;
	v38 =	vadd.f32 v61, v38  }
0x160: {  	v34 =	vadd.f32 v29, v34;
	v29 =	vld [tilespmem:s19+$0xE78];
	v63 =	vadd.f32 v17, v19  }
0x161: {  	v19 =	vld [tilespmem:s19+$0xE88];
	v36 =	vadd.f32 v26, v36;
	v35 =	vadd.f32 v35, v38  }
0x162: {  	v17 =	vld [tilespmem:s19+$0x38B8]  }
0x163: {  	v26 =	vld [tilespmem:s19+$0x3888];
	v36 =	vadd.f32 v62, v36;
	v33 =	vadd.f32 v33, v35  }
0x164: {  	v18 =	vsel vm0, $0x0, v18;
	v23 =	vld [tilespmem:s19+$0x62B8];
	v34 =	vadd.f32 v30, v34  }
0x165: {  	v30 =	vld [tilespmem:s19+$0x38A8];
	v18 =	vadd.f32 v18, v36;
	v32 =	vadd.f32 v32, v33  }
0x166: {  	v16 =	vsel vm0, $0x0, v16;
	v24 =	vld [tilespmem:s19+$0x62C8];
	v15 =	vadd.f32 v15, v63;
	v22 =	vadd.f32 v22, v34  }
0x167: {  	s5 =	simm.s32 $0x0;
	s20 =	simm.s32 $0x700;
	v18 =	vadd.f32 v16, v18;
	v16 =	vld [tilespmem:s19+$0x62D8];
	v31 =	vadd.f32 v31, v32  }
.LBB2_4:
0x168: {  	p0 =	sne.s32 s20, $0x3480;
	v9 =	vadd.f32 v9, v22;
	v22 =	vadd.f32 v26, v25;
	v25 =	vld [tilespmem:s19+$0x62E8]  }
0x169: {  	v26 =	vadd.f32 v28, v27;
	v7 =	vadd.f32 v7, v31;
	v27 =	vld [tilespmem:s19+$0x69]  }
0x16a: {  	v22 =	vadd.f32 v23, v22;
	v23 =	vadd.f32 v30, v29;
	v28 =	vld [tilespmem:s19+$0x79]  }
0x16b: {  	v24 =	vadd.f32 v24, v26;
	v26 =	vld [tilespmem:s19+$0x2A99];
	v17 =	vadd.f32 v17, v19  }
0x16c: {  	v19 =	vadd.f32 v20, v22;
	v16 =	vadd.f32 v16, v23;
	v20 =	vld [tilespmem:s19+$0x2AA9]  }
0x16d: {  	v21 =	vadd.f32 v21, v24;
	v22 =	vld [tilespmem:s19+$0x54C9];
	v17 =	vadd.f32 v25, v17  }
0x16e: {  	v13 =	vadd.f32 v13, v19;
	v16 =	vadd.f32 v27, v16;
	v19 =	vld [tilespmem:s19+$0x54D9]  }
0x16f: {  	v12 =	vadd.f32 v12, v21;
	v21 =	vld [tilespmem:s19+$0x1C87];
	v17 =	vadd.f32 v28, v17  }
0x170: {  	v11 =	vadd.f32 v11, v13;
	v13 =	vadd.f32 v26, v16;
	v16 =	vld [tilespmem:s19+$0x1C97]  }
0x171: {  	v10 =	vadd.f32 v10, v12;
	v12 =	vld [tilespmem:s19+$0x46B7];
	v17 =	vadd.f32 v20, v17  }
0x172: {  	v8 =	vadd.f32 v8, v11;
	v11 =	vadd.f32 v22, v13;
	v13 =	vld [tilespmem:s19+$0x46C7]  }
0x173: {  	v6 =	vadd.f32 v6, v10;
	v10 =	vadd.f32 v19, v17;
	v17 =	vld [tilespmem:s19+$0x46D7]  }
0x174: {  	[tilespmem:s19+$0x7F00] =	vst v18;
	v5 =	vadd.f32 v5, v8;
	v8 =	vadd.f32 v21, v11;
	v11 =	vld [tilespmem:s19+$0x70F7]  }
0x175: {  	v4 =	vadd.f32 v4, v6;
	[tilespmem:s19+$0x7F10] =	vst v15;
	v6 =	vadd.f32 v16, v10;
	v10 =	vld [tilespmem:s19+$0x7107]  }
0x176: {  	[tilespmem:s19+$0x7F20] =	vst v9;
	v3 =	vadd.f32 v3, v5;
	v5 =	vadd.f32 v12, v8  }
0x177: {  	v1 =	vadd.f32 v1, v4;
	[tilespmem:s19+$0x7F30] =	vst v7;
	v4 =	vadd.f32 v13, v6  }
0x178: {  	[tilespmem:s19+$0x7F40] =	vst v3;
	v2 =	vadd.f32 v2, v5;
	v3 =	vadd.f32 v17, v14  }
0x179: {  	[tilespmem:s19+$0x7F50] =	vst v1;
	v1 =	vadd.f32 v11, v4  }
0x17a: {  	s5 =	sadd.s32 $0xE0, s5;
	[tilespmem:s19+$0x7F60] =	vst v2;
	v2 =	vadd.f32 v10, v3  }
0x17b: {  	s7 =	sand.u32 $0xFE0, s5;
	[tilespmem:s19+$0x7F70] =	vst v1  }
0x17c: {  	[tilespmem:s7+$0x7F80] =	vst v2  }
0x17d: {  	v1 =	vld [tilespmem:s19+$0xEE8]  }
0x17e: {  	v2 =	vld [tilespmem:s19+$0x3918]  }
0x17f: {  	v3 =	vld [tilespmem:s19+$0xEA8]  }
0x180: {  	v4 =	vld [tilespmem:s19+$0x6348]  }
0x181: {  	v5 =	vld [tilespmem:s19+$0xD9]  }
0x182: {  	v6 =	vld [tilespmem:s19+$0x38D8]  }
0x183: {  	v1 =	vadd.f32 v2, v1;
	v2 =	vld [tilespmem:s19+$0x2B09]  }
0x184: {  	v7 =	vld [tilespmem:s19+$0x6308]  }
0x185: {  	v1 =	vadd.f32 v4, v1;
	v4 =	vld [tilespmem:s19+$0x5539]  }
0x186: {  	v8 =	vld [tilespmem:s19+$0x99];
	v5 =	vsel vm1, $0x0, v5  }
0x187: {  	v3 =	vadd.f32 v6, v3;
	v6 =	vld [tilespmem:s19+$0x2AC9];
	v1 =	vadd.f32 v5, v1  }
0x188: {  	v2 =	vsel vm1, $0x0, v2;
	v5 =	vld [tilespmem:s19+$0x1CF7]  }
0x189: {  	v3 =	vadd.f32 v7, v3;
	v7 =	vld [tilespmem:s19+$0x54F9];
	v1 =	vadd.f32 v2, v1  }
0x18a: {  	v2 =	vsel vm1, $0x0, v4;
	v4 =	vld [tilespmem:s19+$0x4727]  }
0x18b: {  	v3 =	vadd.f32 v8, v3;
	v8 =	vld [tilespmem:s19+$0x1CB7];
	v1 =	vadd.f32 v2, v1  }
0x18c: {  	v2 =	vld [tilespmem:s19+$0x7157]  }
0x18d: {  	v3 =	vadd.f32 v6, v3;
	v6 =	vld [tilespmem:s19+$0x46E7];
	v1 =	vadd.f32 v1, v5  }
0x18e: {  	v5 =	vld [tilespmem:s19+$0x7117]  }
0x18f: {  	v3 =	vadd.f32 v7, v3;
	v7 =	vld [tilespmem:s19+$0xEB8];
	v1 =	vadd.f32 v1, v4  }
0x190: {  	v4 =	vld [tilespmem:s19+$0x38E8]  }
0x191: {  	v3 =	vadd.f32 v8, v3;
	v8 =	vld [tilespmem:s19+$0x6318];
	v1 =	vadd.f32 v1, v2  }
0x192: {  	v2 =	vld [tilespmem:s19+$0xA9]  }
0x193: {  	v3 =	vadd.f32 v6, v3;
	v6 =	vld [tilespmem:s19+$0x2AD9];
	[tilespmem:s19+$0x7FD0] =	vst v1  }
0x194: {  	v1 =	vld [tilespmem:s19+$0x5509]  }
0x195: {  	v3 =	vadd.f32 v5, v3;
	v4 =	vadd.f32 v4, v7;
	v5 =	vld [tilespmem:s19+$0x1CC7]  }
0x196: {  	v7 =	vld [tilespmem:s19+$0x46F7]  }
0x197: {  	[tilespmem:s19+$0x7F90] =	vst v3;
	v3 =	vadd.f32 v8, v4;
	v4 =	vld [tilespmem:s19+$0x7127]  }
0x198: {  	v8 =	vld [tilespmem:s19+$0xEC8]  }
0x199: {  	v2 =	vadd.f32 v2, v3;
	v3 =	vld [tilespmem:s19+$0x38F8]  }
0x19a: {  	v9 =	vld [tilespmem:s19+$0x6328]  }
0x19b: {  	v2 =	vadd.f32 v6, v2;
	v6 =	vld [tilespmem:s19+$0xB9]  }
0x19c: {  	v10 =	vld [tilespmem:s19+$0x2AE9]  }
0x19d: {  	v1 =	vadd.f32 v1, v2;
	v2 =	vld [tilespmem:s19+$0x5519]  }
0x19e: {  	v3 =	vadd.f32 v3, v8;
	v8 =	vld [tilespmem:s19+$0x1CD7]  }
0x19f: {  	v1 =	vadd.f32 v5, v1;
	v5 =	vld [tilespmem:s19+$0x4707]  }
0x1a0: {  	v3 =	vadd.f32 v9, v3;
	v11 =	vld [tilespmem:s19+$0x7137]  }
0x1a1: {  	v1 =	vadd.f32 v7, v1;
	v7 =	vld [tilespmem:s19+$0xED8]  }
0x1a2: {  	v3 =	vadd.f32 v6, v3;
	v6 =	vld [tilespmem:s19+$0x3908]  }
0x1a3: {  	v1 =	vadd.f32 v4, v1;
	v4 =	vld [tilespmem:s19+$0x6338]  }
0x1a4: {  	v3 =	vadd.f32 v10, v3;
	v10 =	vld [tilespmem:s19+$0xC9]  }
0x1a5: {  	[tilespmem:s19+$0x7FA0] =	vst v1;
	v1 =	vld [tilespmem:s19+$0x2AF9]  }
0x1a6: {  	v2 =	vadd.f32 v2, v3;
	v12 =	vld [tilespmem:s19+$0x5529]  }
0x1a7: {  	v3 =	vadd.f32 v6, v7;
	v6 =	vld [tilespmem:s19+$0x1CE7]  }
0x1a8: {  	v2 =	vadd.f32 v8, v2;
	v8 =	vld [tilespmem:s19+$0x4717]  }
0x1a9: {  	s7 =	sshra.s32 s20, $0x2;
	v3 =	vadd.f32 v4, v3;
	v13 =	vld [tilespmem:s19+$0x7147]  }
0x1aa: {  	v15 =	vld [tilespmem:s7+$0x7097];
	v2 =	vadd.f32 v5, v2  }
0x1ab: {  	v9 =	vld [tilespmem:s7+$0x70A7];
	v4 =	vadd.f32 v10, v3  }
0x1ac: {  	v7 =	vld [tilespmem:s7+$0x70B7];
	v2 =	vadd.f32 v11, v2  }
0x1ad: {  	v3 =	vld [tilespmem:s7+$0x70C7];
	v4 =	vadd.f32 v1, v4  }
0x1ae: {  	v1 =	vld [tilespmem:s7+$0x70D7];
	[tilespmem:s19+$0x7FB0] =	vst v2  }
0x1af: {  	v2 =	vld [tilespmem:s7+$0x70E7];
	v4 =	vadd.f32 v12, v4  }
0x1b0: {  	v18 =	vld [tilespmem:s7+$0x7087]  }
0x1b1: {  	v19 =	vld [tilespmem:s7+$0x4667];
	v4 =	vadd.f32 v6, v4  }
0x1b2: {  	v17 =	vld [tilespmem:s7+$0x4677]  }
0x1b3: {  	v16 =	vld [tilespmem:s7+$0x4687];
	v6 =	vadd.f32 v8, v4  }
0x1b4: {  	v5 =	vld [tilespmem:s7+$0x4697]  }
0x1b5: {  	v4 =	vld [tilespmem:s7+$0x46A7];
	v6 =	vadd.f32 v13, v6  }
0x1b6: {  	v14 =	vld [tilespmem:s7+$0x1CA7]  }
0x1b7: {  	v29 =	vld [tilespmem:s7+$0x4657];
	[tilespmem:s19+$0x7FC0] =	vst v6;
	s19 =	smov.u32 s7  }
0x1b8: {  	v30 =	vld [tilespmem:s19+$0x1C37]  }
0x1b9: {  	v31 =	vld [tilespmem:s19+$0x1C47]  }
0x1ba: {  	v22 =	vld [tilespmem:s19+$0x1C57]  }
0x1bb: {  	v8 =	vld [tilespmem:s19+$0x1C67]  }
0x1bc: {  	v6 =	vld [tilespmem:s19+$0x1C77]  }
0x1bd: {  	v20 =	vld [tilespmem:s19+$0x54E9]  }
0x1be: {  	v26 =	vld [tilespmem:s19+$0x5469]  }
0x1bf: {  	v27 =	vld [tilespmem:s19+$0x1C27]  }
0x1c0: {  	v28 =	vld [tilespmem:s19+$0x5479]  }
0x1c1: {  	v32 =	vld [tilespmem:s19+$0x5489]  }
0x1c2: {  	v33 =	vld [tilespmem:s19+$0x5499]  }
0x1c3: {  	v11 =	vld [tilespmem:s19+$0x54A9]  }
0x1c4: {  	v10 =	vld [tilespmem:s19+$0x54B9]  }
0x1c5: {  	v21 =	vld [tilespmem:s19+$0x2AB9]  }
0x1c6: {  	v24 =	vld [tilespmem:s19+$0x2A39]  }
0x1c7: {  	v25 =	vld [tilespmem:s19+$0x2A49]  }
0x1c8: {  	v34 =	vld [tilespmem:s19+$0x2A59]  }
0x1c9: {  	v35 =	vld [tilespmem:s19+$0x2A69]  }
0x1ca: {  	v13 =	vld [tilespmem:s19+$0x2A79]  }
0x1cb: {  	v12 =	vld [tilespmem:s19+$0x2A89]  }
0x1cc: {  	v23 =	vld [tilespmem:s19+$0x89]  }
0x1cd: {  	v36 =	vld [tilespmem:s19+$0x9]  }
0x1ce: {  	v37 =	vld [tilespmem:s19+$0xE98]  }
0x1cf: {  	v38 =	vld [tilespmem:s19+$0x38C8]  }
0x1d0: {  	v39 =	vld [tilespmem:s19+$0x19]  }
0x1d1: {  	v40 =	vld [tilespmem:s19+$0x62F8]  }
0x1d2: {  	v41 =	vld [tilespmem:s19+$0x6278]  }
0x1d3: {  	v42 =	vld [tilespmem:s19+$0x6288]  }
0x1d4: {  	v43 =	vld [tilespmem:s19+$0x3848];
	v37 =	vadd.f32 v38, v37  }
0x1d5: {  	v38 =	vld [tilespmem:s19+$0xE18]  }
0x1d6: {  	v44 =	vld [tilespmem:s19+$0xE28];
	v37 =	vadd.f32 v40, v37  }
0x1d7: {  	v40 =	vld [tilespmem:s19+$0x3858]  }
0x1d8: {  	v45 =	vld [tilespmem:s19+$0xE38];
	v23 =	vadd.f32 v23, v37  }
0x1d9: {  	v37 =	vld [tilespmem:s19+$0x3868]  }
0x1da: {  	v46 =	vld [tilespmem:s19+$0xE48];
	v21 =	vadd.f32 v21, v23  }
0x1db: {  	v23 =	vld [tilespmem:s19+$0x3878]  }
0x1dc: {  	v47 =	vld [tilespmem:s19+$0x6298];
	v20 =	vadd.f32 v20, v21  }
0x1dd: {  	v21 =	vadd.f32 v43, v38;
	v38 =	vld [tilespmem:s19+$0x62A8]  }
0x1de: {  	v40 =	vadd.f32 v40, v44;
	v43 =	vld [tilespmem:s19+$0x29];
	v14 =	vadd.f32 v14, v20  }
0x1df: {  	v21 =	vadd.f32 v41, v21;
	v37 =	vadd.f32 v37, v45;
	v41 =	vld [tilespmem:s19+$0x39]  }
0x1e0: {  	v40 =	vadd.f32 v42, v40;
	v23 =	vadd.f32 v23, v46;
	v20 =	vld [tilespmem:s19+$0x49]  }
0x1e1: {  	v36 =	vadd.f32 v36, v21;
	v37 =	vadd.f32 v47, v37;
	v21 =	vld [tilespmem:s19+$0x59]  }
0x1e2: {  	v39 =	vadd.f32 v39, v40;
	v38 =	vadd.f32 v38, v23;
	v23 =	vld [tilespmem:s19+$0x62B8]  }
0x1e3: {  	v36 =	vadd.f32 v24, v36;
	v37 =	vadd.f32 v43, v37;
	v24 =	vld [tilespmem:s19+$0x62C8]  }
0x1e4: {  	v39 =	vadd.f32 v25, v39;
	v38 =	vadd.f32 v41, v38;
	v25 =	vld [tilespmem:s19+$0xE58]  }
0x1e5: {  	v36 =	vadd.f32 v26, v36;
	v34 =	vadd.f32 v34, v37;
	v26 =	vld [tilespmem:s19+$0x3888]  }
0x1e6: {  	v39 =	vadd.f32 v28, v39;
	v37 =	vsel vm0, $0x0, v27;
	v35 =	vadd.f32 v35, v38;
	v27 =	vld [tilespmem:s19+$0xE68]  }
0x1e7: {  	v36 =	vadd.f32 v37, v36;
	v32 =	vadd.f32 v32, v34;
	v28 =	vld [tilespmem:s19+$0x3898]  }
.Ltmp0:
0x1e8: {  	v37 =	vadd.f32 v30, v39;
	v34 =	vsel vm0, $0x0, v29;
	v33 =	vadd.f32 v33, v35;
	v29 =	vld [tilespmem:s19+$0xE78];
	(pc) =	sbr.rel @p0 .LBB2_4-.Ltmp0, $4  }
0x1e9: {  	v34 =	vadd.f32 v34, v36;
	v31 =	vadd.f32 v31, v32;
	v30 =	vld [tilespmem:s19+$0x38A8]  }
0x1ea: {  	v18 =	vsel vm0, $0x0, v18;
	v32 =	vadd.f32 v19, v37;
	v33 =	vadd.f32 v22, v33;
	v19 =	vld [tilespmem:s19+$0xE88]  }
0x1eb: {  	v18 =	vadd.f32 v18, v34;
	v22 =	vadd.f32 v17, v31;
	v17 =	vld [tilespmem:s19+$0x38B8]  }
0x1ec: {  	s20 =	sadd.s32 $0x380, s20;
	v15 =	vadd.f32 v15, v32;
	v31 =	vadd.f32 v16, v33;
	v16 =	vld [tilespmem:s19+$0x62D8]  }
0x1ed: {  	v32 =	vld [tilespmem:s19+$0x62E8];
	v9 =	vadd.f32 v9, v22;
	v48 =	vadd.f32 v26, v25  }
0x1ee: {  	v33 =	vld [tilespmem:s19+$0x69];
	v50 =	vadd.f32 v28, v27;
	v7 =	vadd.f32 v7, v31  }
0x1ef: {  	v49 =	vld [tilespmem:s19+$0x79];
	v52 =	vadd.f32 v30, v29;
	v22 =	vadd.f32 v23, v48  }
0x1f0: {  	v51 =	vld [tilespmem:s19+$0x2A99];
	v24 =	vadd.f32 v24, v50;
	v17 =	vadd.f32 v17, v19  }
0x1f1: {  	v53 =	vld [tilespmem:s19+$0x2AA9];
	v20 =	vadd.f32 v20, v22;
	v16 =	vadd.f32 v16, v52  }
0x1f2: {  	v54 =	vld [tilespmem:s19+$0x54C9];
	v21 =	vadd.f32 v21, v24;
	v17 =	vadd.f32 v32, v17  }
0x1f3: {  	v55 =	vld [tilespmem:s19+$0x54D9];
	v13 =	vadd.f32 v13, v20;
	v16 =	vadd.f32 v33, v16  }
0x1f4: {  	v56 =	vld [tilespmem:s19+$0x1C87];
	v12 =	vadd.f32 v12, v21;
	v17 =	vadd.f32 v49, v17  }
0x1f5: {  	v57 =	vld [tilespmem:s19+$0x1C97];
	v11 =	vadd.f32 v11, v13;
	v59 =	vadd.f32 v51, v16  }
0x1f6: {  	v58 =	vld [tilespmem:s19+$0x46B7];
	v10 =	vadd.f32 v10, v12;
	v61 =	vadd.f32 v53, v17  }
0x1f7: {  	v60 =	vld [tilespmem:s19+$0x46C7];
	v8 =	vadd.f32 v8, v11;
	v63 =	vadd.f32 v54, v59  }
0x1f8: {  	v62 =	vld [tilespmem:s19+$0x46D7];
	[tilespmem:s19+$0x7F00] =	vst v18;
	v6 =	vadd.f32 v6, v10;
	v18 =	vadd.f32 v55, v61  }
0x1f9: {  	v19 =	vld [tilespmem:s19+$0x70F7];
	v5 =	vadd.f32 v5, v8;
	v22 =	vadd.f32 v56, v63  }
0x1fa: {  	[tilespmem:s19+$0x7F10] =	vst v15;
	v24 =	vld [tilespmem:s19+$0x7107];
	v4 =	vadd.f32 v4, v6;
	v23 =	vadd.f32 v57, v18  }
0x1fb: {  	[tilespmem:s19+$0x7F20] =	vst v9;
	v3 =	vadd.f32 v3, v5;
	v25 =	vadd.f32 v58, v22  }
0x1fc: {  	[tilespmem:s19+$0x7F30] =	vst v7;
	v1 =	vadd.f32 v1, v4;
	v26 =	vadd.f32 v60, v23  }
0x1fd: {  	[tilespmem:s19+$0x7F40] =	vst v3;
	v2 =	vadd.f32 v2, v25;
	v3 =	vadd.f32 v62, v14  }
0x1fe: {  	[tilespmem:s19+$0x7F50] =	vst v1;
	v1 =	vadd.f32 v19, v26  }
0x1ff: {  	s5 =	sadd.s32 $0xE0, s5;
	[tilespmem:s19+$0x7F60] =	vst v2;
	v2 =	vadd.f32 v24, v3  }
0x200: {  	s5 =	sand.u32 $0xFE0, s5;
	[tilespmem:s19+$0x7F70] =	vst v1  }
0x201: {  	[tilespmem:s5+$0x7F80] =	vst v2  }
0x202: {  	v1 =	vld [tilespmem:s19+$0xEE8]  }
0x203: {  	v2 =	vld [tilespmem:s19+$0x3918]  }
0x204: {  	v3 =	vld [tilespmem:s19+$0xEA8]  }
0x205: {  	v27 =	vld [tilespmem:s19+$0x6348]  }
0x206: {  	v28 =	vld [tilespmem:s19+$0xD9]  }
0x207: {  	v29 =	vld [tilespmem:s19+$0x38D8]  }
0x208: {  	v30 =	vld [tilespmem:s19+$0x2B09]  }
0x209: {  	v1 =	vadd.f32 v2, v1;
	v2 =	vld [tilespmem:s19+$0x6308]  }
0x20a: {  	v31 =	vld [tilespmem:s19+$0x5539]  }
0x20b: {  	vm0 =	veq.s32 v0, $0xF;
	v32 =	vld [tilespmem:s19+$0x99];
	v1 =	vadd.f32 v27, v1  }
0x20c: {  	v5 =	vsel vm0, $0x0, v28;
	v3 =	vadd.f32 v29, v3  }
0x20d: {  	v33 =	vld [tilespmem:s19+$0x2AC9];
	v1 =	vadd.f32 v5, v1  }
0x20e: {  	v34 =	vld [tilespmem:s19+$0x1CF7];
	v35 =	vsel vm0, $0x0, v30;
	v2 =	vadd.f32 v2, v3  }
0x20f: {  	v36 =	vld [tilespmem:s19+$0x54F9];
	v1 =	vadd.f32 v35, v1  }
0x210: {  	v37 =	vsel vm0, $0x0, v31;
	v3 =	vld [tilespmem:s19+$0x4727];
	v2 =	vadd.f32 v32, v2  }
0x211: {  	v38 =	vld [tilespmem:s19+$0x1CB7];
	v1 =	vadd.f32 v37, v1  }
0x212: {  	v40 =	vld [tilespmem:s19+$0x46E7];
	v2 =	vadd.f32 v33, v2  }
0x213: {  	v41 =	vld [tilespmem:s19+$0x7117];
	v1 =	vadd.f32 v1, v34  }
0x214: {  	v42 =	vld [tilespmem:s19+$0xEB8];
	v2 =	vadd.f32 v36, v2  }
0x215: {  	v1 =	vadd.f32 v1, v3;
	v3 =	vld [tilespmem:s19+$0x38E8]  }
0x216: {  	v39 =	vld [tilespmem:s19+$0x7157];
	v2 =	vadd.f32 v38, v2  }
0x217: {  	v43 =	vld [tilespmem:s19+$0x6318]  }
0x218: {  	v2 =	vadd.f32 v40, v2  }
0x219: {  	v44 =	vld [tilespmem:s19+$0xA9]  }
0x21a: {  	v2 =	vadd.f32 v41, v2;
	v3 =	vadd.f32 v3, v42  }
0x21b: {  	v45 =	vld [tilespmem:s19+$0x2AD9];
	v1 =	vadd.f32 v1, v39  }
0x21c: {  	[tilespmem:s19+$0x7F90] =	vst v2;
	v2 =	vadd.f32 v43, v3  }
0x21d: {  	[tilespmem:s19+$0x7FD0] =	vst v1;
	v1 =	vld [tilespmem:s19+$0x5509]  }
0x21e: {  	v2 =	vadd.f32 v44, v2  }
0x21f: {  	v46 =	vld [tilespmem:s19+$0x1CC7]  }
0x220: {  	v47 =	vld [tilespmem:s19+$0x46F7];
	v2 =	vadd.f32 v45, v2  }
0x221: {  	v48 =	vld [tilespmem:s19+$0xEC8]  }
0x222: {  	v49 =	vld [tilespmem:s19+$0x38F8];
	v1 =	vadd.f32 v1, v2  }
0x223: {  	v3 =	vld [tilespmem:s19+$0x7127]  }
0x224: {  	v54 =	vld [tilespmem:s19+$0xED8];
	v1 =	vadd.f32 v46, v1  }
0x225: {  	v55 =	vld [tilespmem:s19+$0x3908]  }
0x226: {  	v50 =	vld [tilespmem:s19+$0x6328];
	v1 =	vadd.f32 v47, v1  }
0x227: {  	v57 =	vld [tilespmem:s19+$0x6338]  }
0x228: {  	v51 =	vld [tilespmem:s19+$0xB9];
	v1 =	vadd.f32 v3, v1  }
0x229: {  	v59 =	vld [tilespmem:s19+$0xC9];
	v3 =	vadd.f32 v49, v48  }
0x22a: {  	v52 =	vld [tilespmem:s19+$0x2AE9];
	[tilespmem:s19+$0x7FA0] =	vst v1;
	v1 =	vadd.f32 v55, v54  }
0x22b: {  	v60 =	vld [tilespmem:s19+$0x2AF9];
	v3 =	vadd.f32 v50, v3  }
0x22c: {  	v2 =	vld [tilespmem:s19+$0x5519];
	v1 =	vadd.f32 v57, v1  }
0x22d: {  	v61 =	vld [tilespmem:s19+$0x5529];
	v3 =	vadd.f32 v51, v3  }
0x22e: {  	v53 =	vld [tilespmem:s19+$0x1CD7];
	v1 =	vadd.f32 v59, v1  }
0x22f: {  	v62 =	vld [tilespmem:s19+$0x1CE7];
	v3 =	vadd.f32 v52, v3  }
0x230: {  	v56 =	vld [tilespmem:s19+$0x4707];
	v1 =	vadd.f32 v60, v1  }
0x231: {  	v2 =	vadd.f32 v2, v3;
	v3 =	vld [tilespmem:s19+$0x4717]  }
0x232: {  	v58 =	vld [tilespmem:s19+$0x7137];
	v1 =	vadd.f32 v61, v1  }
0x233: {  	v63 =	vld [tilespmem:s19+$0x7147];
	v2 =	vadd.f32 v53, v2  }
0x234: {  	v1 =	vadd.f32 v62, v1  }
0x235: {  	v2 =	vadd.f32 v56, v2  }
0x236: {  	v1 =	vadd.f32 v3, v1  }
0x237: {  	v2 =	vadd.f32 v58, v2  }
0x238: {  	s20 =	sadd.s32 s31, s6;
	s2 =	sadd.s32 $0x1, s2;
	v1 =	vadd.f32 v63, v1  }
0x239: {  	p0 =	sne.s32 s2, $0xE;
	s5 =	sshrl.u32 s20, $0x3;
	[tilespmem:s19+$0x7FB0] =	vst v2  }
.Ltmp1:
0x23a: {  	s5 =	sadd.s32 s4, s5;
	[tilespmem:s19+$0x7FC0] =	vst v1;
	(pc) =	sbr.rel @p0 .LBB2_3-.Ltmp1, $4  }
0x23b: {  	[hbm4b:s5+s1] =	stream.linear.scatter [tilespmem:s17], [sflag:$0x2], $0xE00, $0x38;
	[tilespmem:$0x8D00] =	vst v63  }
0x23c: {  	_ =	swait.ge [sflag:s18], $0xE00  }
0x23d: {  	[sflag:s18] =	ssyncset.done $0x0  }
0x23e: {  	[sflag:s18] =	ssyncadd.s32 $0xFFFFF200  }
0x23f: {  	s2 =	rddreg [dreg:$0x5]  }
0x240: {  	s2 =	sadd.s32 $0x1, s2  }
0x241: {  	p0 =	sne.s32 s2, $0x6  }
.Ltmp2:
0x242: {  	_ = 	snop;
	(pc) =	sbr.rel @p0 .LBB2_2-.Ltmp2, $1  }
0x243: {  	_ =	sdelay $0x3  }
0x244: {  	s2 =	rddreg [dreg:$0x4]  }
0x245: {  	s0 =	rddreg [dreg:$0x3];
	s2 =	sadd.s32 $0x1, s2  }
0x246: {  	p0 =	sne.s32 s2, s0  }
.Ltmp3:
0x247: {  	_ = 	snop;
	(pc) =	sbr.rel @p0 .LBB2_1-.Ltmp3, $1  }
0x248: {  	_ =	sdelay $0x3  }
0x249: {  	_ =	sfence.sel $0x180000  }
0x24a: {  	[bflag:$0x0] =	sbarrier.arrive $0xFFFF  }
0x24b: {  	_ =	strace $0x9000004A  }
0x24c: {  	s0 =	stileid.u32;
	[bflag:$0x2] =	sbarrier.arrive $0xFFFF  }
0x24d: {  	p0 =	sne.s32 s0, $0x0;
	s0 =	rddreg [dreg:$0x1]  }
0x24e: {  	s0 =	sadd.s32 @!p0 $0x100000, s0  }
0x24f: {  	[sflag:s0] =	ssyncadd.tile.s32 @!p0 $0x1;
	_ =	shalt  }
.Lfunc_end2:
_tile_overlayer_lowered:
.L_overlay_start_2:
0x250: {  	(tag) =	ssettag $0x2  }
0x251: {  	s0 =	rddreg [dreg:$0x0];
	s2 =	stileid.u32  }
0x252: {  	s1 =	rddreg [dreg:$0x1];
	p0 =	sne.s32 s2, $0x0  }
0x253: {  	s3 =	rddreg [dreg:$0x2];
	[bflag:$0x3] =	sbarrier.arrive $0xFFFF;
	s2 =	simm.s32 @!p0 $0x1C02  }
0x254: {  	[timem:s3], [sflag:s2] =	dma.local @!p0 [hbm:s0], s1  }
0x255: {  	s0 =	simm.s32 @!p0 $0x2  }
0x256: {  	_ =	swait.ge @!p0 [sflag:s0], s1  }
0x257: {  	s1 =	ssub.s32 @!p0 $0x0, s1;
	[sflag:s0] =	ssyncset.done @!p0 $0x0  }
0x258: {  	[sflag:s0] =	ssyncadd.s32 @!p0 s1  }
0x259: {  	[bflag:$0x3] =	sbarrier.arrive $0xFFFF  }
0x25a: {  	_ =	shalt  }

// kernel: sparse-core-data-format-call.cloned.1.call-start
scs
called_computation_lowered:
.L_overlay_start_0:
0x0: {  	s2 =	sld [smem:$0x3FD9]  }
0x1: {  	s3 =	sld [smem:$0x3FFE];
	_ =	sdelay $0x1  }
0x2: {  	s1 =	srdreg.scid  }
0x3: {  	s0 =	sand.u32 $0x1, s1  }
0x4: {  	s18 =	sshll.u32 s0, $0xA;
	s2 =	sadd.s32 s3, s2  }
0x5: {  	s2 =	sadd.s32 s2, s18  }
0x6: {  	[smem:$0x3FC7] =	sst s2  }
0x7: {  	_ = 	snop  }
0x8: {  	s2 =	sld [smem:$0x3FC9];
	(tm) =	ssettm $0x1  }
0x9: {  	s19 =	sld [smem:$0x3FFB];
	_ =	sdelay $0x3  }
0xa: {  	_ =	strace s19  }
0xb: {  	s3 =	sld [smem:$0x3FFC];
	_ =	sdelay $0x3  }
0xc: {  	_ =	strace s3  }
0xd: {  	s3 =	sld [smem:$0x3FFD];
	_ =	sdelay $0x3  }
0xe: {  	_ =	strace s3  }
0xf: {  	_ =	strace $0x8FFFFFFF  }
0x10: {  	s20 =	sld [smem:$0x3FDB];
	_ =	sdelay $0x1  }
0x11: {  	s4 =	simm.s32 $_scs_section_size  }
0x12: {  	s5 =	simm.s32 $_size__tile_overlayer_lowered;
	s6 =	simm.s32 $_tile_overlayer_lowered  }
0x13: {  	s23 =	simm.s32 $0x1BFF;
	s22 =	sshll.u32 s6, $0x1;
	s3 =	sadd.s32 s4, s20  }
0x14: {  	s7 =	simm.s32 $0x0;
	s21 =	sshll.u32 s5, $0x1;
	s5 =	sadd.s32 s22, s3  }
0x15: {  	[timem:s7], [sflag:s23] =	dma.local [hbm:s5], s21  }
0x16: {  	_ =	swait.ge [sflag:s23], s21  }
0x17: {  	s4 =	ssub.s32 $0x0, s21;
	[sflag:s23] =	ssyncset.done $0x0  }
0x18: {  	[sflag:s23] =	ssyncadd.s32 s4;
	_ =	sdelay $0x1  }
0x19: {  	s24 =	simm.s32 $0x1B8B  }
0x1a: {  	_ =	swait.ge [sflag:s24], $0x1  }
0x1b: {  	[sflag:s24] =	ssyncset.done $0x0  }
0x1c: {  	s26 =	simm.s32 $0x1B8E;
	s25 =	sld [smem:$0x3FFE];
	[sflag:s24] =	ssyncadd.s32 $0xFFFFFFFF  }
0x1d: {  	s27 =	simm.s32 $execute0_lowered;
	[smem:$0x3FD2] =	sst s26  }
0x1e: {  	s5 =	sshll.u32 s27, $0x1;
	_ =	strace $0x80000046;
	[dreg:$0x1] =	wrdreg $0xFFFFFFFF  }
0x1f: {  	s28 =	simm.s32 $_size_execute0_lowered;
	s3 =	sadd.s32 s3, s5;
	[dreg:$0x0] =	wrdreg $0x0  }
0x20: {  	s5 =	sshll.u32 s28, $0x1;
	[dreg:$0x2] =	wrdreg s3  }
0x21: {  	[dreg:$0x3] =	wrdreg s5  }
0x22: {  	[dreg:$0x4] =	wrdreg $0xC0  }
0x23: {  	_ =	task [dreg:s7], $0x5FFFF  }
0x24: {  	[dreg:$0x1] =	wrdreg $0xFFFFFFFF  }
0x25: {  	[dreg:$0x0] =	wrdreg $0x60  }
0x26: {  	[dreg:$0x2] =	wrdreg s2  }
0x27: {  	[dreg:$0x3] =	wrdreg s25  }
0x28: {  	[dreg:$0x4] =	wrdreg $0x9  }
0x29: {  	_ =	task.clear_ibuf [dreg:s7], $0x5FFFF;
	_ =	strace $0x90000046  }
0x2a: {  	s29 =	simm.s32 $0x9;
	_ =	strace $0x80000048  }
0x2b: {  	_ =	swait.ge [sflag:s29], $0x1  }
0x2c: {  	[sflag:s29] =	ssyncadd.s32 $0xFFFFFFFF  }
0x2d: {  	_ =	strace $0x90000048  }
0x2e: {  	_ =	sfence  }
0x2f: {  	s30 =	sld [smem:$0x0];
	_ =	sdelay $0x2  }
0x30: {  	s31 =	sshll.u32 s1, $0xD;
	s1 =	sshrl.u32 s1, $0x2  }
0x31: {  	s3 =	sand.u32 $0x4000, s31;
	s1 =	sadd.s32 s1, s30  }
0x32: {  	s0 =	sor.u32 s3, s0;
	s1 =	sshll.u32 s1, $0x11  }
0x33: {  	s0 =	sor.u32 s1, s0  }
0x34: {  	s0 =	sadd.s32 $0x8F2B, s0  }
0x35: {  	[sflag:s0] =	ssyncadd.remote.s32 $0x1  }
0x36: {  	_ =	sfence.sel $0xFFFF  }
0x37: {  	[dreg:$0x0] =	wrdreg $0xFFFFFFFF;
	(pc) =	sbr.abs _section_cstart, $3  }
0x38: {  	[dreg:$0x1] =	wrdreg $0xFFFFFFFF  }
0x39: {  	_ =	task.clear_ibuf [dreg:s7], $0x2FFFF;
	_ =	strace $0x9FFFFFFF  }
0x3a: {  	(tm) =	ssettm $0x7FFFFFFF  }
0x3b: {  	_ =	shalt  }
tec
execute0_lowered:
.L_overlay_start_1:
0x0: {  	(tag) =	ssettag $0x1  }
0x1: {  	s0 =	srdreg.scid  }
0x2: {  	s1 =	sshll.u32 s0, $0x4  }
0x3: {  	s0 =	stileid.u32;
	s1 =	sand.u32 $0x10, s1  }
0x4: {  	s3 =	rddreg [dreg:$0x0];
	s1 =	sor.u32 s0, s1  }
0x5: {  	s6 =	rddreg [dreg:$0x1];
	s7 =	simm.s32 $0x2;
	s2 =	sshll.u32 s1, $0x1  }
0x6: {  	s14 =	simm.s32 $0x0;
	s8 =	simm.s32 $0x400;
	s1 =	ssub.s32 $0xD8, s2  }
0x7: {  	s9 =	simm.s32 $0xC400;
	s10 =	simm.s32 $0x0;
	s4 =	sand.u32 $0x3E, s1  }
0x8: {  	s15 =	simm.s32 $0x0;
	p0 =	sne.s32 s4, $0x0;
	s4 =	simm.s32 $0x1  }
.Ltmp0:
0x9: {  	s5 =	sshrl.u32 s1, $0x6;
	s4 =	simm.s32 @!p0 $0x0;
	(pc) =	sbr.rel .LBB1_1-.Ltmp0, $4  }
0xa: {  	s11 =	simm.s32 $0x0;
	s1 =	rddreg [dreg:$0x2];
	s5 =	sadd.s32 s4, s5  }
0xb: {  	_ =	strace $0x80000047;
	s4 =	simm.s32 $0x1;
	s5 =	smul.u32 $0x31, s5  }
0xc: {  	s13 =	simm.s32 $0x0;
	s6 =	sadd.s32 $0x800, s6;
	[sflag:s4] =	ssyncpa.u1 $0x0  }
0xd: {  	s12 =	smov.u32 s2;
	[sflag:s7] =	ssyncpa.u1 $0x0;
	s7 =	sadd.s32 $0x1, s5  }
.LBB1_9:
0xe: {  	s16 =	sadd.s32 $0x8, s11  }
0xf: {  	s14 =	sadd.s32 $0x40, s12;
	s18 =	smov.u32 s12;
	p1 =	sgt.s32 s16, $0x187  }
0x10: {  	s18 =	smov.u32 @p1 s14  }
0x11: {  	s16 =	simm.s32 @p1 $0x0;
	p1 =	sgt.s32 s18, $0xD7  }
0x12: {  	s18 =	smov.u32 @p1 s2;
	p1 =	sne.s32 s13, s7  }
.Ltmp1:
0x13: {  	p0 =	slt.u32 s13, $0x2;
	(pc) =	sbr.rel @!p1 .LBB1_10-.Ltmp1, $4  }
0x14: {  	s17 =	simm.s32 @!p0 $0x2  }
0x15: {  	s15 =	smov.u32 s12;
	s10 =	sadd.s32 $0x4000, s10;
	_ =	swait.ge @!p0 [sflag:s17], $0x4000  }
0x16: {  	s14 =	smov.u32 s11;
	[sflag:s17] =	ssyncset.done @!p0 $0x0;
	s11 =	smov.u32 s16  }
0x17: {  	s13 =	sadd.s32 $0x1, s13;
	[sflag:s17] =	ssyncadd.s32 @!p0 $0xFFFFC000;
	s12 =	smov.u32 s18  }
.LBB1_1:
0x18: {  	p0 =	sge.u32 s13, s5  }
0x19: {  	s17 =	smul.u32 @!p0 $0xC400, s12  }
0x1a: {  	s31 =	sadd.s32 $0xFFFFFFFF, s13;
	s16 =	sxor.u32 @!p0 $0xFFFFFFFF, s13;
	s18 =	sshll.u32 @!p0 s11, $0x7  }
0x1b: {  	s19 =	simm.s32 @!p0 $0x62000;
	s16 =	sshll.u32 @!p0 s16, $0xE;
	s17 =	sadd.s32 @!p0 s3, s17  }
0x1c: {  	s16 =	sand.u32 @!p0 $0x4000, s16;
	s17 =	sadd.s32 @!p0 s18, s17;
	s18 =	simm.s32 @!p0 $0x2000  }
0x1d: {  	[tilespmem:s16], [sflag:$0x1] =	stream.strided.gather @!p0 [hbm4b:s17+s18], $0x4000, s19, s18, $0x38;
	[tilespmem:$0x10000] =	vst v63  }
0x1e: {  	p0 =	sge.u32 s31, s5  }
.Ltmp2:
0x1f: {  	_ = 	snop;
	(pc) =	sbr.rel @p0 .LBB1_9-.Ltmp2, $1  }
0x20: {  	_ =	sdelay $0x3  }
0x21: {  	s16 =	sshll.u32 s10, $0x2  }
0x22: {  	_ =	swait.ge [sflag:s4], $0x4000;
	s17 =	sshll.u32 s13, $0xE;
	s19 =	simm.s32 $0x0  }
0x23: {  	p1 =	por $0x1, $0x1;
	s16 =	sand.u32 $0x10000, s16;
	[sflag:s4] =	ssyncset.done $0x0  }
0x24: {  	s17 =	sand.u32 $0x4000, s17;
	s18 =	sshrl.u32 s16, $0x2;
	[sflag:s4] =	ssyncadd.s32 $0xFFFFC000  }
0x25: {  	s16 =	sor.u32 $0x8000, s17;
	s17 =	sadd.s32 $0x8040, s18;
	s18 =	sadd.s32 $0x40, s18  }
.LBB1_3:
0x26: {  	s19 =	sshll.u32 s19, $0x2  }
0x27: {  	p0 =	por p1, p1;
	s20 =	sshra.s32 s19, $0x2  }
0x28: {  	s21 =	simm.s32 $0x0;
	s19 =	sadd.s32 s20, s17;
	s20 =	sadd.s32 s20, s18  }
.LBB1_4:
0x29: {  	v0 =	vmov s20;
	_ =	sdelay $0x3  }
0x2a: {  	s23 =	simm.s32 $0x0  }
0x2b: {  	v6 =	vld.idx.msk [tilespmem:v0+s23+$0x30 ss:$0x1], $0xffff  }
0x2c: {  	v7 =	vld.idx.msk [tilespmem:v0+s23+$0xFFFFFFC0 ss:$0x1], $0xffff  }
0x2d: {  	v5 =	vld.idx.msk [tilespmem:v0+s23+$0xFFFFFFD0 ss:$0x1], $0xffff  }
0x2e: {  	v4 =	vld.idx.msk [tilespmem:v0+s23+$0xFFFFFFE0 ss:$0x1], $0xffff  }
0x2f: {  	v3 =	vld.idx.msk [tilespmem:v0+s23+$0xFFFFFFF0 ss:$0x1], $0xffff  }
0x30: {  	v1 =	vld.idx.msk [tilespmem:v0+s23+$0x0 ss:$0x1], $0xffff  }
0x31: {  	v2 =	vld.idx.msk [tilespmem:v0+s23+$0x10 ss:$0x1], $0xffff;
	[tilespmem:s19+$0x30] =	vst v6  }
0x32: {  	s22 =	simm.s32 $0x80;
	s24 =	simm.s32 $0x400;
	[tilespmem:s19+$0xFFFFFFC0] =	vst v7;
	v6 =	vld.idx.msk [tilespmem:v0+s23+$0x20 ss:$0x1], $0xffff;
	s23 =	smov.u32 s19  }
.LBB1_5:
0x33: {  	p1 =	sne.s32 s24, $0xE00;
	v7 =	vld.idx.msk [tilespmem:v0+s22+$0x30 ss:$0x1], $0xffff;
	[tilespmem:s23+$0xFFFFFFD0] =	vst v5  }
0x34: {  	v8 =	vld.idx.msk [tilespmem:v0+s22+$0xFFFFFFC0 ss:$0x1], $0xffff;
	[tilespmem:s23+$0xFFFFFFE0] =	vst v4  }
0x35: {  	v5 =	vld.idx.msk [tilespmem:v0+s22+$0xFFFFFFD0 ss:$0x1], $0xffff;
	[tilespmem:s23+$0xFFFFFFF0] =	vst v3  }
.Ltmp3:
0x36: {  	v4 =	vld.idx.msk [tilespmem:v0+s22+$0xFFFFFFE0 ss:$0x1], $0xffff;
	[tilespmem:s23+$0x0] =	vst v1;
	(pc) =	sbr.rel @p1 .LBB1_5-.Ltmp3, $4  }
0x37: {  	v3 =	vld.idx.msk [tilespmem:v0+s22+$0xFFFFFFF0 ss:$0x1], $0xffff;
	[tilespmem:s23+$0x10] =	vst v2  }
0x38: {  	v1 =	vld.idx.msk [tilespmem:v0+s22+$0x0 ss:$0x1], $0xffff;
	[tilespmem:s23+$0x20] =	vst v6;
	s23 =	sadd.s32 $0x400, s23  }
0x39: {  	v2 =	vld.idx.msk [tilespmem:v0+s22+$0x10 ss:$0x1], $0xffff;
	[tilespmem:s23+$0x30] =	vst v7  }
0x3a: {  	[tilespmem:s23+$0xFFFFFFC0] =	vst v8;
	v6 =	vld.idx.msk [tilespmem:v0+s22+$0x20 ss:$0x1], $0xffff;
	s22 =	sshra.s32 s24, $0x2;
	s24 =	sadd.s32 $0x200, s24  }
0x3b: {  	_ =	sdelay $0x2  }
0x3c: {  	[tilespmem:s23+$0xFFFFFFD0] =	vst v5  }
0x3d: {  	v56 =	vld.idx.msk [tilespmem:v0+s22+$0x30 ss:$0x1], $0xffff;
	[tilespmem:s23+$0xFFFFFFE0] =	vst v4  }
0x3e: {  	v57 =	vld.idx.msk [tilespmem:v0+s22+$0xFFFFFFC0 ss:$0x1], $0xffff;
	[tilespmem:s23+$0xFFFFFFF0] =	vst v3  }
0x3f: {  	v58 =	vld.idx.msk [tilespmem:v0+s22+$0xFFFFFFD0 ss:$0x1], $0xffff;
	[tilespmem:s23+$0x0] =	vst v1  }
0x40: {  	v59 =	vld.idx.msk [tilespmem:v0+s22+$0xFFFFFFE0 ss:$0x1], $0xffff;
	[tilespmem:s23+$0x10] =	vst v2  }
0x41: {  	v60 =	vld.idx.msk [tilespmem:v0+s22+$0xFFFFFFF0 ss:$0x1], $0xffff;
	s31 =	sadd.s32 $0x400, s23;
	[tilespmem:s23+$0x20] =	vst v6  }
0x42: {  	v61 =	vld.idx.msk [tilespmem:v0+s22+$0x0 ss:$0x1], $0xffff;
	[tilespmem:s31+$0x30] =	vst v56  }
0x43: {  	v62 =	vld.idx.msk [tilespmem:v0+s22+$0x10 ss:$0x1], $0xffff;
	s21 =	sadd.s32 $0x1, s21;
	[tilespmem:s31+$0xFFFFFFC0] =	vst v57  }
0x44: {  	v63 =	vld.idx.msk [tilespmem:v0+s22+$0x20 ss:$0x1], $0xffff;
	p1 =	sne.s32 s21, $0x8;
	[tilespmem:s31+$0xFFFFFFD0] =	vst v58  }
.Ltmp4:
0x45: {  	[tilespmem:s31+$0xFFFFFFE0] =	vst v59;
	(pc) =	sbr.rel @p1 .LBB1_4-.Ltmp4, $4  }
0x46: {  	[tilespmem:s31+$0xFFFFFFF0] =	vst v60  }
0x47: {  	[tilespmem:s31+$0x0] =	vst v61  }
0x48: {  	[tilespmem:s31+$0x10] =	vst v62  }
0x49: {  	s19 =	sadd.s32 $0x80, s19;
	s20 =	sadd.s32 $0x400, s20;
	[tilespmem:s31+$0x20] =	vst v63  }
.Ltmp5:
0x4a: {  	(pc) =	sbr.rel @p0 .LBB1_3-.Ltmp5, $2  }
0x4b: {  	_ =	sdelay $0x2  }
0x4c: {  	s19 =	simm.s32 $0x2000;
	p1 =	por $0x0, $0x0  }
0x4d: {  	s14 =	sand.u32 $0x1FFFFFF, s14  }
0x4e: {  	s17 =	smulhi.u32 $0x14E5E0B, s14;
	_ =	sdelay $0x1  }
0x4f: {  	s15 =	smul.u32 $0xC400, s15;
	s17 =	sshrl.u32 s17, $0x1  }
0x50: {  	s17 =	smul.u32 $0x188, s17  }
.Ltmp6:
0x51: {  	_ = 	snop;
	(pc) =	sbr.rel .LBB1_9-.Ltmp6, $4  }
0x52: {  	s14 =	ssub.s32 s14, s17  }
0x53: {  	s15 =	sadd.s32 s6, s15;
	s14 =	sshll.u32 s14, $0x4  }
0x54: {  	s14 =	sadd.s32 s14, s15  }
0x55: {  	[hbm4b:s14+s8] =	stream.strided.scatter [tilespmem:s16], [sflag:$0x2], $0x4000, s9, s8, $0x38;
	[tilespmem:$0x10000] =	vst v63  }
.LBB1_10:
0x56: {  	_ =	sfence.sel $0x180000  }
0x57: {  	s2 =	simm.s32 $0x1;
	[bflag:$0x0] =	sbarrier.arrive $0xFFFF  }
0x58: {  	s31 =	simm.s32 $0x2;
	[sflag:s2] =	ssyncpa.u1 $0x1  }
0x59: {  	[sflag:s31] =	ssyncpa.u1 $0x1  }
0x5a: {  	p0 =	sne.s32 s0, $0x0;
	_ =	strace $0x90000047  }
0x5b: {  	s0 =	sadd.s32 @!p0 $0x100000, s1;
	[bflag:$0x2] =	sbarrier.arrive $0xFFFF  }
0x5c: {  	[sflag:s0] =	ssyncadd.tile.s32 @!p0 $0x1;
	_ =	shalt  }
.Lfunc_end1:
_tile_overlayer_lowered:
.L_overlay_start_2:
0x5d: {  	(tag) =	ssettag $0x2  }
0x5e: {  	s0 =	rddreg [dreg:$0x0];
	s2 =	stileid.u32  }
0x5f: {  	s1 =	rddreg [dreg:$0x1];
	p0 =	sne.s32 s2, $0x0  }
0x60: {  	s3 =	rddreg [dreg:$0x2];
	[bflag:$0x3] =	sbarrier.arrive $0xFFFF;
	s2 =	simm.s32 @!p0 $0x1C01  }
0x61: {  	[timem:s3], [sflag:s2] =	dma.local @!p0 [hbm:s0], s1  }
0x62: {  	s0 =	simm.s32 @!p0 $0x1  }
0x63: {  	_ =	swait.ge @!p0 [sflag:s0], s1  }
0x64: {  	s1 =	ssub.s32 @!p0 $0x0, s1;
	[sflag:s0] =	ssyncset.done @!p0 $0x0  }
0x65: {  	[sflag:s0] =	ssyncadd.s32 @!p0 s1  }
0x66: {  	[bflag:$0x3] =	sbarrier.arrive $0xFFFF  }
0x67: {  	_ =	shalt  }

</sc_bundles>
